<compile_context>
chip_gen: v7x
topology: tpu7x:2x2x1
jax: 0.10.2.dev20260603
libtpu: 0.0.44.dev20260713+nightly
codegen_flags: <defaults>
</compile_context>

<pallas_src>
import jax
import jax.numpy as jnp
from jax import lax
from jax.experimental import pallas as pl
from jax.experimental.pallas import tpu as pltpu
from jax.experimental.pallas import tpu_sc as plsc

N = 10000
NP = 10240
E = 320000
EP = 327680
G = 64
F = 128
NC, NS = 2, 16
NW = NC * NS
K = 128
NB = 2
EPT = EP // NW
NCH = EPT // K
RPT = NP // NS
SRC_PAD = 10232
DST_PAD = 10239

_MESH = plsc.VectorSubcoreMesh(core_axis_name="c", subcore_axis_name="s")



def _deg_body(dst_hbm, out_hbm, idx_v, hist_v):
    c = lax.axis_index("c")
    s = lax.axis_index("s")
    w = c * NS + s
    pltpu.sync_copy(dst_hbm.at[w], idx_v)

    def zero(i, _):
        hist_v[pl.ds(i * 16, 16)] = jnp.zeros((16,), jnp.float32)
        return 0
    lax.fori_loop(0, NP // 16, zero, 0)

    def add(i, _):
        idx = idx_v[i, :]
        plsc.addupdate_scatter(hist_v, [idx], jnp.ones((16,), jnp.float32))
        return 0
    lax.fori_loop(0, EPT // 16, add, 0)
    pltpu.sync_copy(hist_v, out_hbm.at[w, 0])


_deg_call = pl.kernel(
    _deg_body, mesh=_MESH,
    out_type=jax.ShapeDtypeStruct((NW, 1, NP), jnp.float32),
    scratch_types=[
        pltpu.VMEM((EPT // 16, 16), jnp.int32),
        pltpu.VMEM((NP,), jnp.float32),
    ],
    compiler_params=pltpu.CompilerParams(needs_layout_passes=False),
)


Q0 = 80
Q1 = 80
QMAX = max(Q0, Q1)
R0 = Q0 // NB
R1 = Q1 // NB
RMAX = max(R0, R1)


def _scatter_body(g_hbm, src0_hbm, dst0_hbm, src1_hbm, dst1_hbm, out_hbm,
                  isrc_v, idst_v, rows_v, acc_sh, isem, gsem, ssem):
    c = lax.axis_index("c")
    s = lax.axis_index("s")
    myrounds = jnp.where(c == 0, R0, R1)

    @pl.when(c == 0)
    def _():
        pltpu.sync_copy(src0_hbm.at[s, pl.ds(0, NB)], isrc_v.at[0])
        pltpu.sync_copy(dst0_hbm.at[s, pl.ds(0, NB)], idst_v.at[0])

    @pl.when(c == 1)
    def _():
        pltpu.sync_copy(src1_hbm.at[s, pl.ds(0, NB)], isrc_v.at[0])
        pltpu.sync_copy(dst1_hbm.at[s, pl.ds(0, NB)], idst_v.at[0])

    def zrow(i, _):
        for jj in range(F // 16):
            rows_v[0, i, pl.ds(jj * 16, 16)] = jnp.zeros((16,), jnp.float32)
        return 0
    lax.fori_loop(0, K, zrow, 0, unroll=4)

    def cp(i, _):
        pltpu.sync_copy(rows_v.at[0], acc_sh.at[pl.ds(s * RPT + i * K, K)])
        return 0
    lax.fori_loop(0, RPT // K, cp, 0)
    plsc.subcore_barrier()

    def rnd(r, _):
        slot = lax.rem(r, 2)
        nslot = 1 - slot

        @pl.when(r + 1 < myrounds)
        def _():
            base = (r + 1) * NB

            @pl.when(c == 0)
            def _():
                pltpu.async_copy(src0_hbm.at[s, pl.ds(base, NB)],
                                 isrc_v.at[nslot], isem)
                pltpu.async_copy(dst0_hbm.at[s, pl.ds(base, NB)],
                                 idst_v.at[nslot], isem)

            @pl.when(c == 1)
            def _():
                pltpu.async_copy(src1_hbm.at[s, pl.ds(base, NB)],
                                 isrc_v.at[nslot], isem)
                pltpu.async_copy(dst1_hbm.at[s, pl.ds(base, NB)],
                                 idst_v.at[nslot], isem)

        @pl.when(r < myrounds)
        def _():
            gd = []
            for b in range(NB):
                gd.append(pltpu.async_copy(
                    g_hbm.at[isrc_v.at[slot, b, 0]], rows_v.at[b], gsem))
            sd = []
            for b in range(NB):
                gd[b].wait()
                sd.append(pltpu.async_copy(
                    rows_v.at[b], acc_sh.at[idst_v.at[slot, b, 0]],
                    ssem, add=True))
            for d in sd:
                d.wait()

        @pl.when(r + 1 < myrounds)
        def _():
            pltpu.make_async_copy(src0_hbm.at[s, pl.ds(0, NB)],
                                  isrc_v.at[nslot], isem).wait()
            pltpu.make_async_copy(dst0_hbm.at[s, pl.ds(0, NB)],
                                  idst_v.at[nslot], isem).wait()
        return 0
    lax.fori_loop(0, RMAX, rnd, 0)
    plsc.subcore_barrier()
    pltpu.sync_copy(acc_sh.at[pl.ds(s * RPT, RPT)],
                    out_hbm.at[c, pl.ds(s * RPT, RPT)])


_scatter_call = pl.kernel(
    _scatter_body, mesh=_MESH,
    out_type=jax.ShapeDtypeStruct((NC, NP, F), jnp.float32),
    scratch_types=[
        pltpu.VMEM((2, NB, 1, K), jnp.int32),
        pltpu.VMEM((2, NB, 1, K), jnp.int32),
        pltpu.VMEM((NB, K, F), jnp.float32),
        pltpu.VMEM_SHARED((NP, F), jnp.float32),
        pltpu.SemaphoreType.DMA,
        pltpu.SemaphoreType.DMA,
        pltpu.SemaphoreType.DMA,
    ],
)



BLK = 1024
GRID = NP // BLK


def _prep_body(x_ref, degp_ref, eye_ref, batch_ref, xcat_ref, w1xt_ref,
               w1ct_ref, g1_ref, dinv_ref):
    deg_row = jnp.sum(degp_ref[...], axis=0) + 1.0
    deg = lax.dot_general(eye_ref[...], deg_row, (((1,), (1,)), ((), ())),
                          preferred_element_type=jnp.float32)
    dinv = lax.rsqrt(deg)
    onehot = (batch_ref[...] ==
              lax.broadcasted_iota(jnp.int32, (BLK, G), 1)).astype(jnp.float32)
    xcw = jnp.dot(xcat_ref[...], w1ct_ref[...],
                  preferred_element_type=jnp.float32)
    hw = (jnp.dot(x_ref[...], w1xt_ref[...],
                  preferred_element_type=jnp.float32)
          + jnp.dot(onehot, xcw, preferred_element_type=jnp.float32))
    g1_ref[...] = dinv * hw
    dinv_ref[...] = dinv


def _prep(x, degp, eye, batch2d, xcat, w1xt, w1ct):
    return pl.pallas_call(
        _prep_body,
        grid=(GRID,),
        in_specs=[
            pl.BlockSpec((BLK, F), lambda i: (i, 0)),
            pl.BlockSpec((NW, 1, BLK), lambda i: (0, 0, i)),
            pl.BlockSpec((BLK, BLK), lambda i: (0, 0)),
            pl.BlockSpec((BLK, 1), lambda i: (i, 0)),
            pl.BlockSpec((G, 8), lambda i: (0, 0)),
            pl.BlockSpec((F, F), lambda i: (0, 0)),
            pl.BlockSpec((8, F), lambda i: (0, 0)),
        ],
        out_specs=[
            pl.BlockSpec((BLK, F), lambda i: (i, 0)),
            pl.BlockSpec((BLK, 1), lambda i: (i, 0)),
        ],
        out_shape=[
            jax.ShapeDtypeStruct((NP, F), jnp.float32),
            jax.ShapeDtypeStruct((NP, 1), jnp.float32),
        ],
    )(x, degp, eye, batch2d, xcat, w1xt, w1ct)


def _comb1_body(p_ref, g1_ref, dinv_ref, b1_ref, w2t_ref, g2_ref):
    dinv = dinv_ref[...]
    h1 = jnp.maximum(
        dinv * (p_ref[0] + p_ref[1] + g1_ref[...]) + b1_ref[...], 0.0)
    g2_ref[...] = dinv * jnp.dot(h1, w2t_ref[...],
                                 preferred_element_type=jnp.float32)


def _comb1(p, g1, dinv, b1, w2t):
    return pl.pallas_call(
        _comb1_body,
        grid=(GRID,),
        in_specs=[
            pl.BlockSpec((NC, BLK, F), lambda i: (0, i, 0)),
            pl.BlockSpec((BLK, F), lambda i: (i, 0)),
            pl.BlockSpec((BLK, 1), lambda i: (i, 0)),
            pl.BlockSpec((1, F), lambda i: (0, 0)),
            pl.BlockSpec((F, F), lambda i: (0, 0)),
        ],
        out_specs=pl.BlockSpec((BLK, F), lambda i: (i, 0)),
        out_shape=jax.ShapeDtypeStruct((NP, F), jnp.float32),
    )(p, g1, dinv, b1, w2t)


def _comb2_body(q_ref, g2_ref, dinv_ref, b2_ref, batch_ref, xs_ref, cnt_ref):
    i = pl.program_id(0)
    dinv = dinv_ref[...]
    h2 = jnp.maximum(
        dinv * (q_ref[0] + q_ref[1] + g2_ref[...]) + b2_ref[...], 0.0)
    onehot = (batch_ref[...] ==
              lax.broadcasted_iota(jnp.int32, (BLK, G), 1)).astype(jnp.float32)
    xs_p = lax.dot_general(onehot, h2, (((0,), (0,)), ((), ())),
                           preferred_element_type=jnp.float32)
    cnt_p = jnp.broadcast_to(jnp.sum(onehot, axis=0)[:, None], (G, F))

    @pl.when(i == 0)
    def _():
        xs_ref[...] = xs_p
        cnt_ref[...] = cnt_p

    @pl.when(i > 0)
    def _():
        xs_ref[...] += xs_p
        cnt_ref[...] += cnt_p


def _comb2(q, g2, dinv, b2, batch2d):
    return pl.pallas_call(
        _comb2_body,
        grid=(GRID,),
        in_specs=[
            pl.BlockSpec((NC, BLK, F), lambda i: (0, i, 0)),
            pl.BlockSpec((BLK, F), lambda i: (i, 0)),
            pl.BlockSpec((BLK, 1), lambda i: (i, 0)),
            pl.BlockSpec((1, F), lambda i: (0, 0)),
            pl.BlockSpec((BLK, 1), lambda i: (i, 0)),
        ],
        out_specs=[
            pl.BlockSpec((G, F), lambda i: (0, 0)),
            pl.BlockSpec((G, F), lambda i: (0, 0)),
        ],
        out_shape=[
            jax.ShapeDtypeStruct((G, F), jnp.float32),
            jax.ShapeDtypeStruct((G, F), jnp.float32),
        ],
        compiler_params=pltpu.CompilerParams(
            dimension_semantics=("arbitrary",)),
    )(q, g2, dinv, b2, batch2d)


def _head_body(xin_ref, xs_ref, cnt_ref, wnt_ref, bn_ref, wlt_ref, bl_ref,
               out_ref):
    xs = xs_ref[...] / jnp.maximum(cnt_ref[...], 1.0)
    z = jnp.maximum(jnp.dot(xs, wnt_ref[...],
                            preferred_element_type=jnp.float32)
                    + bn_ref[...], 0.0)
    out = jnp.dot(z, wlt_ref[...], preferred_element_type=jnp.float32) \
        + bl_ref[...]
    dev = xin_ref[:, 0:1]
    out_ref[...] = dev * (1.0 + out[:, 1:2]) - out[:, 0:1]


def _head(x_in, xs, cnt, wnt, bn, wlt, bl):
    return pl.pallas_call(
        _head_body,
        out_shape=jax.ShapeDtypeStruct((G, 1), jnp.float32),
    )(x_in, xs, cnt, wnt, bn, wlt, bl)



def kernel(x_in, x, edge_index, batch, conv1_weight, conv1_bias,
           conv2_weight, conv2_bias, nnl_weight, nnl_bias,
           linX_weight, linX_bias):
    src_flat = jnp.concatenate([
        edge_index[0].astype(jnp.int32),
        jnp.full((EP - E,), SRC_PAD, jnp.int32)])
    dst_flat = jnp.concatenate([
        edge_index[1].astype(jnp.int32),
        jnp.full((EP - E,), DST_PAD, jnp.int32)])
    n0 = NS * Q0 * K
    src0 = src_flat[:n0].reshape(NS, Q0, 1, K)
    dst0 = dst_flat[:n0].reshape(NS, Q0, 1, K)
    src1 = src_flat[n0:].reshape(NS, Q1, 1, K)
    dst1 = dst_flat[n0:].reshape(NS, Q1, 1, K)
    dst_d = dst_flat.reshape(NW, EPT // 16, 16)
    batch2d = jnp.pad(batch.astype(jnp.int32).reshape(N, 1),
                      ((0, NP - N), (0, 0)), constant_values=G)
    x_pad = jnp.pad(x, ((0, NP - N), (0, 0)))

    w1xt = conv1_weight[:, :F].T
    w1ct = conv1_weight[:, F:].T
    w2t = conv2_weight.T
    wnt = nnl_weight.T
    wlt = linX_weight.T
    b1 = conv1_bias.reshape(1, F)
    b2 = conv2_bias.reshape(1, F)
    bn = nnl_bias.reshape(1, F)
    bl = linX_bias.reshape(1, 2)
    xcat = x_in[:, 1:9]

    eye = jnp.eye(BLK, dtype=jnp.float32)
    degp = _deg_call(dst_d)
    g1, dinv = _prep(x_pad, degp, eye, batch2d, xcat, w1xt, w1ct)
    p = _scatter_call(g1, src0, dst0, src1, dst1)
    g2 = _comb1(p, g1, dinv, b1, w2t)
    q = _scatter_call(g2, src0, dst0, src1, dst1)
    xs, cnt = _comb2(q, g2, dinv, b2, batch2d)
    return _head(x_in, xs, cnt, wnt, bn, wlt, bl)

# --- scband reference (transcript-rebuilt; emitter-appended) ---
"""Pipeline reference for scband-eyring-edge-pool-graph-induce-28647431864514 (READ-ONLY COPY).

The authoritative reference and input builder live on the scoring server;
editing this copy changes nothing except your own understanding.
"""

import jax, jax.numpy as jnp
import numpy as np

N_NODES = 10000
N_EDGES = 320000
NUM_GRAPHS = 64
NUM_FEATURES = 128
IN_CH = NUM_FEATURES + 8
GRAPH_HIDDEN = 128
NET_HIDDEN = 128


def setup_inputs(seed: int = 0) -> dict:
    key = jax.random.key(seed)
    ks = jax.random.split(key, 12)
    inp = {}
    inp["x_in"] = jax.random.normal(ks[0], (NUM_GRAPHS, 9), dtype=jnp.float32)
    inp["x"] = jax.random.normal(ks[1], (N_NODES, NUM_FEATURES), dtype=jnp.float32)
    inp["edge_index"] = jax.random.randint(ks[2], (2, N_EDGES), 0, N_NODES)
    inp["batch"] = jnp.sort(jax.random.randint(ks[3], (N_NODES,), 0, NUM_GRAPHS))
    # learned params (torch Linear convention: weight is [out, in])
    inp["conv1_weight"] = jax.random.normal(ks[4], (GRAPH_HIDDEN, IN_CH), dtype=jnp.float32) / np.sqrt(IN_CH)
    inp["conv1_bias"] = jax.random.normal(ks[5], (GRAPH_HIDDEN,), dtype=jnp.float32) * 0.01
    inp["conv2_weight"] = jax.random.normal(ks[6], (GRAPH_HIDDEN, GRAPH_HIDDEN), dtype=jnp.float32) / np.sqrt(GRAPH_HIDDEN)
    inp["conv2_bias"] = jax.random.normal(ks[7], (GRAPH_HIDDEN,), dtype=jnp.float32) * 0.01
    inp["nnl_weight"] = jax.random.normal(ks[8], (NET_HIDDEN, GRAPH_HIDDEN), dtype=jnp.float32) / np.sqrt(GRAPH_HIDDEN)
    inp["nnl_bias"] = jax.random.normal(ks[9], (NET_HIDDEN,), dtype=jnp.float32) * 0.01
    inp["linX_weight"] = jax.random.normal(ks[10], (2, NET_HIDDEN), dtype=jnp.float32) / np.sqrt(NET_HIDDEN)
    inp["linX_bias"] = jax.random.normal(ks[11], (2,), dtype=jnp.float32) * 0.01
    return inp


def gcn_conv(h, edge_index, weight, bias):
    # GCNConv (add_self_loops=True, improved=False, aggr='add')
    n = h.shape[0]
    hw = h @ weight.T
    src = edge_index[0]
    dst = edge_index[1]
    loop = jnp.arange(n, dtype=src.dtype)
    src_f = jnp.concatenate([src, loop])
    dst_f = jnp.concatenate([dst, loop])
    ones = jnp.ones(src_f.shape, dtype=h.dtype)
    deg = jax.ops.segment_sum(ones, dst_f, num_segments=n)
    dinv = jnp.where(deg > 0, jax.lax.rsqrt(deg), 0.0)
    norm = dinv[src_f] * dinv[dst_f]
    out = jax.ops.segment_sum(hw[src_f] * norm[:, None], dst_f, num_segments=n)
    return out + bias


def global_mean_pool(h, batch, num_graphs):
    s = jax.ops.segment_sum(h, batch, num_segments=num_graphs)
    cnt = jax.ops.segment_sum(jnp.ones((h.shape[0],), h.dtype), batch, num_segments=num_graphs)
    return s / jnp.maximum(cnt, 1.0)[:, None]


def reference(x_in, x, edge_index, batch, conv1_weight, conv1_bias, conv2_weight, conv2_bias, nnl_weight, nnl_bias, linX_weight, linX_bias):
    dEv = x_in[:, 0:1]
    x_cat = x_in[:, 1:9]
    h = jnp.concatenate([x, x_cat[batch]], axis=1)
    h = jax.nn.relu(gcn_conv(h, edge_index, conv1_weight, conv1_bias))
    # convs[0] (i=0), followed by readout (i % readout_freq == 0 and i < len(convs)-1)
    h = jax.nn.relu(gcn_conv(h, edge_index, conv2_weight, conv2_bias))
    xs = global_mean_pool(h, batch, NUM_GRAPHS)
    # NOTE: with graph_layers=3 the EdgePooling step and convs[1] output are
    # overwritten by x = self.jump(xs) in the original forward (dead code),
    # so the output is exactly JumpingKnowledge('cat') of the single readout.
    z = jax.nn.relu(xs @ nnl_weight.T + nnl_bias)
    # F.dropout(p=0.1, training=False) -> identity in eval mode
    out = z @ linX_weight.T + linX_bias
    a0 = out[:, 0:1]
    n_coef = 1.0 + out[:, 1:2]
    log_eta = dEv * n_coef - a0
    return log_eta

if __name__ == "__main__":
    import jax
    _d = setup_inputs()
    print(jax.jit(kernel)(*tuple(_d.values())))

</pallas_src>

<mosaic_0001>
#map = affine_map<(d0, d1) -> (0, 0, 0)>
module attributes {stable_mosaic.version = 14 : i64} {
  func.func @_deg_body(%arg0: i32, %arg1: i32, %arg2: memref<32x640x16xi32, #tpu.memory_space<hbm>>, %arg3: memref<32x1x10240xf32, #tpu.memory_space<hbm>>, %arg4: memref<640x16xi32, #tpu.memory_space<vmem>>, %arg5: memref<10240xf32, #tpu.memory_space<vmem>>) attributes {dimension_semantics = [#tpu.dimension_semantics<core_parallel>, #tpu.dimension_semantics<subcore_parallel>], iteration_bounds = array<i64: 2, 16>, scalar_prefetch = 0 : i64, scratch_operands = 2 : i64, tpu.core_type = #tpu.core_type<sc_vector_subcore>, window_params = [{transform_indices = #map}, {transform_indices = #map}]} {
    %mul3A = arith.constant 16 : i32
    %mul3A_0 = arith.muli %arg0, %mul3A : i32
    %add3A = arith.addi %mul3A_0, %arg1 : i32
    "tpu.region"() ({
      %run_scoped3A_14 = tpu.sem_alloc : memref<!tpu.dma_semaphore, #tpu.memory_space<semaphore_mem>>
      %dma_start3A = arith.constant 0 : i32
      %dma_start3A_15 = arith.constant 0 : i32
      %dma_start3A_16 = tpu.memref_slice %arg2[%add3A, %dma_start3A, %dma_start3A_15] : memref<32x640x16xi32, #tpu.memory_space<hbm>> -> memref<1x640x16xi32, #tpu.memory_space<hbm>>
      %dma_start3A_17 = tpu.memref_squeeze %dma_start3A_16 : memref<1x640x16xi32, #tpu.memory_space<hbm>> -> memref<640x16xi32, #tpu.memory_space<hbm>>
      %dma_start3A_18 = arith.constant 0 : i32
      %dma_start3A_19 = arith.constant 0 : i32
      %dma_start3A_20 = tpu.memref_slice %arg2[%add3A, %dma_start3A_18, %dma_start3A_19] : memref<32x640x16xi32, #tpu.memory_space<hbm>> -> memref<1x640x16xi32, #tpu.memory_space<hbm>>
      %dma_start3A_21 = tpu.memref_squeeze %dma_start3A_20 : memref<1x640x16xi32, #tpu.memory_space<hbm>> -> memref<640x16xi32, #tpu.memory_space<hbm>>
      tpu.enqueue_dma source(%dma_start3A_21 : memref<640x16xi32, #tpu.memory_space<hbm>>) target(%arg4 : memref<640x16xi32, #tpu.memory_space<vmem>>) target_semaphore(%run_scoped3A_14 : memref<!tpu.dma_semaphore, #tpu.memory_space<semaphore_mem>>)
      %dma_wait3A = arith.constant 0 : i32
      %dma_wait3A_22 = arith.constant 0 : i32
      %dma_wait3A_23 = tpu.memref_slice %arg2[%add3A, %dma_wait3A, %dma_wait3A_22] : memref<32x640x16xi32, #tpu.memory_space<hbm>> -> memref<1x640x16xi32, #tpu.memory_space<hbm>>
      %dma_wait3A_24 = tpu.memref_squeeze %dma_wait3A_23 : memref<1x640x16xi32, #tpu.memory_space<hbm>> -> memref<640x16xi32, #tpu.memory_space<hbm>>
      %dma_wait3A_25 = arith.constant 0 : i32
      %dma_wait3A_26 = arith.constant 0 : i32
      %dma_wait3A_27 = tpu.memref_slice %arg2[%add3A, %dma_wait3A_25, %dma_wait3A_26] : memref<32x640x16xi32, #tpu.memory_space<hbm>> -> memref<1x640x16xi32, #tpu.memory_space<hbm>>
      %dma_wait3A_28 = tpu.memref_squeeze %dma_wait3A_27 : memref<1x640x16xi32, #tpu.memory_space<hbm>> -> memref<640x16xi32, #tpu.memory_space<hbm>>
      tpu.wait_dma2 semaphore(%run_scoped3A_14 : memref<!tpu.dma_semaphore, #tpu.memory_space<semaphore_mem>>) src(%dma_wait3A_28 : memref<640x16xi32, #tpu.memory_space<hbm>>) dst(%arg4 : memref<640x16xi32, #tpu.memory_space<vmem>>)
      tpu.yield
    }) : () -> ()
    %scan3A = arith.constant 0 : i32
    %scan3A_1 = arith.constant 0 : i32
    %scan3A_2 = arith.constant 640 : i32
    %scan3A_3 = arith.addi %scan3A_1, %scan3A_2 : i32
    %scan3A_4 = arith.constant 1 : i32
    %scan3A_5 = scf.for %scan3A_14 = %scan3A_1 to %scan3A_3 step %scan3A_4 iter_args(%scan3A_15 = %scan3A) -> (i32)  : i32 {
      %broadcast_in_dim3A = arith.constant 0.000000e+00 : f32
      %broadcast_in_dim3A_16 = vector.broadcast %broadcast_in_dim3A : f32 to vector<16xf32>
      %mul3A_17 = arith.constant 16 : i32
      %mul3A_18 = arith.muli %scan3A_14, %mul3A_17 : i32
      %swap3A = arith.index_cast %mul3A_18 : i32 to index
      %swap3A_19 = tpu.vector_load %arg5[%swap3A] {strides = array<i32>} : memref<10240xf32, #tpu.memory_space<vmem>>, vector<16xf32>,
      tpu.vector_store %arg5[%swap3A], %broadcast_in_dim3A_16 {strides = array<i32>} : memref<10240xf32, #tpu.memory_space<vmem>>, vector<16xf32>,
      %scan3A_20 = arith.constant 0 : i32
      scf.yield %scan3A_20 : i32
    }
    %scan3A_6 = arith.constant 640 : i32
    %scan3A_7 = arith.constant 0 : i32
    %scan3A_8 = arith.constant 0 : i32
    %scan3A_9 = arith.constant 640 : i32
    %scan3A_10 = arith.addi %scan3A_8, %scan3A_9 : i32
    %scan3A_11 = arith.constant 1 : i32
    %scan3A_12 = scf.for %scan3A_14 = %scan3A_8 to %scan3A_10 step %scan3A_11 iter_args(%scan3A_15 = %scan3A_7) -> (i32)  : i32 {
      %get3A = arith.index_cast %scan3A_14 : i32 to index
      %get3A_16 = arith.constant 0 : index
      %get3A_17 = tpu.vector_load %arg4[%get3A, %get3A_16] {strides = array<i32>} : memref<640x16xi32, #tpu.memory_space<vmem>>, vector<16xi32>,
      %broadcast_in_dim3A = arith.constant 1.000000e+00 : f32
      %broadcast_in_dim3A_18 = vector.broadcast %broadcast_in_dim3A : f32 to vector<16xf32>
      tpu.vector_store_idx %arg5[%get3A_17], %broadcast_in_dim3A_18 {add = true} : memref<10240xf32, #tpu.memory_space<vmem>>[vector<16xi32>], vector<16xf32>,
      %scan3A_19 = arith.constant 0 : i32
      scf.yield %scan3A_19 : i32
    }
    %scan3A_13 = arith.constant 640 : i32
    %run_scoped3A = arith.constant 0 : i32
    "tpu.region"() ({
      %run_scoped3A_14 = tpu.sem_alloc : memref<!tpu.dma_semaphore, #tpu.memory_space<semaphore_mem>>
      %dma_start3A = arith.constant 0 : i32
      %dma_start3A_15 = tpu.memref_slice %arg3[%add3A, %run_scoped3A, %dma_start3A] : memref<32x1x10240xf32, #tpu.memory_space<hbm>> -> memref<1x1x10240xf32, #tpu.memory_space<hbm>>
      %dma_start3A_16 = tpu.memref_squeeze %dma_start3A_15 : memref<1x1x10240xf32, #tpu.memory_space<hbm>> -> memref<10240xf32, #tpu.memory_space<hbm>>
      %dma_start3A_17 = arith.constant 0 : i32
      %dma_start3A_18 = tpu.memref_slice %arg3[%add3A, %run_scoped3A, %dma_start3A_17] : memref<32x1x10240xf32, #tpu.memory_space<hbm>> -> memref<1x1x10240xf32, #tpu.memory_space<hbm>>
      %dma_start3A_19 = tpu.memref_squeeze %dma_start3A_18 : memref<1x1x10240xf32, #tpu.memory_space<hbm>> -> memref<10240xf32, #tpu.memory_space<hbm>>
      tpu.enqueue_dma source(%arg5 : memref<10240xf32, #tpu.memory_space<vmem>>) target(%dma_start3A_19 : memref<10240xf32, #tpu.memory_space<hbm>>) target_semaphore(%run_scoped3A_14 : memref<!tpu.dma_semaphore, #tpu.memory_space<semaphore_mem>>)
      %dma_wait3A = arith.constant 0 : i32
      %dma_wait3A_20 = tpu.memref_slice %arg3[%add3A, %run_scoped3A, %dma_wait3A] : memref<32x1x10240xf32, #tpu.memory_space<hbm>> -> memref<1x1x10240xf32, #tpu.memory_space<hbm>>
      %dma_wait3A_21 = tpu.memref_squeeze %dma_wait3A_20 : memref<1x1x10240xf32, #tpu.memory_space<hbm>> -> memref<10240xf32, #tpu.memory_space<hbm>>
      %dma_wait3A_22 = arith.constant 0 : i32
      %dma_wait3A_23 = tpu.memref_slice %arg3[%add3A, %run_scoped3A, %dma_wait3A_22] : memref<32x1x10240xf32, #tpu.memory_space<hbm>> -> memref<1x1x10240xf32, #tpu.memory_space<hbm>>
      %dma_wait3A_24 = tpu.memref_squeeze %dma_wait3A_23 : memref<1x1x10240xf32, #tpu.memory_space<hbm>> -> memref<10240xf32, #tpu.memory_space<hbm>>
      tpu.wait_dma2 semaphore(%run_scoped3A_14 : memref<!tpu.dma_semaphore, #tpu.memory_space<semaphore_mem>>) src(%arg5 : memref<10240xf32, #tpu.memory_space<vmem>>) dst(%dma_wait3A_24 : memref<10240xf32, #tpu.memory_space<hbm>>)
      tpu.yield
    }) : () -> ()
    return
  }
}

#map = affine_map<(d0, d1) -> (0, 0)>
#map1 = affine_map<(d0, d1) -> (0, 0, 0, 0)>
#map2 = affine_map<(d0, d1) -> (0, 0, 0)>
module attributes {stable_mosaic.version = 14 : i64} {
  func.func @_scatter_body(%arg0: i32, %arg1: i32, %arg2: memref<10240x128xf32, #tpu.memory_space<hbm>>, %arg3: memref<16x80x1x128xi32, #tpu.memory_space<hbm>>, %arg4: memref<16x80x1x128xi32, #tpu.memory_space<hbm>>, %arg5: memref<16x80x1x128xi32, #tpu.memory_space<hbm>>, %arg6: memref<16x80x1x128xi32, #tpu.memory_space<hbm>>, %arg7: memref<2x10240x128xf32, #tpu.memory_space<hbm>>, %arg8: memref<2x2x1x128xi32, #tpu.memory_space<vmem>>, %arg9: memref<2x2x1x128xi32, #tpu.memory_space<vmem>>, %arg10: memref<2x128x128xf32, #tpu.memory_space<vmem>>, %arg11: memref<10240x128xf32, #tpu.memory_space<vmem_shared>>, %arg12: memref<!tpu.dma_semaphore, #tpu.memory_space<semaphore_mem>>, %arg13: memref<!tpu.dma_semaphore, #tpu.memory_space<semaphore_mem>>, %arg14: memref<!tpu.dma_semaphore, #tpu.memory_space<semaphore_mem>>) attributes {dimension_semantics = [#tpu.dimension_semantics<core_parallel>, #tpu.dimension_semantics<subcore_parallel>], iteration_bounds = array<i64: 2, 16>, scalar_prefetch = 0 : i64, scratch_operands = 7 : i64, tpu.core_type = #tpu.core_type<sc_vector_subcore>, window_params = [{transform_indices = #map}, {transform_indices = #map1}, {transform_indices = #map1}, {transform_indices = #map1}, {transform_indices = #map1}, {transform_indices = #map2}]} {
    %eq3A = arith.constant 0 : i32
    %eq3A_0 = arith.cmpi eq, %arg0, %eq3A : i32
    %jit3A = arith.constant 40 : i32
    %jit3A_1 = arith.constant 40 : i32
    %select_n3A = arith.select %eq3A_0, %jit3A, %jit3A_1 : i32
    %eq3A_2 = arith.constant 0 : i32
    %eq3A_3 = arith.cmpi eq, %arg0, %eq3A_2 : i32
    %convert_element_type3A = arith.extui %eq3A_3 : i1 to i32
    %cond3A = arith.constant 0 : i32
    %cond3A_4 = arith.cmpi ne, %convert_element_type3A, %cond3A : i32
    scf.if %cond3A_4 {
      %run_scoped3A = arith.constant 0 : i32
      "tpu.region"() ({
        %run_scoped3A_35 = tpu.sem_alloc : memref<!tpu.dma_semaphore, #tpu.memory_space<semaphore_mem>>
        %dma_start3A = arith.constant 0 : i32
        %dma_start3A_36 = arith.constant 0 : i32
        %dma_start3A_37 = arith.constant 0 : i32
        %dma_start3A_38 = tpu.memref_slice %arg8[%run_scoped3A, %dma_start3A, %dma_start3A_36, %dma_start3A_37] : memref<2x2x1x128xi32, #tpu.memory_space<vmem>> -> memref<1x2x1x128xi32, #tpu.memory_space<vmem>>
        %dma_start3A_39 = tpu.memref_squeeze %dma_start3A_38 : memref<1x2x1x128xi32, #tpu.memory_space<vmem>> -> memref<2x1x128xi32, #tpu.memory_space<vmem>>
        %dma_start3A_40 = arith.constant 0 : i32
        %dma_start3A_41 = arith.constant 0 : i32
        %dma_start3A_42 = arith.constant 0 : i32
        %dma_start3A_43 = tpu.memref_slice %arg3[%arg1, %dma_start3A_40, %dma_start3A_41, %dma_start3A_42] : memref<16x80x1x128xi32, #tpu.memory_space<hbm>> -> memref<1x2x1x128xi32, #tpu.memory_space<hbm>>
        %dma_start3A_44 = tpu.memref_squeeze %dma_start3A_43 : memref<1x2x1x128xi32, #tpu.memory_space<hbm>> -> memref<2x1x128xi32, #tpu.memory_space<hbm>>
        %dma_start3A_45 = arith.constant 0 : i32
        %dma_start3A_46 = arith.constant 0 : i32
        %dma_start3A_47 = arith.constant 0 : i32
        %dma_start3A_48 = tpu.memref_slice %arg8[%run_scoped3A, %dma_start3A_45, %dma_start3A_46, %dma_start3A_47] : memref<2x2x1x128xi32, #tpu.memory_space<vmem>> -> memref<1x2x1x128xi32, #tpu.memory_space<vmem>>
        %dma_start3A_49 = tpu.memref_squeeze %dma_start3A_48 : memref<1x2x1x128xi32, #tpu.memory_space<vmem>> -> memref<2x1x128xi32, #tpu.memory_space<vmem>>
        %dma_start3A_50 = arith.constant 0 : i32
        %dma_start3A_51 = arith.constant 0 : i32
        %dma_start3A_52 = arith.constant 0 : i32
        %dma_start3A_53 = tpu.memref_slice %arg3[%arg1, %dma_start3A_50, %dma_start3A_51, %dma_start3A_52] : memref<16x80x1x128xi32, #tpu.memory_space<hbm>> -> memref<1x2x1x128xi32, #tpu.memory_space<hbm>>
        %dma_start3A_54 = tpu.memref_squeeze %dma_start3A_53 : memref<1x2x1x128xi32, #tpu.memory_space<hbm>> -> memref<2x1x128xi32, #tpu.memory_space<hbm>>
        tpu.enqueue_dma source(%dma_start3A_54 : memref<2x1x128xi32, #tpu.memory_space<hbm>>) target(%dma_start3A_49 : memref<2x1x128xi32, #tpu.memory_space<vmem>>) target_semaphore(%run_scoped3A_35 : memref<!tpu.dma_semaphore, #tpu.memory_space<semaphore_mem>>)
        %dma_wait3A = arith.constant 0 : i32
        %dma_wait3A_55 = arith.constant 0 : i32
        %dma_wait3A_56 = arith.constant 0 : i32
        %dma_wait3A_57 = tpu.memref_slice %arg8[%run_scoped3A, %dma_wait3A, %dma_wait3A_55, %dma_wait3A_56] : memref<2x2x1x128xi32, #tpu.memory_space<vmem>> -> memref<1x2x1x128xi32, #tpu.memory_space<vmem>>
        %dma_wait3A_58 = tpu.memref_squeeze %dma_wait3A_57 : memref<1x2x1x128xi32, #tpu.memory_space<vmem>> -> memref<2x1x128xi32, #tpu.memory_space<vmem>>
        %dma_wait3A_59 = arith.constant 0 : i32
        %dma_wait3A_60 = arith.constant 0 : i32
        %dma_wait3A_61 = arith.constant 0 : i32
        %dma_wait3A_62 = tpu.memref_slice %arg3[%arg1, %dma_wait3A_59, %dma_wait3A_60, %dma_wait3A_61] : memref<16x80x1x128xi32, #tpu.memory_space<hbm>> -> memref<1x2x1x128xi32, #tpu.memory_space<hbm>>
        %dma_wait3A_63 = tpu.memref_squeeze %dma_wait3A_62 : memref<1x2x1x128xi32, #tpu.memory_space<hbm>> -> memref<2x1x128xi32, #tpu.memory_space<hbm>>
        %dma_wait3A_64 = arith.constant 0 : i32
        %dma_wait3A_65 = arith.constant 0 : i32
        %dma_wait3A_66 = arith.constant 0 : i32
        %dma_wait3A_67 = tpu.memref_slice %arg8[%run_scoped3A, %dma_wait3A_64, %dma_wait3A_65, %dma_wait3A_66] : memref<2x2x1x128xi32, #tpu.memory_space<vmem>> -> memref<1x2x1x128xi32, #tpu.memory_space<vmem>>
        %dma_wait3A_68 = tpu.memref_squeeze %dma_wait3A_67 : memref<1x2x1x128xi32, #tpu.memory_space<vmem>> -> memref<2x1x128xi32, #tpu.memory_space<vmem>>
        %dma_wait3A_69 = arith.constant 0 : i32
        %dma_wait3A_70 = arith.constant 0 : i32
        %dma_wait3A_71 = arith.constant 0 : i32
        %dma_wait3A_72 = tpu.memref_slice %arg3[%arg1, %dma_wait3A_69, %dma_wait3A_70, %dma_wait3A_71] : memref<16x80x1x128xi32, #tpu.memory_space<hbm>> -> memref<1x2x1x128xi32, #tpu.memory_space<hbm>>
        %dma_wait3A_73 = tpu.memref_squeeze %dma_wait3A_72 : memref<1x2x1x128xi32, #tpu.memory_space<hbm>> -> memref<2x1x128xi32, #tpu.memory_space<hbm>>
        tpu.wait_dma2 semaphore(%run_scoped3A_35 : memref<!tpu.dma_semaphore, #tpu.memory_space<semaphore_mem>>) src(%dma_wait3A_73 : memref<2x1x128xi32, #tpu.memory_space<hbm>>) dst(%dma_wait3A_68 : memref<2x1x128xi32, #tpu.memory_space<vmem>>)
        tpu.yield
      }) : () -> ()
      %run_scoped3A_34 = arith.constant 0 : i32
      "tpu.region"() ({
        %run_scoped3A_35 = tpu.sem_alloc : memref<!tpu.dma_semaphore, #tpu.memory_space<semaphore_mem>>
        %dma_start3A = arith.constant 0 : i32
        %dma_start3A_36 = arith.constant 0 : i32
        %dma_start3A_37 = arith.constant 0 : i32
        %dma_start3A_38 = tpu.memref_slice %arg9[%run_scoped3A_34, %dma_start3A, %dma_start3A_36, %dma_start3A_37] : memref<2x2x1x128xi32, #tpu.memory_space<vmem>> -> memref<1x2x1x128xi32, #tpu.memory_space<vmem>>
        %dma_start3A_39 = tpu.memref_squeeze %dma_start3A_38 : memref<1x2x1x128xi32, #tpu.memory_space<vmem>> -> memref<2x1x128xi32, #tpu.memory_space<vmem>>
        %dma_start3A_40 = arith.constant 0 : i32
        %dma_start3A_41 = arith.constant 0 : i32
        %dma_start3A_42 = arith.constant 0 : i32
        %dma_start3A_43 = tpu.memref_slice %arg4[%arg1, %dma_start3A_40, %dma_start3A_41, %dma_start3A_42] : memref<16x80x1x128xi32, #tpu.memory_space<hbm>> -> memref<1x2x1x128xi32, #tpu.memory_space<hbm>>
        %dma_start3A_44 = tpu.memref_squeeze %dma_start3A_43 : memref<1x2x1x128xi32, #tpu.memory_space<hbm>> -> memref<2x1x128xi32, #tpu.memory_space<hbm>>
        %dma_start3A_45 = arith.constant 0 : i32
        %dma_start3A_46 = arith.constant 0 : i32
        %dma_start3A_47 = arith.constant 0 : i32
        %dma_start3A_48 = tpu.memref_slice %arg9[%run_scoped3A_34, %dma_start3A_45, %dma_start3A_46, %dma_start3A_47] : memref<2x2x1x128xi32, #tpu.memory_space<vmem>> -> memref<1x2x1x128xi32, #tpu.memory_space<vmem>>
        %dma_start3A_49 = tpu.memref_squeeze %dma_start3A_48 : memref<1x2x1x128xi32, #tpu.memory_space<vmem>> -> memref<2x1x128xi32, #tpu.memory_space<vmem>>
        %dma_start3A_50 = arith.constant 0 : i32
        %dma_start3A_51 = arith.constant 0 : i32
        %dma_start3A_52 = arith.constant 0 : i32
        %dma_start3A_53 = tpu.memref_slice %arg4[%arg1, %dma_start3A_50, %dma_start3A_51, %dma_start3A_52] : memref<16x80x1x128xi32, #tpu.memory_space<hbm>> -> memref<1x2x1x128xi32, #tpu.memory_space<hbm>>
        %dma_start3A_54 = tpu.memref_squeeze %dma_start3A_53 : memref<1x2x1x128xi32, #tpu.memory_space<hbm>> -> memref<2x1x128xi32, #tpu.memory_space<hbm>>
        tpu.enqueue_dma source(%dma_start3A_54 : memref<2x1x128xi32, #tpu.memory_space<hbm>>) target(%dma_start3A_49 : memref<2x1x128xi32, #tpu.memory_space<vmem>>) target_semaphore(%run_scoped3A_35 : memref<!tpu.dma_semaphore, #tpu.memory_space<semaphore_mem>>)
        %dma_wait3A = arith.constant 0 : i32
        %dma_wait3A_55 = arith.constant 0 : i32
        %dma_wait3A_56 = arith.constant 0 : i32
        %dma_wait3A_57 = tpu.memref_slice %arg9[%run_scoped3A_34, %dma_wait3A, %dma_wait3A_55, %dma_wait3A_56] : memref<2x2x1x128xi32, #tpu.memory_space<vmem>> -> memref<1x2x1x128xi32, #tpu.memory_space<vmem>>
        %dma_wait3A_58 = tpu.memref_squeeze %dma_wait3A_57 : memref<1x2x1x128xi32, #tpu.memory_space<vmem>> -> memref<2x1x128xi32, #tpu.memory_space<vmem>>
        %dma_wait3A_59 = arith.constant 0 : i32
        %dma_wait3A_60 = arith.constant 0 : i32
        %dma_wait3A_61 = arith.constant 0 : i32
        %dma_wait3A_62 = tpu.memref_slice %arg4[%arg1, %dma_wait3A_59, %dma_wait3A_60, %dma_wait3A_61] : memref<16x80x1x128xi32, #tpu.memory_space<hbm>> -> memref<1x2x1x128xi32, #tpu.memory_space<hbm>>
        %dma_wait3A_63 = tpu.memref_squeeze %dma_wait3A_62 : memref<1x2x1x128xi32, #tpu.memory_space<hbm>> -> memref<2x1x128xi32, #tpu.memory_space<hbm>>
        %dma_wait3A_64 = arith.constant 0 : i32
        %dma_wait3A_65 = arith.constant 0 : i32
        %dma_wait3A_66 = arith.constant 0 : i32
        %dma_wait3A_67 = tpu.memref_slice %arg9[%run_scoped3A_34, %dma_wait3A_64, %dma_wait3A_65, %dma_wait3A_66] : memref<2x2x1x128xi32, #tpu.memory_space<vmem>> -> memref<1x2x1x128xi32, #tpu.memory_space<vmem>>
        %dma_wait3A_68 = tpu.memref_squeeze %dma_wait3A_67 : memref<1x2x1x128xi32, #tpu.memory_space<vmem>> -> memref<2x1x128xi32, #tpu.memory_space<vmem>>
        %dma_wait3A_69 = arith.constant 0 : i32
        %dma_wait3A_70 = arith.constant 0 : i32
        %dma_wait3A_71 = arith.constant 0 : i32
        %dma_wait3A_72 = tpu.memref_slice %arg4[%arg1, %dma_wait3A_69, %dma_wait3A_70, %dma_wait3A_71] : memref<16x80x1x128xi32, #tpu.memory_space<hbm>> -> memref<1x2x1x128xi32, #tpu.memory_space<hbm>>
        %dma_wait3A_73 = tpu.memref_squeeze %dma_wait3A_72 : memref<1x2x1x128xi32, #tpu.memory_space<hbm>> -> memref<2x1x128xi32, #tpu.memory_space<hbm>>
        tpu.wait_dma2 semaphore(%run_scoped3A_35 : memref<!tpu.dma_semaphore, #tpu.memory_space<semaphore_mem>>) src(%dma_wait3A_73 : memref<2x1x128xi32, #tpu.memory_space<hbm>>) dst(%dma_wait3A_68 : memref<2x1x128xi32, #tpu.memory_space<vmem>>)
        tpu.yield
      }) : () -> ()
    } else {
    }
    %eq3A_5 = arith.constant 1 : i32
    %eq3A_6 = arith.cmpi eq, %arg0, %eq3A_5 : i32
    %convert_element_type3A_7 = arith.extui %eq3A_6 : i1 to i32
    %cond3A_8 = arith.constant 0 : i32
    %cond3A_9 = arith.cmpi ne, %convert_element_type3A_7, %cond3A_8 : i32
    scf.if %cond3A_9 {
      %run_scoped3A = arith.constant 0 : i32
      "tpu.region"() ({
        %run_scoped3A_35 = tpu.sem_alloc : memref<!tpu.dma_semaphore, #tpu.memory_space<semaphore_mem>>
        %dma_start3A = arith.constant 0 : i32
        %dma_start3A_36 = arith.constant 0 : i32
        %dma_start3A_37 = arith.constant 0 : i32
        %dma_start3A_38 = tpu.memref_slice %arg8[%run_scoped3A, %dma_start3A, %dma_start3A_36, %dma_start3A_37] : memref<2x2x1x128xi32, #tpu.memory_space<vmem>> -> memref<1x2x1x128xi32, #tpu.memory_space<vmem>>
        %dma_start3A_39 = tpu.memref_squeeze %dma_start3A_38 : memref<1x2x1x128xi32, #tpu.memory_space<vmem>> -> memref<2x1x128xi32, #tpu.memory_space<vmem>>
        %dma_start3A_40 = arith.constant 0 : i32
        %dma_start3A_41 = arith.constant 0 : i32
        %dma_start3A_42 = arith.constant 0 : i32
        %dma_start3A_43 = tpu.memref_slice %arg5[%arg1, %dma_start3A_40, %dma_start3A_41, %dma_start3A_42] : memref<16x80x1x128xi32, #tpu.memory_space<hbm>> -> memref<1x2x1x128xi32, #tpu.memory_space<hbm>>
        %dma_start3A_44 = tpu.memref_squeeze %dma_start3A_43 : memref<1x2x1x128xi32, #tpu.memory_space<hbm>> -> memref<2x1x128xi32, #tpu.memory_space<hbm>>
        %dma_start3A_45 = arith.constant 0 : i32
        %dma_start3A_46 = arith.constant 0 : i32
        %dma_start3A_47 = arith.constant 0 : i32
        %dma_start3A_48 = tpu.memref_slice %arg8[%run_scoped3A, %dma_start3A_45, %dma_start3A_46, %dma_start3A_47] : memref<2x2x1x128xi32, #tpu.memory_space<vmem>> -> memref<1x2x1x128xi32, #tpu.memory_space<vmem>>
        %dma_start3A_49 = tpu.memref_squeeze %dma_start3A_48 : memref<1x2x1x128xi32, #tpu.memory_space<vmem>> -> memref<2x1x128xi32, #tpu.memory_space<vmem>>
        %dma_start3A_50 = arith.constant 0 : i32
        %dma_start3A_51 = arith.constant 0 : i32
        %dma_start3A_52 = arith.constant 0 : i32
        %dma_start3A_53 = tpu.memref_slice %arg5[%arg1, %dma_start3A_50, %dma_start3A_51, %dma_start3A_52] : memref<16x80x1x128xi32, #tpu.memory_space<hbm>> -> memref<1x2x1x128xi32, #tpu.memory_space<hbm>>
        %dma_start3A_54 = tpu.memref_squeeze %dma_start3A_53 : memref<1x2x1x128xi32, #tpu.memory_space<hbm>> -> memref<2x1x128xi32, #tpu.memory_space<hbm>>
        tpu.enqueue_dma source(%dma_start3A_54 : memref<2x1x128xi32, #tpu.memory_space<hbm>>) target(%dma_start3A_49 : memref<2x1x128xi32, #tpu.memory_space<vmem>>) target_semaphore(%run_scoped3A_35 : memref<!tpu.dma_semaphore, #tpu.memory_space<semaphore_mem>>)
        %dma_wait3A = arith.constant 0 : i32
        %dma_wait3A_55 = arith.constant 0 : i32
        %dma_wait3A_56 = arith.constant 0 : i32
        %dma_wait3A_57 = tpu.memref_slice %arg8[%run_scoped3A, %dma_wait3A, %dma_wait3A_55, %dma_wait3A_56] : memref<2x2x1x128xi32, #tpu.memory_space<vmem>> -> memref<1x2x1x128xi32, #tpu.memory_space<vmem>>
        %dma_wait3A_58 = tpu.memref_squeeze %dma_wait3A_57 : memref<1x2x1x128xi32, #tpu.memory_space<vmem>> -> memref<2x1x128xi32, #tpu.memory_space<vmem>>
        %dma_wait3A_59 = arith.constant 0 : i32
        %dma_wait3A_60 = arith.constant 0 : i32
        %dma_wait3A_61 = arith.constant 0 : i32
        %dma_wait3A_62 = tpu.memref_slice %arg5[%arg1, %dma_wait3A_59, %dma_wait3A_60, %dma_wait3A_61] : memref<16x80x1x128xi32, #tpu.memory_space<hbm>> -> memref<1x2x1x128xi32, #tpu.memory_space<hbm>>
        %dma_wait3A_63 = tpu.memref_squeeze %dma_wait3A_62 : memref<1x2x1x128xi32, #tpu.memory_space<hbm>> -> memref<2x1x128xi32, #tpu.memory_space<hbm>>
        %dma_wait3A_64 = arith.constant 0 : i32
        %dma_wait3A_65 = arith.constant 0 : i32
        %dma_wait3A_66 = arith.constant 0 : i32
        %dma_wait3A_67 = tpu.memref_slice %arg8[%run_scoped3A, %dma_wait3A_64, %dma_wait3A_65, %dma_wait3A_66] : memref<2x2x1x128xi32, #tpu.memory_space<vmem>> -> memref<1x2x1x128xi32, #tpu.memory_space<vmem>>
        %dma_wait3A_68 = tpu.memref_squeeze %dma_wait3A_67 : memref<1x2x1x128xi32, #tpu.memory_space<vmem>> -> memref<2x1x128xi32, #tpu.memory_space<vmem>>
        %dma_wait3A_69 = arith.constant 0 : i32
        %dma_wait3A_70 = arith.constant 0 : i32
        %dma_wait3A_71 = arith.constant 0 : i32
        %dma_wait3A_72 = tpu.memref_slice %arg5[%arg1, %dma_wait3A_69, %dma_wait3A_70, %dma_wait3A_71] : memref<16x80x1x128xi32, #tpu.memory_space<hbm>> -> memref<1x2x1x128xi32, #tpu.memory_space<hbm>>
        %dma_wait3A_73 = tpu.memref_squeeze %dma_wait3A_72 : memref<1x2x1x128xi32, #tpu.memory_space<hbm>> -> memref<2x1x128xi32, #tpu.memory_space<hbm>>
        tpu.wait_dma2 semaphore(%run_scoped3A_35 : memref<!tpu.dma_semaphore, #tpu.memory_space<semaphore_mem>>) src(%dma_wait3A_73 : memref<2x1x128xi32, #tpu.memory_space<hbm>>) dst(%dma_wait3A_68 : memref<2x1x128xi32, #tpu.memory_space<vmem>>)
        tpu.yield
      }) : () -> ()
      %run_scoped3A_34 = arith.constant 0 : i32
      "tpu.region"() ({
        %run_scoped3A_35 = tpu.sem_alloc : memref<!tpu.dma_semaphore, #tpu.memory_space<semaphore_mem>>
        %dma_start3A = arith.constant 0 : i32
        %dma_start3A_36 = arith.constant 0 : i32
        %dma_start3A_37 = arith.constant 0 : i32
        %dma_start3A_38 = tpu.memref_slice %arg9[%run_scoped3A_34, %dma_start3A, %dma_start3A_36, %dma_start3A_37] : memref<2x2x1x128xi32, #tpu.memory_space<vmem>> -> memref<1x2x1x128xi32, #tpu.memory_space<vmem>>
        %dma_start3A_39 = tpu.memref_squeeze %dma_start3A_38 : memref<1x2x1x128xi32, #tpu.memory_space<vmem>> -> memref<2x1x128xi32, #tpu.memory_space<vmem>>
        %dma_start3A_40 = arith.constant 0 : i32
        %dma_start3A_41 = arith.constant 0 : i32
        %dma_start3A_42 = arith.constant 0 : i32
        %dma_start3A_43 = tpu.memref_slice %arg6[%arg1, %dma_start3A_40, %dma_start3A_41, %dma_start3A_42] : memref<16x80x1x128xi32, #tpu.memory_space<hbm>> -> memref<1x2x1x128xi32, #tpu.memory_space<hbm>>
        %dma_start3A_44 = tpu.memref_squeeze %dma_start3A_43 : memref<1x2x1x128xi32, #tpu.memory_space<hbm>> -> memref<2x1x128xi32, #tpu.memory_space<hbm>>
        %dma_start3A_45 = arith.constant 0 : i32
        %dma_start3A_46 = arith.constant 0 : i32
        %dma_start3A_47 = arith.constant 0 : i32
        %dma_start3A_48 = tpu.memref_slice %arg9[%run_scoped3A_34, %dma_start3A_45, %dma_start3A_46, %dma_start3A_47] : memref<2x2x1x128xi32, #tpu.memory_space<vmem>> -> memref<1x2x1x128xi32, #tpu.memory_space<vmem>>
        %dma_start3A_49 = tpu.memref_squeeze %dma_start3A_48 : memref<1x2x1x128xi32, #tpu.memory_space<vmem>> -> memref<2x1x128xi32, #tpu.memory_space<vmem>>
        %dma_start3A_50 = arith.constant 0 : i32
        %dma_start3A_51 = arith.constant 0 : i32
        %dma_start3A_52 = arith.constant 0 : i32
        %dma_start3A_53 = tpu.memref_slice %arg6[%arg1, %dma_start3A_50, %dma_start3A_51, %dma_start3A_52] : memref<16x80x1x128xi32, #tpu.memory_space<hbm>> -> memref<1x2x1x128xi32, #tpu.memory_space<hbm>>
        %dma_start3A_54 = tpu.memref_squeeze %dma_start3A_53 : memref<1x2x1x128xi32, #tpu.memory_space<hbm>> -> memref<2x1x128xi32, #tpu.memory_space<hbm>>
        tpu.enqueue_dma source(%dma_start3A_54 : memref<2x1x128xi32, #tpu.memory_space<hbm>>) target(%dma_start3A_49 : memref<2x1x128xi32, #tpu.memory_space<vmem>>) target_semaphore(%run_scoped3A_35 : memref<!tpu.dma_semaphore, #tpu.memory_space<semaphore_mem>>)
        %dma_wait3A = arith.constant 0 : i32
        %dma_wait3A_55 = arith.constant 0 : i32
        %dma_wait3A_56 = arith.constant 0 : i32
        %dma_wait3A_57 = tpu.memref_slice %arg9[%run_scoped3A_34, %dma_wait3A, %dma_wait3A_55, %dma_wait3A_56] : memref<2x2x1x128xi32, #tpu.memory_space<vmem>> -> memref<1x2x1x128xi32, #tpu.memory_space<vmem>>
        %dma_wait3A_58 = tpu.memref_squeeze %dma_wait3A_57 : memref<1x2x1x128xi32, #tpu.memory_space<vmem>> -> memref<2x1x128xi32, #tpu.memory_space<vmem>>
        %dma_wait3A_59 = arith.constant 0 : i32
        %dma_wait3A_60 = arith.constant 0 : i32
        %dma_wait3A_61 = arith.constant 0 : i32
        %dma_wait3A_62 = tpu.memref_slice %arg6[%arg1, %dma_wait3A_59, %dma_wait3A_60, %dma_wait3A_61] : memref<16x80x1x128xi32, #tpu.memory_space<hbm>> -> memref<1x2x1x128xi32, #tpu.memory_space<hbm>>
        %dma_wait3A_63 = tpu.memref_squeeze %dma_wait3A_62 : memref<1x2x1x128xi32, #tpu.memory_space<hbm>> -> memref<2x1x128xi32, #tpu.memory_space<hbm>>
        %dma_wait3A_64 = arith.constant 0 : i32
        %dma_wait3A_65 = arith.constant 0 : i32
        %dma_wait3A_66 = arith.constant 0 : i32
        %dma_wait3A_67 = tpu.memref_slice %arg9[%run_scoped3A_34, %dma_wait3A_64, %dma_wait3A_65, %dma_wait3A_66] : memref<2x2x1x128xi32, #tpu.memory_space<vmem>> -> memref<1x2x1x128xi32, #tpu.memory_space<vmem>>
        %dma_wait3A_68 = tpu.memref_squeeze %dma_wait3A_67 : memref<1x2x1x128xi32, #tpu.memory_space<vmem>> -> memref<2x1x128xi32, #tpu.memory_space<vmem>>
        %dma_wait3A_69 = arith.constant 0 : i32
        %dma_wait3A_70 = arith.constant 0 : i32
        %dma_wait3A_71 = arith.constant 0 : i32
        %dma_wait3A_72 = tpu.memref_slice %arg6[%arg1, %dma_wait3A_69, %dma_wait3A_70, %dma_wait3A_71] : memref<16x80x1x128xi32, #tpu.memory_space<hbm>> -> memref<1x2x1x128xi32, #tpu.memory_space<hbm>>
        %dma_wait3A_73 = tpu.memref_squeeze %dma_wait3A_72 : memref<1x2x1x128xi32, #tpu.memory_space<hbm>> -> memref<2x1x128xi32, #tpu.memory_space<hbm>>
        tpu.wait_dma2 semaphore(%run_scoped3A_35 : memref<!tpu.dma_semaphore, #tpu.memory_space<semaphore_mem>>) src(%dma_wait3A_73 : memref<2x1x128xi32, #tpu.memory_space<hbm>>) dst(%dma_wait3A_68 : memref<2x1x128xi32, #tpu.memory_space<vmem>>)
        tpu.yield
      }) : () -> ()
    } else {
    }
    %scan3A = arith.constant 0 : i32
    %scan3A_10 = arith.constant 0 : i32
    %scan3A_11 = arith.constant 128 : i32
    %scan3A_12 = arith.addi %scan3A_10, %scan3A_11 : i32
    %scan3A_13 = arith.constant 4 : i32
    %scan3A_14 = scf.for %scan3A_34 = %scan3A_10 to %scan3A_12 step %scan3A_13 iter_args(%scan3A_35 = %scan3A) -> (i32)  : i32 {
      %broadcast_in_dim3A = arith.constant 0.000000e+00 : f32
      %broadcast_in_dim3A_36 = vector.broadcast %broadcast_in_dim3A : f32 to vector<16xf32>
      %swap3A = arith.constant 0 : i32
      %swap3A_37 = arith.index_cast %swap3A : i32 to index
      %swap3A_38 = arith.index_cast %scan3A_34 : i32 to index
      %swap3A_39 = arith.constant 0 : index
      %swap3A_40 = tpu.vector_load %arg10[%swap3A_37, %swap3A_38, %swap3A_39] {strides = array<i32>} : memref<2x128x128xf32, #tpu.memory_space<vmem>>, vector<1x1x16xf32>,
      %swap3A_41 = vector.shape_cast %swap3A_40 : vector<1x1x16xf32> to vector<16xf32>
      %swap3A_42 = vector.shape_cast %broadcast_in_dim3A_36 : vector<16xf32> to vector<1x1x16xf32>
      tpu.vector_store %arg10[%swap3A_37, %swap3A_38, %swap3A_39], %swap3A_42 {strides = array<i32>} : memref<2x128x128xf32, #tpu.memory_space<vmem>>, vector<1x1x16xf32>,
      %broadcast_in_dim3A_43 = arith.constant 0.000000e+00 : f32
      %broadcast_in_dim3A_44 = vector.broadcast %broadcast_in_dim3A_43 : f32 to vector<16xf32>
      %swap3A_45 = arith.constant 0 : i32
      %swap3A_46 = arith.index_cast %swap3A_45 : i32 to index
      %swap3A_47 = arith.index_cast %scan3A_34 : i32 to index
      %swap3A_48 = arith.constant 16 : index
      %swap3A_49 = tpu.vector_load %arg10[%swap3A_46, %swap3A_47, %swap3A_48] {strides = array<i32>} : memref<2x128x128xf32, #tpu.memory_space<vmem>>, vector<1x1x16xf32>,
      %swap3A_50 = vector.shape_cast %swap3A_49 : vector<1x1x16xf32> to vector<16xf32>
      %swap3A_51 = vector.shape_cast %broadcast_in_dim3A_44 : vector<16xf32> to vector<1x1x16xf32>
      tpu.vector_store %arg10[%swap3A_46, %swap3A_47, %swap3A_48], %swap3A_51 {strides = array<i32>} : memref<2x128x128xf32, #tpu.memory_space<vmem>>, vector<1x1x16xf32>,
      %broadcast_in_dim3A_52 = arith.constant 0.000000e+00 : f32
      %broadcast_in_dim3A_53 = vector.broadcast %broadcast_in_dim3A_52 : f32 to vector<16xf32>
      %swap3A_54 = arith.constant 0 : i32
      %swap3A_55 = arith.index_cast %swap3A_54 : i32 to index
      %swap3A_56 = arith.index_cast %scan3A_34 : i32 to index
      %swap3A_57 = arith.constant 32 : index
      %swap3A_58 = tpu.vector_load %arg10[%swap3A_55, %swap3A_56, %swap3A_57] {strides = array<i32>} : memref<2x128x128xf32, #tpu.memory_space<vmem>>, vector<1x1x16xf32>,
      %swap3A_59 = vector.shape_cast %swap3A_58 : vector<1x1x16xf32> to vector<16xf32>
      %swap3A_60 = vector.shape_cast %broadcast_in_dim3A_53 : vector<16xf32> to vector<1x1x16xf32>
      tpu.vector_store %arg10[%swap3A_55, %swap3A_56, %swap3A_57], %swap3A_60 {strides = array<i32>} : memref<2x128x128xf32, #tpu.memory_space<vmem>>, vector<1x1x16xf32>,
      %broadcast_in_dim3A_61 = arith.constant 0.000000e+00 : f32
      %broadcast_in_dim3A_62 = vector.broadcast %broadcast_in_dim3A_61 : f32 to vector<16xf32>
      %swap3A_63 = arith.constant 0 : i32
      %swap3A_64 = arith.index_cast %swap3A_63 : i32 to index
      %swap3A_65 = arith.index_cast %scan3A_34 : i32 to index
      %swap3A_66 = arith.constant 48 : index
      %swap3A_67 = tpu.vector_load %arg10[%swap3A_64, %swap3A_65, %swap3A_66] {strides = array<i32>} : memref<2x128x128xf32, #tpu.memory_space<vmem>>, vector<1x1x16xf32>,
      %swap3A_68 = vector.shape_cast %swap3A_67 : vector<1x1x16xf32> to vector<16xf32>
      %swap3A_69 = vector.shape_cast %broadcast_in_dim3A_62 : vector<16xf32> to vector<1x1x16xf32>
      tpu.vector_store %arg10[%swap3A_64, %swap3A_65, %swap3A_66], %swap3A_69 {strides = array<i32>} : memref<2x128x128xf32, #tpu.memory_space<vmem>>, vector<1x1x16xf32>,
      %broadcast_in_dim3A_70 = arith.constant 0.000000e+00 : f32
      %broadcast_in_dim3A_71 = vector.broadcast %broadcast_in_dim3A_70 : f32 to vector<16xf32>
      %swap3A_72 = arith.constant 0 : i32
      %swap3A_73 = arith.index_cast %swap3A_72 : i32 to index
      %swap3A_74 = arith.index_cast %scan3A_34 : i32 to index
      %swap3A_75 = arith.constant 64 : index
      %swap3A_76 = tpu.vector_load %arg10[%swap3A_73, %swap3A_74, %swap3A_75] {strides = array<i32>} : memref<2x128x128xf32, #tpu.memory_space<vmem>>, vector<1x1x16xf32>,
      %swap3A_77 = vector.shape_cast %swap3A_76 : vector<1x1x16xf32> to vector<16xf32>
      %swap3A_78 = vector.shape_cast %broadcast_in_dim3A_71 : vector<16xf32> to vector<1x1x16xf32>
      tpu.vector_store %arg10[%swap3A_73, %swap3A_74, %swap3A_75], %swap3A_78 {strides = array<i32>} : memref<2x128x128xf32, #tpu.memory_space<vmem>>, vector<1x1x16xf32>,
      %broadcast_in_dim3A_79 = arith.constant 0.000000e+00 : f32
      %broadcast_in_dim3A_80 = vector.broadcast %broadcast_in_dim3A_79 : f32 to vector<16xf32>
      %swap3A_81 = arith.constant 0 : i32
      %swap3A_82 = arith.index_cast %swap3A_81 : i32 to index
      %swap3A_83 = arith.index_cast %scan3A_34 : i32 to index
      %swap3A_84 = arith.constant 80 : index
      %swap3A_85 = tpu.vector_load %arg10[%swap3A_82, %swap3A_83, %swap3A_84] {strides = array<i32>} : memref<2x128x128xf32, #tpu.memory_space<vmem>>, vector<1x1x16xf32>,
      %swap3A_86 = vector.shape_cast %swap3A_85 : vector<1x1x16xf32> to vector<16xf32>
      %swap3A_87 = vector.shape_cast %broadcast_in_dim3A_80 : vector<16xf32> to vector<1x1x16xf32>
      tpu.vector_store %arg10[%swap3A_82, %swap3A_83, %swap3A_84], %swap3A_87 {strides = array<i32>} : memref<2x128x128xf32, #tpu.memory_space<vmem>>, vector<1x1x16xf32>,
      %broadcast_in_dim3A_88 = arith.constant 0.000000e+00 : f32
      %broadcast_in_dim3A_89 = vector.broadcast %broadcast_in_dim3A_88 : f32 to vector<16xf32>
      %swap3A_90 = arith.constant 0 : i32
      %swap3A_91 = arith.index_cast %swap3A_90 : i32 to index
      %swap3A_92 = arith.index_cast %scan3A_34 : i32 to index
      %swap3A_93 = arith.constant 96 : index
      %swap3A_94 = tpu.vector_load %arg10[%swap3A_91, %swap3A_92, %swap3A_93] {strides = array<i32>} : memref<2x128x128xf32, #tpu.memory_space<vmem>>, vector<1x1x16xf32>,
      %swap3A_95 = vector.shape_cast %swap3A_94 : vector<1x1x16xf32> to vector<16xf32>
      %swap3A_96 = vector.shape_cast %broadcast_in_dim3A_89 : vector<16xf32> to vector<1x1x16xf32>
      tpu.vector_store %arg10[%swap3A_91, %swap3A_92, %swap3A_93], %swap3A_96 {strides = array<i32>} : memref<2x128x128xf32, #tpu.memory_space<vmem>>, vector<1x1x16xf32>,
      %broadcast_in_dim3A_97 = arith.constant 0.000000e+00 : f32
      %broadcast_in_dim3A_98 = vector.broadcast %broadcast_in_dim3A_97 : f32 to vector<16xf32>
      %swap3A_99 = arith.constant 0 : i32
      %swap3A_100 = arith.index_cast %swap3A_99 : i32 to index
      %swap3A_101 = arith.index_cast %scan3A_34 : i32 to index
      %swap3A_102 = arith.constant 112 : index
      %swap3A_103 = tpu.vector_load %arg10[%swap3A_100, %swap3A_101, %swap3A_102] {strides = array<i32>} : memref<2x128x128xf32, #tpu.memory_space<vmem>>, vector<1x1x16xf32>,
      %swap3A_104 = vector.shape_cast %swap3A_103 : vector<1x1x16xf32> to vector<16xf32>
      %swap3A_105 = vector.shape_cast %broadcast_in_dim3A_98 : vector<16xf32> to vector<1x1x16xf32>
      tpu.vector_store %arg10[%swap3A_100, %swap3A_101, %swap3A_102], %swap3A_105 {strides = array<i32>} : memref<2x128x128xf32, #tpu.memory_space<vmem>>, vector<1x1x16xf32>,
      %scan3A_106 = arith.constant 0 : i32
      %scan3A_107 = arith.constant 1 : i32
      %scan3A_108 = arith.addi %scan3A_34, %scan3A_107 : i32
      %broadcast_in_dim3A_109 = arith.constant 0.000000e+00 : f32
      %broadcast_in_dim3A_110 = vector.broadcast %broadcast_in_dim3A_109 : f32 to vector<16xf32>
      %swap3A_111 = arith.constant 0 : i32
      %swap3A_112 = arith.index_cast %swap3A_111 : i32 to index
      %swap3A_113 = arith.index_cast %scan3A_108 : i32 to index
      %swap3A_114 = arith.constant 0 : index
      %swap3A_115 = tpu.vector_load %arg10[%swap3A_112, %swap3A_113, %swap3A_114] {strides = array<i32>} : memref<2x128x128xf32, #tpu.memory_space<vmem>>, vector<1x1x16xf32>,
      %swap3A_116 = vector.shape_cast %swap3A_115 : vector<1x1x16xf32> to vector<16xf32>
      %swap3A_117 = vector.shape_cast %broadcast_in_dim3A_110 : vector<16xf32> to vector<1x1x16xf32>
      tpu.vector_store %arg10[%swap3A_112, %swap3A_113, %swap3A_114], %swap3A_117 {strides = array<i32>} : memref<2x128x128xf32, #tpu.memory_space<vmem>>, vector<1x1x16xf32>,
      %broadcast_in_dim3A_118 = arith.constant 0.000000e+00 : f32
      %broadcast_in_dim3A_119 = vector.broadcast %broadcast_in_dim3A_118 : f32 to vector<16xf32>
      %swap3A_120 = arith.constant 0 : i32
      %swap3A_121 = arith.index_cast %swap3A_120 : i32 to index
      %swap3A_122 = arith.index_cast %scan3A_108 : i32 to index
      %swap3A_123 = arith.constant 16 : index
      %swap3A_124 = tpu.vector_load %arg10[%swap3A_121, %swap3A_122, %swap3A_123] {strides = array<i32>} : memref<2x128x128xf32, #tpu.memory_space<vmem>>, vector<1x1x16xf32>,
      %swap3A_125 = vector.shape_cast %swap3A_124 : vector<1x1x16xf32> to vector<16xf32>
      %swap3A_126 = vector.shape_cast %broadcast_in_dim3A_119 : vector<16xf32> to vector<1x1x16xf32>
      tpu.vector_store %arg10[%swap3A_121, %swap3A_122, %swap3A_123], %swap3A_126 {strides = array<i32>} : memref<2x128x128xf32, #tpu.memory_space<vmem>>, vector<1x1x16xf32>,
      %broadcast_in_dim3A_127 = arith.constant 0.000000e+00 : f32
      %broadcast_in_dim3A_128 = vector.broadcast %broadcast_in_dim3A_127 : f32 to vector<16xf32>
      %swap3A_129 = arith.constant 0 : i32
      %swap3A_130 = arith.index_cast %swap3A_129 : i32 to index
      %swap3A_131 = arith.index_cast %scan3A_108 : i32 to index
      %swap3A_132 = arith.constant 32 : index
      %swap3A_133 = tpu.vector_load %arg10[%swap3A_130, %swap3A_131, %swap3A_132] {strides = array<i32>} : memref<2x128x128xf32, #tpu.memory_space<vmem>>, vector<1x1x16xf32>,
      %swap3A_134 = vector.shape_cast %swap3A_133 : vector<1x1x16xf32> to vector<16xf32>
      %swap3A_135 = vector.shape_cast %broadcast_in_dim3A_128 : vector<16xf32> to vector<1x1x16xf32>
      tpu.vector_store %arg10[%swap3A_130, %swap3A_131, %swap3A_132], %swap3A_135 {strides = array<i32>} : memref<2x128x128xf32, #tpu.memory_space<vmem>>, vector<1x1x16xf32>,
      %broadcast_in_dim3A_136 = arith.constant 0.000000e+00 : f32
      %broadcast_in_dim3A_137 = vector.broadcast %broadcast_in_dim3A_136 : f32 to vector<16xf32>
      %swap3A_138 = arith.constant 0 : i32
      %swap3A_139 = arith.index_cast %swap3A_138 : i32 to index
      %swap3A_140 = arith.index_cast %scan3A_108 : i32 to index
      %swap3A_141 = arith.constant 48 : index
      %swap3A_142 = tpu.vector_load %arg10[%swap3A_139, %swap3A_140, %swap3A_141] {strides = array<i32>} : memref<2x128x128xf32, #tpu.memory_space<vmem>>, vector<1x1x16xf32>,
      %swap3A_143 = vector.shape_cast %swap3A_142 : vector<1x1x16xf32> to vector<16xf32>
      %swap3A_144 = vector.shape_cast %broadcast_in_dim3A_137 : vector<16xf32> to vector<1x1x16xf32>
      tpu.vector_store %arg10[%swap3A_139, %swap3A_140, %swap3A_141], %swap3A_144 {strides = array<i32>} : memref<2x128x128xf32, #tpu.memory_space<vmem>>, vector<1x1x16xf32>,
      %broadcast_in_dim3A_145 = arith.constant 0.000000e+00 : f32
      %broadcast_in_dim3A_146 = vector.broadcast %broadcast_in_dim3A_145 : f32 to vector<16xf32>
      %swap3A_147 = arith.constant 0 : i32
      %swap3A_148 = arith.index_cast %swap3A_147 : i32 to index
      %swap3A_149 = arith.index_cast %scan3A_108 : i32 to index
      %swap3A_150 = arith.constant 64 : index
      %swap3A_151 = tpu.vector_load %arg10[%swap3A_148, %swap3A_149, %swap3A_150] {strides = array<i32>} : memref<2x128x128xf32, #tpu.memory_space<vmem>>, vector<1x1x16xf32>,
      %swap3A_152 = vector.shape_cast %swap3A_151 : vector<1x1x16xf32> to vector<16xf32>
      %swap3A_153 = vector.shape_cast %broadcast_in_dim3A_146 : vector<16xf32> to vector<1x1x16xf32>
      tpu.vector_store %arg10[%swap3A_148, %swap3A_149, %swap3A_150], %swap3A_153 {strides = array<i32>} : memref<2x128x128xf32, #tpu.memory_space<vmem>>, vector<1x1x16xf32>,
      %broadcast_in_dim3A_154 = arith.constant 0.000000e+00 : f32
      %broadcast_in_dim3A_155 = vector.broadcast %broadcast_in_dim3A_154 : f32 to vector<16xf32>
      %swap3A_156 = arith.constant 0 : i32
      %swap3A_157 = arith.index_cast %swap3A_156 : i32 to index
      %swap3A_158 = arith.index_cast %scan3A_108 : i32 to index
      %swap3A_159 = arith.constant 80 : index
      %swap3A_160 = tpu.vector_load %arg10[%swap3A_157, %swap3A_158, %swap3A_159] {strides = array<i32>} : memref<2x128x128xf32, #tpu.memory_space<vmem>>, vector<1x1x16xf32>,
      %swap3A_161 = vector.shape_cast %swap3A_160 : vector<1x1x16xf32> to vector<16xf32>
      %swap3A_162 = vector.shape_cast %broadcast_in_dim3A_155 : vector<16xf32> to vector<1x1x16xf32>
      tpu.vector_store %arg10[%swap3A_157, %swap3A_158, %swap3A_159], %swap3A_162 {strides = array<i32>} : memref<2x128x128xf32, #tpu.memory_space<vmem>>, vector<1x1x16xf32>,
      %broadcast_in_dim3A_163 = arith.constant 0.000000e+00 : f32
      %broadcast_in_dim3A_164 = vector.broadcast %broadcast_in_dim3A_163 : f32 to vector<16xf32>
      %swap3A_165 = arith.constant 0 : i32
      %swap3A_166 = arith.index_cast %swap3A_165 : i32 to index
      %swap3A_167 = arith.index_cast %scan3A_108 : i32 to index
      %swap3A_168 = arith.constant 96 : index
      %swap3A_169 = tpu.vector_load %arg10[%swap3A_166, %swap3A_167, %swap3A_168] {strides = array<i32>} : memref<2x128x128xf32, #tpu.memory_space<vmem>>, vector<1x1x16xf32>,
      %swap3A_170 = vector.shape_cast %swap3A_169 : vector<1x1x16xf32> to vector<16xf32>
      %swap3A_171 = vector.shape_cast %broadcast_in_dim3A_164 : vector<16xf32> to vector<1x1x16xf32>
      tpu.vector_store %arg10[%swap3A_166, %swap3A_167, %swap3A_168], %swap3A_171 {strides = array<i32>} : memref<2x128x128xf32, #tpu.memory_space<vmem>>, vector<1x1x16xf32>,
      %broadcast_in_dim3A_172 = arith.constant 0.000000e+00 : f32
      %broadcast_in_dim3A_173 = vector.broadcast %broadcast_in_dim3A_172 : f32 to vector<16xf32>
      %swap3A_174 = arith.constant 0 : i32
      %swap3A_175 = arith.index_cast %swap3A_174 : i32 to index
      %swap3A_176 = arith.index_cast %scan3A_108 : i32 to index
      %swap3A_177 = arith.constant 112 : index
      %swap3A_178 = tpu.vector_load %arg10[%swap3A_175, %swap3A_176, %swap3A_177] {strides = array<i32>} : memref<2x128x128xf32, #tpu.memory_space<vmem>>, vector<1x1x16xf32>,
      %swap3A_179 = vector.shape_cast %swap3A_178 : vector<1x1x16xf32> to vector<16xf32>
      %swap3A_180 = vector.shape_cast %broadcast_in_dim3A_173 : vector<16xf32> to vector<1x1x16xf32>
      tpu.vector_store %arg10[%swap3A_175, %swap3A_176, %swap3A_177], %swap3A_180 {strides = array<i32>} : memref<2x128x128xf32, #tpu.memory_space<vmem>>, vector<1x1x16xf32>,
      %scan3A_181 = arith.constant 0 : i32
      %scan3A_182 = arith.constant 2 : i32
      %scan3A_183 = arith.addi %scan3A_34, %scan3A_182 : i32
      %broadcast_in_dim3A_184 = arith.constant 0.000000e+00 : f32
      %broadcast_in_dim3A_185 = vector.broadcast %broadcast_in_dim3A_184 : f32 to vector<16xf32>
      %swap3A_186 = arith.constant 0 : i32
      %swap3A_187 = arith.index_cast %swap3A_186 : i32 to index
      %swap3A_188 = arith.index_cast %scan3A_183 : i32 to index
      %swap3A_189 = arith.constant 0 : index
      %swap3A_190 = tpu.vector_load %arg10[%swap3A_187, %swap3A_188, %swap3A_189] {strides = array<i32>} : memref<2x128x128xf32, #tpu.memory_space<vmem>>, vector<1x1x16xf32>,
      %swap3A_191 = vector.shape_cast %swap3A_190 : vector<1x1x16xf32> to vector<16xf32>
      %swap3A_192 = vector.shape_cast %broadcast_in_dim3A_185 : vector<16xf32> to vector<1x1x16xf32>
      tpu.vector_store %arg10[%swap3A_187, %swap3A_188, %swap3A_189], %swap3A_192 {strides = array<i32>} : memref<2x128x128xf32, #tpu.memory_space<vmem>>, vector<1x1x16xf32>,
      %broadcast_in_dim3A_193 = arith.constant 0.000000e+00 : f32
      %broadcast_in_dim3A_194 = vector.broadcast %broadcast_in_dim3A_193 : f32 to vector<16xf32>
      %swap3A_195 = arith.constant 0 : i32
      %swap3A_196 = arith.index_cast %swap3A_195 : i32 to index
      %swap3A_197 = arith.index_cast %scan3A_183 : i32 to index
      %swap3A_198 = arith.constant 16 : index
      %swap3A_199 = tpu.vector_load %arg10[%swap3A_196, %swap3A_197, %swap3A_198] {strides = array<i32>} : memref<2x128x128xf32, #tpu.memory_space<vmem>>, vector<1x1x16xf32>,
      %swap3A_200 = vector.shape_cast %swap3A_199 : vector<1x1x16xf32> to vector<16xf32>
      %swap3A_201 = vector.shape_cast %broadcast_in_dim3A_194 : vector<16xf32> to vector<1x1x16xf32>
      tpu.vector_store %arg10[%swap3A_196, %swap3A_197, %swap3A_198], %swap3A_201 {strides = array<i32>} : memref<2x128x128xf32, #tpu.memory_space<vmem>>, vector<1x1x16xf32>,
      %broadcast_in_dim3A_202 = arith.constant 0.000000e+00 : f32
      %broadcast_in_dim3A_203 = vector.broadcast %broadcast_in_dim3A_202 : f32 to vector<16xf32>
      %swap3A_204 = arith.constant 0 : i32
      %swap3A_205 = arith.index_cast %swap3A_204 : i32 to index
      %swap3A_206 = arith.index_cast %scan3A_183 : i32 to index
      %swap3A_207 = arith.constant 32 : index
      %swap3A_208 = tpu.vector_load %arg10[%swap3A_205, %swap3A_206, %swap3A_207] {strides = array<i32>} : memref<2x128x128xf32, #tpu.memory_space<vmem>>, vector<1x1x16xf32>,
      %swap3A_209 = vector.shape_cast %swap3A_208 : vector<1x1x16xf32> to vector<16xf32>
      %swap3A_210 = vector.shape_cast %broadcast_in_dim3A_203 : vector<16xf32> to vector<1x1x16xf32>
      tpu.vector_store %arg10[%swap3A_205, %swap3A_206, %swap3A_207], %swap3A_210 {strides = array<i32>} : memref<2x128x128xf32, #tpu.memory_space<vmem>>, vector<1x1x16xf32>,
      %broadcast_in_dim3A_211 = arith.constant 0.000000e+00 : f32
      %broadcast_in_dim3A_212 = vector.broadcast %broadcast_in_dim3A_211 : f32 to vector<16xf32>
      %swap3A_213 = arith.constant 0 : i32
      %swap3A_214 = arith.index_cast %swap3A_213 : i32 to index
      %swap3A_215 = arith.index_cast %scan3A_183 : i32 to index
      %swap3A_216 = arith.constant 48 : index
      %swap3A_217 = tpu.vector_load %arg10[%swap3A_214, %swap3A_215, %swap3A_216] {strides = array<i32>} : memref<2x128x128xf32, #tpu.memory_space<vmem>>, vector<1x1x16xf32>,
      %swap3A_218 = vector.shape_cast %swap3A_217 : vector<1x1x16xf32> to vector<16xf32>
      %swap3A_219 = vector.shape_cast %broadcast_in_dim3A_212 : vector<16xf32> to vector<1x1x16xf32>
      tpu.vector_store %arg10[%swap3A_214, %swap3A_215, %swap3A_216], %swap3A_219 {strides = array<i32>} : memref<2x128x128xf32, #tpu.memory_space<vmem>>, vector<1x1x16xf32>,
      %broadcast_in_dim3A_220 = arith.constant 0.000000e+00 : f32
      %broadcast_in_dim3A_221 = vector.broadcast %broadcast_in_dim3A_220 : f32 to vector<16xf32>
      %swap3A_222 = arith.constant 0 : i32
      %swap3A_223 = arith.index_cast %swap3A_222 : i32 to index
      %swap3A_224 = arith.index_cast %scan3A_183 : i32 to index
      %swap3A_225 = arith.constant 64 : index
      %swap3A_226 = tpu.vector_load %arg10[%swap3A_223, %swap3A_224, %swap3A_225] {strides = array<i32>} : memref<2x128x128xf32, #tpu.memory_space<vmem>>, vector<1x1x16xf32>,
      %swap3A_227 = vector.shape_cast %swap3A_226 : vector<1x1x16xf32> to vector<16xf32>
      %swap3A_228 = vector.shape_cast %broadcast_in_dim3A_221 : vector<16xf32> to vector<1x1x16xf32>
      tpu.vector_store %arg10[%swap3A_223, %swap3A_224, %swap3A_225], %swap3A_228 {strides = array<i32>} : memref<2x128x128xf32, #tpu.memory_space<vmem>>, vector<1x1x16xf32>,
      %broadcast_in_dim3A_229 = arith.constant 0.000000e+00 : f32
      %broadcast_in_dim3A_230 = vector.broadcast %broadcast_in_dim3A_229 : f32 to vector<16xf32>
      %swap3A_231 = arith.constant 0 : i32
      %swap3A_232 = arith.index_cast %swap3A_231 : i32 to index
      %swap3A_233 = arith.index_cast %scan3A_183 : i32 to index
      %swap3A_234 = arith.constant 80 : index
      %swap3A_235 = tpu.vector_load %arg10[%swap3A_232, %swap3A_233, %swap3A_234] {strides = array<i32>} : memref<2x128x128xf32, #tpu.memory_space<vmem>>, vector<1x1x16xf32>,
      %swap3A_236 = vector.shape_cast %swap3A_235 : vector<1x1x16xf32> to vector<16xf32>
      %swap3A_237 = vector.shape_cast %broadcast_in_dim3A_230 : vector<16xf32> to vector<1x1x16xf32>
      tpu.vector_store %arg10[%swap3A_232, %swap3A_233, %swap3A_234], %swap3A_237 {strides = array<i32>} : memref<2x128x128xf32, #tpu.memory_space<vmem>>, vector<1x1x16xf32>,
      %broadcast_in_dim3A_238 = arith.constant 0.000000e+00 : f32
      %broadcast_in_dim3A_239 = vector.broadcast %broadcast_in_dim3A_238 : f32 to vector<16xf32>
      %swap3A_240 = arith.constant 0 : i32
      %swap3A_241 = arith.index_cast %swap3A_240 : i32 to index
      %swap3A_242 = arith.index_cast %scan3A_183 : i32 to index
      %swap3A_243 = arith.constant 96 : index
      %swap3A_244 = tpu.vector_load %arg10[%swap3A_241, %swap3A_242, %swap3A_243] {strides = array<i32>} : memref<2x128x128xf32, #tpu.memory_space<vmem>>, vector<1x1x16xf32>,
      %swap3A_245 = vector.shape_cast %swap3A_244 : vector<1x1x16xf32> to vector<16xf32>
      %swap3A_246 = vector.shape_cast %broadcast_in_dim3A_239 : vector<16xf32> to vector<1x1x16xf32>
      tpu.vector_store %arg10[%swap3A_241, %swap3A_242, %swap3A_243], %swap3A_246 {strides = array<i32>} : memref<2x128x128xf32, #tpu.memory_space<vmem>>, vector<1x1x16xf32>,
      %broadcast_in_dim3A_247 = arith.constant 0.000000e+00 : f32
      %broadcast_in_dim3A_248 = vector.broadcast %broadcast_in_dim3A_247 : f32 to vector<16xf32>
      %swap3A_249 = arith.constant 0 : i32
      %swap3A_250 = arith.index_cast %swap3A_249 : i32 to index
      %swap3A_251 = arith.index_cast %scan3A_183 : i32 to index
      %swap3A_252 = arith.constant 112 : index
      %swap3A_253 = tpu.vector_load %arg10[%swap3A_250, %swap3A_251, %swap3A_252] {strides = array<i32>} : memref<2x128x128xf32, #tpu.memory_space<vmem>>, vector<1x1x16xf32>,
      %swap3A_254 = vector.shape_cast %swap3A_253 : vector<1x1x16xf32> to vector<16xf32>
      %swap3A_255 = vector.shape_cast %broadcast_in_dim3A_248 : vector<16xf32> to vector<1x1x16xf32>
      tpu.vector_store %arg10[%swap3A_250, %swap3A_251, %swap3A_252], %swap3A_255 {strides = array<i32>} : memref<2x128x128xf32, #tpu.memory_space<vmem>>, vector<1x1x16xf32>,
      %scan3A_256 = arith.constant 0 : i32
      %scan3A_257 = arith.constant 3 : i32
      %scan3A_258 = arith.addi %scan3A_34, %scan3A_257 : i32
      %broadcast_in_dim3A_259 = arith.constant 0.000000e+00 : f32
      %broadcast_in_dim3A_260 = vector.broadcast %broadcast_in_dim3A_259 : f32 to vector<16xf32>
      %swap3A_261 = arith.constant 0 : i32
      %swap3A_262 = arith.index_cast %swap3A_261 : i32 to index
      %swap3A_263 = arith.index_cast %scan3A_258 : i32 to index
      %swap3A_264 = arith.constant 0 : index
      %swap3A_265 = tpu.vector_load %arg10[%swap3A_262, %swap3A_263, %swap3A_264] {strides = array<i32>} : memref<2x128x128xf32, #tpu.memory_space<vmem>>, vector<1x1x16xf32>,
      %swap3A_266 = vector.shape_cast %swap3A_265 : vector<1x1x16xf32> to vector<16xf32>
      %swap3A_267 = vector.shape_cast %broadcast_in_dim3A_260 : vector<16xf32> to vector<1x1x16xf32>
      tpu.vector_store %arg10[%swap3A_262, %swap3A_263, %swap3A_264], %swap3A_267 {strides = array<i32>} : memref<2x128x128xf32, #tpu.memory_space<vmem>>, vector<1x1x16xf32>,
      %broadcast_in_dim3A_268 = arith.constant 0.000000e+00 : f32
      %broadcast_in_dim3A_269 = vector.broadcast %broadcast_in_dim3A_268 : f32 to vector<16xf32>
      %swap3A_270 = arith.constant 0 : i32
      %swap3A_271 = arith.index_cast %swap3A_270 : i32 to index
      %swap3A_272 = arith.index_cast %scan3A_258 : i32 to index
      %swap3A_273 = arith.constant 16 : index
      %swap3A_274 = tpu.vector_load %arg10[%swap3A_271, %swap3A_272, %swap3A_273] {strides = array<i32>} : memref<2x128x128xf32, #tpu.memory_space<vmem>>, vector<1x1x16xf32>,
      %swap3A_275 = vector.shape_cast %swap3A_274 : vector<1x1x16xf32> to vector<16xf32>
      %swap3A_276 = vector.shape_cast %broadcast_in_dim3A_269 : vector<16xf32> to vector<1x1x16xf32>
      tpu.vector_store %arg10[%swap3A_271, %swap3A_272, %swap3A_273], %swap3A_276 {strides = array<i32>} : memref<2x128x128xf32, #tpu.memory_space<vmem>>, vector<1x1x16xf32>,
      %broadcast_in_dim3A_277 = arith.constant 0.000000e+00 : f32
      %broadcast_in_dim3A_278 = vector.broadcast %broadcast_in_dim3A_277 : f32 to vector<16xf32>
      %swap3A_279 = arith.constant 0 : i32
      %swap3A_280 = arith.index_cast %swap3A_279 : i32 to index
      %swap3A_281 = arith.index_cast %scan3A_258 : i32 to index
      %swap3A_282 = arith.constant 32 : index
      %swap3A_283 = tpu.vector_load %arg10[%swap3A_280, %swap3A_281, %swap3A_282] {strides = array<i32>} : memref<2x128x128xf32, #tpu.memory_space<vmem>>, vector<1x1x16xf32>,
      %swap3A_284 = vector.shape_cast %swap3A_283 : vector<1x1x16xf32> to vector<16xf32>
      %swap3A_285 = vector.shape_cast %broadcast_in_dim3A_278 : vector<16xf32> to vector<1x1x16xf32>
      tpu.vector_store %arg10[%swap3A_280, %swap3A_281, %swap3A_282], %swap3A_285 {strides = array<i32>} : memref<2x128x128xf32, #tpu.memory_space<vmem>>, vector<1x1x16xf32>,
      %broadcast_in_dim3A_286 = arith.constant 0.000000e+00 : f32
      %broadcast_in_dim3A_287 = vector.broadcast %broadcast_in_dim3A_286 : f32 to vector<16xf32>
      %swap3A_288 = arith.constant 0 : i32
      %swap3A_289 = arith.index_cast %swap3A_288 : i32 to index
      %swap3A_290 = arith.index_cast %scan3A_258 : i32 to index
      %swap3A_291 = arith.constant 48 : index
      %swap3A_292 = tpu.vector_load %arg10[%swap3A_289, %swap3A_290, %swap3A_291] {strides = array<i32>} : memref<2x128x128xf32, #tpu.memory_space<vmem>>, vector<1x1x16xf32>,
      %swap3A_293 = vector.shape_cast %swap3A_292 : vector<1x1x16xf32> to vector<16xf32>
      %swap3A_294 = vector.shape_cast %broadcast_in_dim3A_287 : vector<16xf32> to vector<1x1x16xf32>
      tpu.vector_store %arg10[%swap3A_289, %swap3A_290, %swap3A_291], %swap3A_294 {strides = array<i32>} : memref<2x128x128xf32, #tpu.memory_space<vmem>>, vector<1x1x16xf32>,
      %broadcast_in_dim3A_295 = arith.constant 0.000000e+00 : f32
      %broadcast_in_dim3A_296 = vector.broadcast %broadcast_in_dim3A_295 : f32 to vector<16xf32>
      %swap3A_297 = arith.constant 0 : i32
      %swap3A_298 = arith.index_cast %swap3A_297 : i32 to index
      %swap3A_299 = arith.index_cast %scan3A_258 : i32 to index
      %swap3A_300 = arith.constant 64 : index
      %swap3A_301 = tpu.vector_load %arg10[%swap3A_298, %swap3A_299, %swap3A_300] {strides = array<i32>} : memref<2x128x128xf32, #tpu.memory_space<vmem>>, vector<1x1x16xf32>,
      %swap3A_302 = vector.shape_cast %swap3A_301 : vector<1x1x16xf32> to vector<16xf32>
      %swap3A_303 = vector.shape_cast %broadcast_in_dim3A_296 : vector<16xf32> to vector<1x1x16xf32>
      tpu.vector_store %arg10[%swap3A_298, %swap3A_299, %swap3A_300], %swap3A_303 {strides = array<i32>} : memref<2x128x128xf32, #tpu.memory_space<vmem>>, vector<1x1x16xf32>,
      %broadcast_in_dim3A_304 = arith.constant 0.000000e+00 : f32
      %broadcast_in_dim3A_305 = vector.broadcast %broadcast_in_dim3A_304 : f32 to vector<16xf32>
      %swap3A_306 = arith.constant 0 : i32
      %swap3A_307 = arith.index_cast %swap3A_306 : i32 to index
      %swap3A_308 = arith.index_cast %scan3A_258 : i32 to index
      %swap3A_309 = arith.constant 80 : index
      %swap3A_310 = tpu.vector_load %arg10[%swap3A_307, %swap3A_308, %swap3A_309] {strides = array<i32>} : memref<2x128x128xf32, #tpu.memory_space<vmem>>, vector<1x1x16xf32>,
      %swap3A_311 = vector.shape_cast %swap3A_310 : vector<1x1x16xf32> to vector<16xf32>
      %swap3A_312 = vector.shape_cast %broadcast_in_dim3A_305 : vector<16xf32> to vector<1x1x16xf32>
      tpu.vector_store %arg10[%swap3A_307, %swap3A_308, %swap3A_309], %swap3A_312 {strides = array<i32>} : memref<2x128x128xf32, #tpu.memory_space<vmem>>, vector<1x1x16xf32>,
      %broadcast_in_dim3A_313 = arith.constant 0.000000e+00 : f32
      %broadcast_in_dim3A_314 = vector.broadcast %broadcast_in_dim3A_313 : f32 to vector<16xf32>
      %swap3A_315 = arith.constant 0 : i32
      %swap3A_316 = arith.index_cast %swap3A_315 : i32 to index
      %swap3A_317 = arith.index_cast %scan3A_258 : i32 to index
      %swap3A_318 = arith.constant 96 : index
      %swap3A_319 = tpu.vector_load %arg10[%swap3A_316, %swap3A_317, %swap3A_318] {strides = array<i32>} : memref<2x128x128xf32, #tpu.memory_space<vmem>>, vector<1x1x16xf32>,
      %swap3A_320 = vector.shape_cast %swap3A_319 : vector<1x1x16xf32> to vector<16xf32>
      %swap3A_321 = vector.shape_cast %broadcast_in_dim3A_314 : vector<16xf32> to vector<1x1x16xf32>
      tpu.vector_store %arg10[%swap3A_316, %swap3A_317, %swap3A_318], %swap3A_321 {strides = array<i32>} : memref<2x128x128xf32, #tpu.memory_space<vmem>>, vector<1x1x16xf32>,
      %broadcast_in_dim3A_322 = arith.constant 0.000000e+00 : f32
      %broadcast_in_dim3A_323 = vector.broadcast %broadcast_in_dim3A_322 : f32 to vector<16xf32>
      %swap3A_324 = arith.constant 0 : i32
      %swap3A_325 = arith.index_cast %swap3A_324 : i32 to index
      %swap3A_326 = arith.index_cast %scan3A_258 : i32 to index
      %swap3A_327 = arith.constant 112 : index
      %swap3A_328 = tpu.vector_load %arg10[%swap3A_325, %swap3A_326, %swap3A_327] {strides = array<i32>} : memref<2x128x128xf32, #tpu.memory_space<vmem>>, vector<1x1x16xf32>,
      %swap3A_329 = vector.shape_cast %swap3A_328 : vector<1x1x16xf32> to vector<16xf32>
      %swap3A_330 = vector.shape_cast %broadcast_in_dim3A_323 : vector<16xf32> to vector<1x1x16xf32>
      tpu.vector_store %arg10[%swap3A_325, %swap3A_326, %swap3A_327], %swap3A_330 {strides = array<i32>} : memref<2x128x128xf32, #tpu.memory_space<vmem>>, vector<1x1x16xf32>,
      %scan3A_331 = arith.constant 0 : i32
      scf.yield %scan3A_331 : i32
    }
    %scan3A_15 = arith.constant 128 : i32
    %scan3A_16 = arith.constant 0 : i32
    %scan3A_17 = arith.constant 0 : i32
    %scan3A_18 = arith.constant 5 : i32
    %scan3A_19 = arith.addi %scan3A_17, %scan3A_18 : i32
    %scan3A_20 = arith.constant 1 : i32
    %scan3A_21 = scf.for %scan3A_34 = %scan3A_17 to %scan3A_19 step %scan3A_20 iter_args(%scan3A_35 = %scan3A_16) -> (i32)  : i32 {
      %mul3A_36 = arith.constant 640 : i32
      %mul3A_37 = arith.muli %arg1, %mul3A_36 : i32
      %mul3A_38 = arith.constant 128 : i32
      %mul3A_39 = arith.muli %scan3A_34, %mul3A_38 : i32
      %add3A = arith.addi %mul3A_37, %mul3A_39 : i32
      %run_scoped3A = arith.constant 0 : i32
      "tpu.region"() ({
        %run_scoped3A_41 = tpu.sem_alloc : memref<!tpu.dma_semaphore, #tpu.memory_space<semaphore_mem>>
        %dma_start3A = arith.constant 0 : i32
        %dma_start3A_42 = arith.constant 0 : i32
        %dma_start3A_43 = tpu.memref_slice %arg10[%run_scoped3A, %dma_start3A, %dma_start3A_42] : memref<2x128x128xf32, #tpu.memory_space<vmem>> -> memref<1x128x128xf32, #tpu.memory_space<vmem>>
        %dma_start3A_44 = tpu.memref_squeeze %dma_start3A_43 : memref<1x128x128xf32, #tpu.memory_space<vmem>> -> memref<128x128xf32, #tpu.memory_space<vmem>>
        %dma_start3A_45 = arith.constant 0 : i32
        %dma_start3A_46 = tpu.memref_slice %arg11[%add3A, %dma_start3A_45] : memref<10240x128xf32, #tpu.memory_space<vmem_shared>> -> memref<128x128xf32, #tpu.memory_space<vmem_shared>>
        %dma_start3A_47 = arith.constant 0 : i32
        %dma_start3A_48 = tpu.memref_slice %arg11[%add3A, %dma_start3A_47] : memref<10240x128xf32, #tpu.memory_space<vmem_shared>> -> memref<128x128xf32, #tpu.memory_space<vmem_shared>>
        %dma_start3A_49 = arith.constant 0 : i32
        %dma_start3A_50 = arith.constant 0 : i32
        %dma_start3A_51 = tpu.memref_slice %arg10[%run_scoped3A, %dma_start3A_49, %dma_start3A_50] : memref<2x128x128xf32, #tpu.memory_space<vmem>> -> memref<1x128x128xf32, #tpu.memory_space<vmem>>
        %dma_start3A_52 = tpu.memref_squeeze %dma_start3A_51 : memref<1x128x128xf32, #tpu.memory_space<vmem>> -> memref<128x128xf32, #tpu.memory_space<vmem>>
        tpu.enqueue_dma source(%dma_start3A_52 : memref<128x128xf32, #tpu.memory_space<vmem>>) target(%dma_start3A_48 : memref<128x128xf32, #tpu.memory_space<vmem_shared>>) target_semaphore(%run_scoped3A_41 : memref<!tpu.dma_semaphore, #tpu.memory_space<semaphore_mem>>)
        %dma_wait3A = arith.constant 0 : i32
        %dma_wait3A_53 = arith.constant 0 : i32
        %dma_wait3A_54 = tpu.memref_slice %arg10[%run_scoped3A, %dma_wait3A, %dma_wait3A_53] : memref<2x128x128xf32, #tpu.memory_space<vmem>> -> memref<1x128x128xf32, #tpu.memory_space<vmem>>
        %dma_wait3A_55 = tpu.memref_squeeze %dma_wait3A_54 : memref<1x128x128xf32, #tpu.memory_space<vmem>> -> memref<128x128xf32, #tpu.memory_space<vmem>>
        %dma_wait3A_56 = arith.constant 0 : i32
        %dma_wait3A_57 = tpu.memref_slice %arg11[%add3A, %dma_wait3A_56] : memref<10240x128xf32, #tpu.memory_space<vmem_shared>> -> memref<128x128xf32, #tpu.memory_space<vmem_shared>>
        %dma_wait3A_58 = arith.constant 0 : i32
        %dma_wait3A_59 = tpu.memref_slice %arg11[%add3A, %dma_wait3A_58] : memref<10240x128xf32, #tpu.memory_space<vmem_shared>> -> memref<128x128xf32, #tpu.memory_space<vmem_shared>>
        %dma_wait3A_60 = arith.constant 0 : i32
        %dma_wait3A_61 = arith.constant 0 : i32
        %dma_wait3A_62 = tpu.memref_slice %arg10[%run_scoped3A, %dma_wait3A_60, %dma_wait3A_61] : memref<2x128x128xf32, #tpu.memory_space<vmem>> -> memref<1x128x128xf32, #tpu.memory_space<vmem>>
        %dma_wait3A_63 = tpu.memref_squeeze %dma_wait3A_62 : memref<1x128x128xf32, #tpu.memory_space<vmem>> -> memref<128x128xf32, #tpu.memory_space<vmem>>
        tpu.wait_dma2 semaphore(%run_scoped3A_41 : memref<!tpu.dma_semaphore, #tpu.memory_space<semaphore_mem>>) src(%dma_wait3A_63 : memref<128x128xf32, #tpu.memory_space<vmem>>) dst(%dma_wait3A_59 : memref<128x128xf32, #tpu.memory_space<vmem_shared>>)
        tpu.yield
      }) : () -> ()
      %scan3A_40 = arith.constant 0 : i32
      scf.yield %scan3A_40 : i32
    }
    %scan3A_22 = arith.constant 5 : i32
    %barrier3A = arith.constant 0 : index
    tpu.barrier barrier_id(%barrier3A)
    %scan3A_23 = arith.constant 0 : i32
    %scan3A_24 = arith.constant 0 : i32
    %scan3A_25 = arith.constant 40 : i32
    %scan3A_26 = arith.addi %scan3A_24, %scan3A_25 : i32
    %scan3A_27 = arith.constant 1 : i32
    %scan3A_28 = scf.for %scan3A_34 = %scan3A_24 to %scan3A_26 step %scan3A_27 iter_args(%scan3A_35 = %scan3A_23) -> (i32)  : i32 {
      %rem3A = arith.constant 2 : i32
      %rem3A_36 = arith.remsi %scan3A_34, %rem3A : i32
      %sub3A = arith.constant 1 : i32
      %sub3A_37 = arith.subi %sub3A, %rem3A_36 : i32
      %add3A = arith.constant 1 : i32
      %add3A_38 = arith.addi %scan3A_34, %add3A : i32
      %lt3A = arith.cmpi slt, %add3A_38, %select_n3A : i32
      %convert_element_type3A_39 = arith.extui %lt3A : i1 to i32
      %cond3A_40 = arith.constant 0 : i32
      %cond3A_41 = arith.cmpi ne, %convert_element_type3A_39, %cond3A_40 : i32
      scf.if %cond3A_41 {
        %add3A_53 = arith.constant 1 : i32
        %add3A_54 = arith.addi %scan3A_34, %add3A_53 : i32
        %mul3A_55 = arith.constant 2 : i32
        %mul3A_56 = arith.muli %add3A_54, %mul3A_55 : i32
        %eq3A_57 = arith.constant 0 : i32
        %eq3A_58 = arith.cmpi eq, %arg0, %eq3A_57 : i32
        %convert_element_type3A_59 = arith.extui %eq3A_58 : i1 to i32
        %cond3A_60 = arith.constant 0 : i32
        %cond3A_61 = arith.cmpi ne, %convert_element_type3A_59, %cond3A_60 : i32
        scf.if %cond3A_61 {
          %dma_start3A = arith.constant 0 : i32
          %dma_start3A_67 = arith.constant 0 : i32
          %dma_start3A_68 = arith.constant 0 : i32
          %dma_start3A_69 = tpu.memref_slice %arg8[%sub3A_37, %dma_start3A, %dma_start3A_67, %dma_start3A_68] : memref<2x2x1x128xi32, #tpu.memory_space<vmem>> -> memref<1x2x1x128xi32, #tpu.memory_space<vmem>>
          %dma_start3A_70 = tpu.memref_squeeze %dma_start3A_69 : memref<1x2x1x128xi32, #tpu.memory_space<vmem>> -> memref<2x1x128xi32, #tpu.memory_space<vmem>>
          %dma_start3A_71 = arith.constant 0 : i32
          %dma_start3A_72 = arith.constant 0 : i32
          %dma_start3A_73 = tpu.memref_slice %arg3[%arg1, %mul3A_56, %dma_start3A_71, %dma_start3A_72] : memref<16x80x1x128xi32, #tpu.memory_space<hbm>> -> memref<1x2x1x128xi32, #tpu.memory_space<hbm>>
          %dma_start3A_74 = tpu.memref_squeeze %dma_start3A_73 : memref<1x2x1x128xi32, #tpu.memory_space<hbm>> -> memref<2x1x128xi32, #tpu.memory_space<hbm>>
          %dma_start3A_75 = arith.constant 0 : i32
          %dma_start3A_76 = arith.constant 0 : i32
          %dma_start3A_77 = arith.constant 0 : i32
          %dma_start3A_78 = tpu.memref_slice %arg8[%sub3A_37, %dma_start3A_75, %dma_start3A_76, %dma_start3A_77] : memref<2x2x1x128xi32, #tpu.memory_space<vmem>> -> memref<1x2x1x128xi32, #tpu.memory_space<vmem>>
          %dma_start3A_79 = tpu.memref_squeeze %dma_start3A_78 : memref<1x2x1x128xi32, #tpu.memory_space<vmem>> -> memref<2x1x128xi32, #tpu.memory_space<vmem>>
          %dma_start3A_80 = arith.constant 0 : i32
          %dma_start3A_81 = arith.constant 0 : i32
          %dma_start3A_82 = tpu.memref_slice %arg3[%arg1, %mul3A_56, %dma_start3A_80, %dma_start3A_81] : memref<16x80x1x128xi32, #tpu.memory_space<hbm>> -> memref<1x2x1x128xi32, #tpu.memory_space<hbm>>
          %dma_start3A_83 = tpu.memref_squeeze %dma_start3A_82 : memref<1x2x1x128xi32, #tpu.memory_space<hbm>> -> memref<2x1x128xi32, #tpu.memory_space<hbm>>
          tpu.enqueue_dma source(%dma_start3A_83 : memref<2x1x128xi32, #tpu.memory_space<hbm>>) target(%dma_start3A_79 : memref<2x1x128xi32, #tpu.memory_space<vmem>>) target_semaphore(%arg12 : memref<!tpu.dma_semaphore, #tpu.memory_space<semaphore_mem>>)
          %dma_start3A_84 = arith.constant 0 : i32
          %dma_start3A_85 = arith.constant 0 : i32
          %dma_start3A_86 = arith.constant 0 : i32
          %dma_start3A_87 = tpu.memref_slice %arg9[%sub3A_37, %dma_start3A_84, %dma_start3A_85, %dma_start3A_86] : memref<2x2x1x128xi32, #tpu.memory_space<vmem>> -> memref<1x2x1x128xi32, #tpu.memory_space<vmem>>
          %dma_start3A_88 = tpu.memref_squeeze %dma_start3A_87 : memref<1x2x1x128xi32, #tpu.memory_space<vmem>> -> memref<2x1x128xi32, #tpu.memory_space<vmem>>
          %dma_start3A_89 = arith.constant 0 : i32
          %dma_start3A_90 = arith.constant 0 : i32
          %dma_start3A_91 = tpu.memref_slice %arg4[%arg1, %mul3A_56, %dma_start3A_89, %dma_start3A_90] : memref<16x80x1x128xi32, #tpu.memory_space<hbm>> -> memref<1x2x1x128xi32, #tpu.memory_space<hbm>>
          %dma_start3A_92 = tpu.memref_squeeze %dma_start3A_91 : memref<1x2x1x128xi32, #tpu.memory_space<hbm>> -> memref<2x1x128xi32, #tpu.memory_space<hbm>>
          %dma_start3A_93 = arith.constant 0 : i32
          %dma_start3A_94 = arith.constant 0 : i32
          %dma_start3A_95 = arith.constant 0 : i32
          %dma_start3A_96 = tpu.memref_slice %arg9[%sub3A_37, %dma_start3A_93, %dma_start3A_94, %dma_start3A_95] : memref<2x2x1x128xi32, #tpu.memory_space<vmem>> -> memref<1x2x1x128xi32, #tpu.memory_space<vmem>>
          %dma_start3A_97 = tpu.memref_squeeze %dma_start3A_96 : memref<1x2x1x128xi32, #tpu.memory_space<vmem>> -> memref<2x1x128xi32, #tpu.memory_space<vmem>>
          %dma_start3A_98 = arith.constant 0 : i32
          %dma_start3A_99 = arith.constant 0 : i32
          %dma_start3A_100 = tpu.memref_slice %arg4[%arg1, %mul3A_56, %dma_start3A_98, %dma_start3A_99] : memref<16x80x1x128xi32, #tpu.memory_space<hbm>> -> memref<1x2x1x128xi32, #tpu.memory_space<hbm>>
          %dma_start3A_101 = tpu.memref_squeeze %dma_start3A_100 : memref<1x2x1x128xi32, #tpu.memory_space<hbm>> -> memref<2x1x128xi32, #tpu.memory_space<hbm>>
          tpu.enqueue_dma source(%dma_start3A_101 : memref<2x1x128xi32, #tpu.memory_space<hbm>>) target(%dma_start3A_97 : memref<2x1x128xi32, #tpu.memory_space<vmem>>) target_semaphore(%arg12 : memref<!tpu.dma_semaphore, #tpu.memory_space<semaphore_mem>>)
        } else {
        }
        %eq3A_62 = arith.constant 1 : i32
        %eq3A_63 = arith.cmpi eq, %arg0, %eq3A_62 : i32
        %convert_element_type3A_64 = arith.extui %eq3A_63 : i1 to i32
        %cond3A_65 = arith.constant 0 : i32
        %cond3A_66 = arith.cmpi ne, %convert_element_type3A_64, %cond3A_65 : i32
        scf.if %cond3A_66 {
          %dma_start3A = arith.constant 0 : i32
          %dma_start3A_67 = arith.constant 0 : i32
          %dma_start3A_68 = arith.constant 0 : i32
          %dma_start3A_69 = tpu.memref_slice %arg8[%sub3A_37, %dma_start3A, %dma_start3A_67, %dma_start3A_68] : memref<2x2x1x128xi32, #tpu.memory_space<vmem>> -> memref<1x2x1x128xi32, #tpu.memory_space<vmem>>
          %dma_start3A_70 = tpu.memref_squeeze %dma_start3A_69 : memref<1x2x1x128xi32, #tpu.memory_space<vmem>> -> memref<2x1x128xi32, #tpu.memory_space<vmem>>
          %dma_start3A_71 = arith.constant 0 : i32
          %dma_start3A_72 = arith.constant 0 : i32
          %dma_start3A_73 = tpu.memref_slice %arg5[%arg1, %mul3A_56, %dma_start3A_71, %dma_start3A_72] : memref<16x80x1x128xi32, #tpu.memory_space<hbm>> -> memref<1x2x1x128xi32, #tpu.memory_space<hbm>>
          %dma_start3A_74 = tpu.memref_squeeze %dma_start3A_73 : memref<1x2x1x128xi32, #tpu.memory_space<hbm>> -> memref<2x1x128xi32, #tpu.memory_space<hbm>>
          %dma_start3A_75 = arith.constant 0 : i32
          %dma_start3A_76 = arith.constant 0 : i32
          %dma_start3A_77 = arith.constant 0 : i32
          %dma_start3A_78 = tpu.memref_slice %arg8[%sub3A_37, %dma_start3A_75, %dma_start3A_76, %dma_start3A_77] : memref<2x2x1x128xi32, #tpu.memory_space<vmem>> -> memref<1x2x1x128xi32, #tpu.memory_space<vmem>>
          %dma_start3A_79 = tpu.memref_squeeze %dma_start3A_78 : memref<1x2x1x128xi32, #tpu.memory_space<vmem>> -> memref<2x1x128xi32, #tpu.memory_space<vmem>>
          %dma_start3A_80 = arith.constant 0 : i32
          %dma_start3A_81 = arith.constant 0 : i32
          %dma_start3A_82 = tpu.memref_slice %arg5[%arg1, %mul3A_56, %dma_start3A_80, %dma_start3A_81] : memref<16x80x1x128xi32, #tpu.memory_space<hbm>> -> memref<1x2x1x128xi32, #tpu.memory_space<hbm>>
          %dma_start3A_83 = tpu.memref_squeeze %dma_start3A_82 : memref<1x2x1x128xi32, #tpu.memory_space<hbm>> -> memref<2x1x128xi32, #tpu.memory_space<hbm>>
          tpu.enqueue_dma source(%dma_start3A_83 : memref<2x1x128xi32, #tpu.memory_space<hbm>>) target(%dma_start3A_79 : memref<2x1x128xi32, #tpu.memory_space<vmem>>) target_semaphore(%arg12 : memref<!tpu.dma_semaphore, #tpu.memory_space<semaphore_mem>>)
          %dma_start3A_84 = arith.constant 0 : i32
          %dma_start3A_85 = arith.constant 0 : i32
          %dma_start3A_86 = arith.constant 0 : i32
          %dma_start3A_87 = tpu.memref_slice %arg9[%sub3A_37, %dma_start3A_84, %dma_start3A_85, %dma_start3A_86] : memref<2x2x1x128xi32, #tpu.memory_space<vmem>> -> memref<1x2x1x128xi32, #tpu.memory_space<vmem>>
          %dma_start3A_88 = tpu.memref_squeeze %dma_start3A_87 : memref<1x2x1x128xi32, #tpu.memory_space<vmem>> -> memref<2x1x128xi32, #tpu.memory_space<vmem>>
          %dma_start3A_89 = arith.constant 0 : i32
          %dma_start3A_90 = arith.constant 0 : i32
          %dma_start3A_91 = tpu.memref_slice %arg6[%arg1, %mul3A_56, %dma_start3A_89, %dma_start3A_90] : memref<16x80x1x128xi32, #tpu.memory_space<hbm>> -> memref<1x2x1x128xi32, #tpu.memory_space<hbm>>
          %dma_start3A_92 = tpu.memref_squeeze %dma_start3A_91 : memref<1x2x1x128xi32, #tpu.memory_space<hbm>> -> memref<2x1x128xi32, #tpu.memory_space<hbm>>
          %dma_start3A_93 = arith.constant 0 : i32
          %dma_start3A_94 = arith.constant 0 : i32
          %dma_start3A_95 = arith.constant 0 : i32
          %dma_start3A_96 = tpu.memref_slice %arg9[%sub3A_37, %dma_start3A_93, %dma_start3A_94, %dma_start3A_95] : memref<2x2x1x128xi32, #tpu.memory_space<vmem>> -> memref<1x2x1x128xi32, #tpu.memory_space<vmem>>
          %dma_start3A_97 = tpu.memref_squeeze %dma_start3A_96 : memref<1x2x1x128xi32, #tpu.memory_space<vmem>> -> memref<2x1x128xi32, #tpu.memory_space<vmem>>
          %dma_start3A_98 = arith.constant 0 : i32
          %dma_start3A_99 = arith.constant 0 : i32
          %dma_start3A_100 = tpu.memref_slice %arg6[%arg1, %mul3A_56, %dma_start3A_98, %dma_start3A_99] : memref<16x80x1x128xi32, #tpu.memory_space<hbm>> -> memref<1x2x1x128xi32, #tpu.memory_space<hbm>>
          %dma_start3A_101 = tpu.memref_squeeze %dma_start3A_100 : memref<1x2x1x128xi32, #tpu.memory_space<hbm>> -> memref<2x1x128xi32, #tpu.memory_space<hbm>>
          tpu.enqueue_dma source(%dma_start3A_101 : memref<2x1x128xi32, #tpu.memory_space<hbm>>) target(%dma_start3A_97 : memref<2x1x128xi32, #tpu.memory_space<vmem>>) target_semaphore(%arg12 : memref<!tpu.dma_semaphore, #tpu.memory_space<semaphore_mem>>)
        } else {
        }
      } else {
      }
      %lt3A_42 = arith.cmpi slt, %scan3A_34, %select_n3A : i32
      %convert_element_type3A_43 = arith.extui %lt3A_42 : i1 to i32
      %cond3A_44 = arith.constant 0 : i32
      %cond3A_45 = arith.cmpi ne, %convert_element_type3A_43, %cond3A_44 : i32
      scf.if %cond3A_45 {
        %dma_start3A = arith.constant 0 : i32
        %dma_start3A_53 = arith.constant 0 : i32
        %dma_start3A_54 = arith.constant 0 : i32
        %dma_start3A_55 = arith.constant 0 : i32
        %dma_start3A_56 = arith.constant 0 : i32
        %dma_start3A_57 = tpu.memref_slice %arg10[%dma_start3A_54, %dma_start3A_55, %dma_start3A_56] : memref<2x128x128xf32, #tpu.memory_space<vmem>> -> memref<1x128x128xf32, #tpu.memory_space<vmem>>
        %dma_start3A_58 = tpu.memref_squeeze %dma_start3A_57 : memref<1x128x128xf32, #tpu.memory_space<vmem>> -> memref<128x128xf32, #tpu.memory_space<vmem>>
        %dma_start3A_59 = arith.constant 0 : i32
        %dma_start3A_60 = tpu.memref_slice %arg8[%rem3A_36, %dma_start3A, %dma_start3A_53, %dma_start3A_59] : memref<2x2x1x128xi32, #tpu.memory_space<vmem>> -> memref<1x1x1x128xi32, #tpu.memory_space<vmem>>
        %dma_start3A_61 = tpu.memref_squeeze %dma_start3A_60 : memref<1x1x1x128xi32, #tpu.memory_space<vmem>> -> memref<128xi32, #tpu.memory_space<vmem>>
        %dma_start3A_62 = arith.constant 0 : i32
        %dma_start3A_63 = arith.constant 0 : i32
        %dma_start3A_64 = tpu.memref_slice %arg2[%dma_start3A_62, %dma_start3A_63] : memref<10240x128xf32, #tpu.memory_space<hbm>> -> memref<10240x128xf32, #tpu.memory_space<hbm>>
        tpu.enqueue_indirect_dma source(%dma_start3A_64 : memref<10240x128xf32, #tpu.memory_space<hbm>>) target(%dma_start3A_58 : memref<128x128xf32, #tpu.memory_space<vmem>>) offsets(%dma_start3A_61 : memref<128xi32, #tpu.memory_space<vmem>>) semaphore(%arg13 : memref<!tpu.dma_semaphore, #tpu.memory_space<semaphore_mem>>)
        %dma_start3A_65 = arith.constant 1 : i32
        %dma_start3A_66 = arith.constant 0 : i32
        %dma_start3A_67 = arith.constant 1 : i32
        %dma_start3A_68 = arith.constant 0 : i32
        %dma_start3A_69 = arith.constant 0 : i32
        %dma_start3A_70 = tpu.memref_slice %arg10[%dma_start3A_67, %dma_start3A_68, %dma_start3A_69] : memref<2x128x128xf32, #tpu.memory_space<vmem>> -> memref<1x128x128xf32, #tpu.memory_space<vmem>>
        %dma_start3A_71 = tpu.memref_squeeze %dma_start3A_70 : memref<1x128x128xf32, #tpu.memory_space<vmem>> -> memref<128x128xf32, #tpu.memory_space<vmem>>
        %dma_start3A_72 = arith.constant 0 : i32
        %dma_start3A_73 = tpu.memref_slice %arg8[%rem3A_36, %dma_start3A_65, %dma_start3A_66, %dma_start3A_72] : memref<2x2x1x128xi32, #tpu.memory_space<vmem>> -> memref<1x1x1x128xi32, #tpu.memory_space<vmem>>
        %dma_start3A_74 = tpu.memref_squeeze %dma_start3A_73 : memref<1x1x1x128xi32, #tpu.memory_space<vmem>> -> memref<128xi32, #tpu.memory_space<vmem>>
        %dma_start3A_75 = arith.constant 0 : i32
        %dma_start3A_76 = arith.constant 0 : i32
        %dma_start3A_77 = tpu.memref_slice %arg2[%dma_start3A_75, %dma_start3A_76] : memref<10240x128xf32, #tpu.memory_space<hbm>> -> memref<10240x128xf32, #tpu.memory_space<hbm>>
        tpu.enqueue_indirect_dma source(%dma_start3A_77 : memref<10240x128xf32, #tpu.memory_space<hbm>>) target(%dma_start3A_71 : memref<128x128xf32, #tpu.memory_space<vmem>>) offsets(%dma_start3A_74 : memref<128xi32, #tpu.memory_space<vmem>>) semaphore(%arg13 : memref<!tpu.dma_semaphore, #tpu.memory_space<semaphore_mem>>)
        %dma_wait3A = arith.constant 0 : i32
        %dma_wait3A_78 = arith.constant 0 : i32
        %dma_wait3A_79 = arith.constant 0 : i32
        %dma_wait3A_80 = arith.constant 0 : i32
        %dma_wait3A_81 = arith.constant 0 : i32
        %dma_wait3A_82 = tpu.memref_slice %arg10[%dma_wait3A_79, %dma_wait3A_80, %dma_wait3A_81] : memref<2x128x128xf32, #tpu.memory_space<vmem>> -> memref<1x128x128xf32, #tpu.memory_space<vmem>>
        %dma_wait3A_83 = tpu.memref_squeeze %dma_wait3A_82 : memref<1x128x128xf32, #tpu.memory_space<vmem>> -> memref<128x128xf32, #tpu.memory_space<vmem>>
        %dma_wait3A_84 = arith.constant 0 : i32
        %dma_wait3A_85 = tpu.memref_slice %arg8[%rem3A_36, %dma_wait3A, %dma_wait3A_78, %dma_wait3A_84] : memref<2x2x1x128xi32, #tpu.memory_space<vmem>> -> memref<1x1x1x128xi32, #tpu.memory_space<vmem>>
        %dma_wait3A_86 = tpu.memref_squeeze %dma_wait3A_85 : memref<1x1x1x128xi32, #tpu.memory_space<vmem>> -> memref<128xi32, #tpu.memory_space<vmem>>
        %dma_wait3A_87 = arith.constant 0 : i32
        %dma_wait3A_88 = arith.constant 0 : i32
        %dma_wait3A_89 = tpu.memref_slice %arg2[%dma_wait3A_87, %dma_wait3A_88] : memref<10240x128xf32, #tpu.memory_space<hbm>> -> memref<10240x128xf32, #tpu.memory_space<hbm>>
        tpu.wait_indirect_dma semaphore(%arg13 : memref<!tpu.dma_semaphore, #tpu.memory_space<semaphore_mem>>) src(%dma_wait3A_89 : memref<10240x128xf32, #tpu.memory_space<hbm>>) dst(%dma_wait3A_83 : memref<128x128xf32, #tpu.memory_space<vmem>>)
        %dma_start3A_90 = arith.constant 0 : i32
        %dma_start3A_91 = arith.constant 0 : i32
        %dma_start3A_92 = arith.constant 0 : i32
        %dma_start3A_93 = arith.constant 0 : i32
        %dma_start3A_94 = arith.constant 0 : i32
        %dma_start3A_95 = tpu.memref_slice %arg10[%dma_start3A_90, %dma_start3A_93, %dma_start3A_94] : memref<2x128x128xf32, #tpu.memory_space<vmem>> -> memref<1x128x128xf32, #tpu.memory_space<vmem>>
        %dma_start3A_96 = tpu.memref_squeeze %dma_start3A_95 : memref<1x128x128xf32, #tpu.memory_space<vmem>> -> memref<128x128xf32, #tpu.memory_space<vmem>>
        %dma_start3A_97 = arith.constant 0 : i32
        %dma_start3A_98 = tpu.memref_slice %arg9[%rem3A_36, %dma_start3A_91, %dma_start3A_92, %dma_start3A_97] : memref<2x2x1x128xi32, #tpu.memory_space<vmem>> -> memref<1x1x1x128xi32, #tpu.memory_space<vmem>>
        %dma_start3A_99 = tpu.memref_squeeze %dma_start3A_98 : memref<1x1x1x128xi32, #tpu.memory_space<vmem>> -> memref<128xi32, #tpu.memory_space<vmem>>
        %dma_start3A_100 = arith.constant 0 : i32
        %dma_start3A_101 = arith.constant 0 : i32
        %dma_start3A_102 = tpu.memref_slice %arg11[%dma_start3A_100, %dma_start3A_101] : memref<10240x128xf32, #tpu.memory_space<vmem_shared>> -> memref<10240x128xf32, #tpu.memory_space<vmem_shared>>
        tpu.enqueue_indirect_dma source(%dma_start3A_96 : memref<128x128xf32, #tpu.memory_space<vmem>>) target(%dma_start3A_102 : memref<10240x128xf32, #tpu.memory_space<vmem_shared>>) offsets(%dma_start3A_99 : memref<128xi32, #tpu.memory_space<vmem>>) semaphore(%arg14 : memref<!tpu.dma_semaphore, #tpu.memory_space<semaphore_mem>>) {add = true}
        %dma_wait3A_103 = arith.constant 1 : i32
        %dma_wait3A_104 = arith.constant 0 : i32
        %dma_wait3A_105 = arith.constant 1 : i32
        %dma_wait3A_106 = arith.constant 0 : i32
        %dma_wait3A_107 = arith.constant 0 : i32
        %dma_wait3A_108 = tpu.memref_slice %arg10[%dma_wait3A_105, %dma_wait3A_106, %dma_wait3A_107] : memref<2x128x128xf32, #tpu.memory_space<vmem>> -> memref<1x128x128xf32, #tpu.memory_space<vmem>>
        %dma_wait3A_109 = tpu.memref_squeeze %dma_wait3A_108 : memref<1x128x128xf32, #tpu.memory_space<vmem>> -> memref<128x128xf32, #tpu.memory_space<vmem>>
        %dma_wait3A_110 = arith.constant 0 : i32
        %dma_wait3A_111 = tpu.memref_slice %arg8[%rem3A_36, %dma_wait3A_103, %dma_wait3A_104, %dma_wait3A_110] : memref<2x2x1x128xi32, #tpu.memory_space<vmem>> -> memref<1x1x1x128xi32, #tpu.memory_space<vmem>>
        %dma_wait3A_112 = tpu.memref_squeeze %dma_wait3A_111 : memref<1x1x1x128xi32, #tpu.memory_space<vmem>> -> memref<128xi32, #tpu.memory_space<vmem>>
        %dma_wait3A_113 = arith.constant 0 : i32
        %dma_wait3A_114 = arith.constant 0 : i32
        %dma_wait3A_115 = tpu.memref_slice %arg2[%dma_wait3A_113, %dma_wait3A_114] : memref<10240x128xf32, #tpu.memory_space<hbm>> -> memref<10240x128xf32, #tpu.memory_space<hbm>>
        tpu.wait_indirect_dma semaphore(%arg13 : memref<!tpu.dma_semaphore, #tpu.memory_space<semaphore_mem>>) src(%dma_wait3A_115 : memref<10240x128xf32, #tpu.memory_space<hbm>>) dst(%dma_wait3A_109 : memref<128x128xf32, #tpu.memory_space<vmem>>)
        %dma_start3A_116 = arith.constant 1 : i32
        %dma_start3A_117 = arith.constant 1 : i32
        %dma_start3A_118 = arith.constant 0 : i32
        %dma_start3A_119 = arith.constant 0 : i32
        %dma_start3A_120 = arith.constant 0 : i32
        %dma_start3A_121 = tpu.memref_slice %arg10[%dma_start3A_116, %dma_start3A_119, %dma_start3A_120] : memref<2x128x128xf32, #tpu.memory_space<vmem>> -> memref<1x128x128xf32, #tpu.memory_space<vmem>>
        %dma_start3A_122 = tpu.memref_squeeze %dma_start3A_121 : memref<1x128x128xf32, #tpu.memory_space<vmem>> -> memref<128x128xf32, #tpu.memory_space<vmem>>
        %dma_start3A_123 = arith.constant 0 : i32
        %dma_start3A_124 = tpu.memref_slice %arg9[%rem3A_36, %dma_start3A_117, %dma_start3A_118, %dma_start3A_123] : memref<2x2x1x128xi32, #tpu.memory_space<vmem>> -> memref<1x1x1x128xi32, #tpu.memory_space<vmem>>
        %dma_start3A_125 = tpu.memref_squeeze %dma_start3A_124 : memref<1x1x1x128xi32, #tpu.memory_space<vmem>> -> memref<128xi32, #tpu.memory_space<vmem>>
        %dma_start3A_126 = arith.constant 0 : i32
        %dma_start3A_127 = arith.constant 0 : i32
        %dma_start3A_128 = tpu.memref_slice %arg11[%dma_start3A_126, %dma_start3A_127] : memref<10240x128xf32, #tpu.memory_space<vmem_shared>> -> memref<10240x128xf32, #tpu.memory_space<vmem_shared>>
        tpu.enqueue_indirect_dma source(%dma_start3A_122 : memref<128x128xf32, #tpu.memory_space<vmem>>) target(%dma_start3A_128 : memref<10240x128xf32, #tpu.memory_space<vmem_shared>>) offsets(%dma_start3A_125 : memref<128xi32, #tpu.memory_space<vmem>>) semaphore(%arg14 : memref<!tpu.dma_semaphore, #tpu.memory_space<semaphore_mem>>) {add = true}
        %dma_wait3A_129 = arith.constant 0 : i32
        %dma_wait3A_130 = arith.constant 0 : i32
        %dma_wait3A_131 = arith.constant 0 : i32
        %dma_wait3A_132 = arith.constant 0 : i32
        %dma_wait3A_133 = arith.constant 0 : i32
        %dma_wait3A_134 = tpu.memref_slice %arg10[%dma_wait3A_129, %dma_wait3A_132, %dma_wait3A_133] : memref<2x128x128xf32, #tpu.memory_space<vmem>> -> memref<1x128x128xf32, #tpu.memory_space<vmem>>
        %dma_wait3A_135 = tpu.memref_squeeze %dma_wait3A_134 : memref<1x128x128xf32, #tpu.memory_space<vmem>> -> memref<128x128xf32, #tpu.memory_space<vmem>>
        %dma_wait3A_136 = arith.constant 0 : i32
        %dma_wait3A_137 = tpu.memref_slice %arg9[%rem3A_36, %dma_wait3A_130, %dma_wait3A_131, %dma_wait3A_136] : memref<2x2x1x128xi32, #tpu.memory_space<vmem>> -> memref<1x1x1x128xi32, #tpu.memory_space<vmem>>
        %dma_wait3A_138 = tpu.memref_squeeze %dma_wait3A_137 : memref<1x1x1x128xi32, #tpu.memory_space<vmem>> -> memref<128xi32, #tpu.memory_space<vmem>>
        %dma_wait3A_139 = arith.constant 0 : i32
        %dma_wait3A_140 = arith.constant 0 : i32
        %dma_wait3A_141 = tpu.memref_slice %arg11[%dma_wait3A_139, %dma_wait3A_140] : memref<10240x128xf32, #tpu.memory_space<vmem_shared>> -> memref<10240x128xf32, #tpu.memory_space<vmem_shared>>
        tpu.wait_indirect_dma semaphore(%arg14 : memref<!tpu.dma_semaphore, #tpu.memory_space<semaphore_mem>>) src(%dma_wait3A_135 : memref<128x128xf32, #tpu.memory_space<vmem>>) dst(%dma_wait3A_141 : memref<10240x128xf32, #tpu.memory_space<vmem_shared>>)
        %dma_wait3A_142 = arith.constant 1 : i32
        %dma_wait3A_143 = arith.constant 1 : i32
        %dma_wait3A_144 = arith.constant 0 : i32
        %dma_wait3A_145 = arith.constant 0 : i32
        %dma_wait3A_146 = arith.constant 0 : i32
        %dma_wait3A_147 = tpu.memref_slice %arg10[%dma_wait3A_142, %dma_wait3A_145, %dma_wait3A_146] : memref<2x128x128xf32, #tpu.memory_space<vmem>> -> memref<1x128x128xf32, #tpu.memory_space<vmem>>
        %dma_wait3A_148 = tpu.memref_squeeze %dma_wait3A_147 : memref<1x128x128xf32, #tpu.memory_space<vmem>> -> memref<128x128xf32, #tpu.memory_space<vmem>>
        %dma_wait3A_149 = arith.constant 0 : i32
        %dma_wait3A_150 = tpu.memref_slice %arg9[%rem3A_36, %dma_wait3A_143, %dma_wait3A_144, %dma_wait3A_149] : memref<2x2x1x128xi32, #tpu.memory_space<vmem>> -> memref<1x1x1x128xi32, #tpu.memory_space<vmem>>
        %dma_wait3A_151 = tpu.memref_squeeze %dma_wait3A_150 : memref<1x1x1x128xi32, #tpu.memory_space<vmem>> -> memref<128xi32, #tpu.memory_space<vmem>>
        %dma_wait3A_152 = arith.constant 0 : i32
        %dma_wait3A_153 = arith.constant 0 : i32
        %dma_wait3A_154 = tpu.memref_slice %arg11[%dma_wait3A_152, %dma_wait3A_153] : memref<10240x128xf32, #tpu.memory_space<vmem_shared>> -> memref<10240x128xf32, #tpu.memory_space<vmem_shared>>
        tpu.wait_indirect_dma semaphore(%arg14 : memref<!tpu.dma_semaphore, #tpu.memory_space<semaphore_mem>>) src(%dma_wait3A_148 : memref<128x128xf32, #tpu.memory_space<vmem>>) dst(%dma_wait3A_154 : memref<10240x128xf32, #tpu.memory_space<vmem_shared>>)
      } else {
      }
      %add3A_46 = arith.constant 1 : i32
      %add3A_47 = arith.addi %scan3A_34, %add3A_46 : i32
      %lt3A_48 = arith.cmpi slt, %add3A_47, %select_n3A : i32
      %convert_element_type3A_49 = arith.extui %lt3A_48 : i1 to i32
      %cond3A_50 = arith.constant 0 : i32
      %cond3A_51 = arith.cmpi ne, %convert_element_type3A_49, %cond3A_50 : i32
      scf.if %cond3A_51 {
        %dma_wait3A = arith.constant 0 : i32
        %dma_wait3A_53 = arith.constant 0 : i32
        %dma_wait3A_54 = arith.constant 0 : i32
        %dma_wait3A_55 = tpu.memref_slice %arg8[%sub3A_37, %dma_wait3A, %dma_wait3A_53, %dma_wait3A_54] : memref<2x2x1x128xi32, #tpu.memory_space<vmem>> -> memref<1x2x1x128xi32, #tpu.memory_space<vmem>>
        %dma_wait3A_56 = tpu.memref_squeeze %dma_wait3A_55 : memref<1x2x1x128xi32, #tpu.memory_space<vmem>> -> memref<2x1x128xi32, #tpu.memory_space<vmem>>
        %dma_wait3A_57 = arith.constant 0 : i32
        %dma_wait3A_58 = arith.constant 0 : i32
        %dma_wait3A_59 = arith.constant 0 : i32
        %dma_wait3A_60 = tpu.memref_slice %arg3[%arg1, %dma_wait3A_57, %dma_wait3A_58, %dma_wait3A_59] : memref<16x80x1x128xi32, #tpu.memory_space<hbm>> -> memref<1x2x1x128xi32, #tpu.memory_space<hbm>>
        %dma_wait3A_61 = tpu.memref_squeeze %dma_wait3A_60 : memref<1x2x1x128xi32, #tpu.memory_space<hbm>> -> memref<2x1x128xi32, #tpu.memory_space<hbm>>
        %dma_wait3A_62 = arith.constant 0 : i32
        %dma_wait3A_63 = arith.constant 0 : i32
        %dma_wait3A_64 = arith.constant 0 : i32
        %dma_wait3A_65 = tpu.memref_slice %arg8[%sub3A_37, %dma_wait3A_62, %dma_wait3A_63, %dma_wait3A_64] : memref<2x2x1x128xi32, #tpu.memory_space<vmem>> -> memref<1x2x1x128xi32, #tpu.memory_space<vmem>>
        %dma_wait3A_66 = tpu.memref_squeeze %dma_wait3A_65 : memref<1x2x1x128xi32, #tpu.memory_space<vmem>> -> memref<2x1x128xi32, #tpu.memory_space<vmem>>
        %dma_wait3A_67 = arith.constant 0 : i32
        %dma_wait3A_68 = arith.constant 0 : i32
        %dma_wait3A_69 = arith.constant 0 : i32
        %dma_wait3A_70 = tpu.memref_slice %arg3[%arg1, %dma_wait3A_67, %dma_wait3A_68, %dma_wait3A_69] : memref<16x80x1x128xi32, #tpu.memory_space<hbm>> -> memref<1x2x1x128xi32, #tpu.memory_space<hbm>>
        %dma_wait3A_71 = tpu.memref_squeeze %dma_wait3A_70 : memref<1x2x1x128xi32, #tpu.memory_space<hbm>> -> memref<2x1x128xi32, #tpu.memory_space<hbm>>
        tpu.wait_dma2 semaphore(%arg12 : memref<!tpu.dma_semaphore, #tpu.memory_space<semaphore_mem>>) src(%dma_wait3A_71 : memref<2x1x128xi32, #tpu.memory_space<hbm>>) dst(%dma_wait3A_66 : memref<2x1x128xi32, #tpu.memory_space<vmem>>)
        %dma_wait3A_72 = arith.constant 0 : i32
        %dma_wait3A_73 = arith.constant 0 : i32
        %dma_wait3A_74 = arith.constant 0 : i32
        %dma_wait3A_75 = tpu.memref_slice %arg9[%sub3A_37, %dma_wait3A_72, %dma_wait3A_73, %dma_wait3A_74] : memref<2x2x1x128xi32, #tpu.memory_space<vmem>> -> memref<1x2x1x128xi32, #tpu.memory_space<vmem>>
        %dma_wait3A_76 = tpu.memref_squeeze %dma_wait3A_75 : memref<1x2x1x128xi32, #tpu.memory_space<vmem>> -> memref<2x1x128xi32, #tpu.memory_space<vmem>>
        %dma_wait3A_77 = arith.constant 0 : i32
        %dma_wait3A_78 = arith.constant 0 : i32
        %dma_wait3A_79 = arith.constant 0 : i32
        %dma_wait3A_80 = tpu.memref_slice %arg4[%arg1, %dma_wait3A_77, %dma_wait3A_78, %dma_wait3A_79] : memref<16x80x1x128xi32, #tpu.memory_space<hbm>> -> memref<1x2x1x128xi32, #tpu.memory_space<hbm>>
        %dma_wait3A_81 = tpu.memref_squeeze %dma_wait3A_80 : memref<1x2x1x128xi32, #tpu.memory_space<hbm>> -> memref<2x1x128xi32, #tpu.memory_space<hbm>>
        %dma_wait3A_82 = arith.constant 0 : i32
        %dma_wait3A_83 = arith.constant 0 : i32
        %dma_wait3A_84 = arith.constant 0 : i32
        %dma_wait3A_85 = tpu.memref_slice %arg9[%sub3A_37, %dma_wait3A_82, %dma_wait3A_83, %dma_wait3A_84] : memref<2x2x1x128xi32, #tpu.memory_space<vmem>> -> memref<1x2x1x128xi32, #tpu.memory_space<vmem>>
        %dma_wait3A_86 = tpu.memref_squeeze %dma_wait3A_85 : memref<1x2x1x128xi32, #tpu.memory_space<vmem>> -> memref<2x1x128xi32, #tpu.memory_space<vmem>>
        %dma_wait3A_87 = arith.constant 0 : i32
        %dma_wait3A_88 = arith.constant 0 : i32
        %dma_wait3A_89 = arith.constant 0 : i32
        %dma_wait3A_90 = tpu.memref_slice %arg4[%arg1, %dma_wait3A_87, %dma_wait3A_88, %dma_wait3A_89] : memref<16x80x1x128xi32, #tpu.memory_space<hbm>> -> memref<1x2x1x128xi32, #tpu.memory_space<hbm>>
        %dma_wait3A_91 = tpu.memref_squeeze %dma_wait3A_90 : memref<1x2x1x128xi32, #tpu.memory_space<hbm>> -> memref<2x1x128xi32, #tpu.memory_space<hbm>>
        tpu.wait_dma2 semaphore(%arg12 : memref<!tpu.dma_semaphore, #tpu.memory_space<semaphore_mem>>) src(%dma_wait3A_91 : memref<2x1x128xi32, #tpu.memory_space<hbm>>) dst(%dma_wait3A_86 : memref<2x1x128xi32, #tpu.memory_space<vmem>>)
      } else {
      }
      %scan3A_52 = arith.constant 0 : i32
      scf.yield %scan3A_52 : i32
    }
    %scan3A_29 = arith.constant 40 : i32
    %barrier3A_30 = arith.constant 0 : index
    tpu.barrier barrier_id(%barrier3A_30)
    %mul3A = arith.constant 640 : i32
    %mul3A_31 = arith.muli %arg1, %mul3A : i32
    %mul3A_32 = arith.constant 640 : i32
    %mul3A_33 = arith.muli %arg1, %mul3A_32 : i32
    "tpu.region"() ({
      %run_scoped3A = tpu.sem_alloc : memref<!tpu.dma_semaphore, #tpu.memory_space<semaphore_mem>>
      %dma_start3A = arith.constant 0 : i32
      %dma_start3A_34 = tpu.memref_slice %arg7[%arg0, %mul3A_33, %dma_start3A] : memref<2x10240x128xf32, #tpu.memory_space<hbm>> -> memref<1x640x128xf32, #tpu.memory_space<hbm>>
      %dma_start3A_35 = tpu.memref_squeeze %dma_start3A_34 : memref<1x640x128xf32, #tpu.memory_space<hbm>> -> memref<640x128xf32, #tpu.memory_space<hbm>>
      %dma_start3A_36 = arith.constant 0 : i32
      %dma_start3A_37 = tpu.memref_slice %arg11[%mul3A_31, %dma_start3A_36] : memref<10240x128xf32, #tpu.memory_space<vmem_shared>> -> memref<640x128xf32, #tpu.memory_space<vmem_shared>>
      tpu.enqueue_dma source(%dma_start3A_37 : memref<640x128xf32, #tpu.memory_space<vmem_shared>>) target(%dma_start3A_35 : memref<640x128xf32, #tpu.memory_space<hbm>>) target_semaphore(%run_scoped3A : memref<!tpu.dma_semaphore, #tpu.memory_space<semaphore_mem>>)
      %dma_wait3A = arith.constant 0 : i32
      %dma_wait3A_38 = tpu.memref_slice %arg7[%arg0, %mul3A_33, %dma_wait3A] : memref<2x10240x128xf32, #tpu.memory_space<hbm>> -> memref<1x640x128xf32, #tpu.memory_space<hbm>>
      %dma_wait3A_39 = tpu.memref_squeeze %dma_wait3A_38 : memref<1x640x128xf32, #tpu.memory_space<hbm>> -> memref<640x128xf32, #tpu.memory_space<hbm>>
      %dma_wait3A_40 = arith.constant 0 : i32
      %dma_wait3A_41 = tpu.memref_slice %arg11[%mul3A_31, %dma_wait3A_40] : memref<10240x128xf32, #tpu.memory_space<vmem_shared>> -> memref<640x128xf32, #tpu.memory_space<vmem_shared>>
      tpu.wait_dma2 semaphore(%run_scoped3A : memref<!tpu.dma_semaphore, #tpu.memory_space<semaphore_mem>>) src(%dma_wait3A_41 : memref<640x128xf32, #tpu.memory_space<vmem_shared>>) dst(%dma_wait3A_39 : memref<640x128xf32, #tpu.memory_space<hbm>>)
      tpu.yield
    }) : () -> ()
    return
  }
}

#map = affine_map<(d0, d1) -> (0, 0)>
#map1 = affine_map<(d0, d1) -> (0, 0, 0, 0)>
#map2 = affine_map<(d0, d1) -> (0, 0, 0)>
module attributes {stable_mosaic.version = 14 : i64} {
  func.func @_scatter_body(%arg0: i32, %arg1: i32, %arg2: memref<10240x128xf32, #tpu.memory_space<hbm>>, %arg3: memref<16x80x1x128xi32, #tpu.memory_space<hbm>>, %arg4: memref<16x80x1x128xi32, #tpu.memory_space<hbm>>, %arg5: memref<16x80x1x128xi32, #tpu.memory_space<hbm>>, %arg6: memref<16x80x1x128xi32, #tpu.memory_space<hbm>>, %arg7: memref<2x10240x128xf32, #tpu.memory_space<hbm>>, %arg8: memref<2x2x1x128xi32, #tpu.memory_space<vmem>>, %arg9: memref<2x2x1x128xi32, #tpu.memory_space<vmem>>, %arg10: memref<2x128x128xf32, #tpu.memory_space<vmem>>, %arg11: memref<10240x128xf32, #tpu.memory_space<vmem_shared>>, %arg12: memref<!tpu.dma_semaphore, #tpu.memory_space<semaphore_mem>>, %arg13: memref<!tpu.dma_semaphore, #tpu.memory_space<semaphore_mem>>, %arg14: memref<!tpu.dma_semaphore, #tpu.memory_space<semaphore_mem>>) attributes {dimension_semantics = [#tpu.dimension_semantics<core_parallel>, #tpu.dimension_semantics<subcore_parallel>], iteration_bounds = array<i64: 2, 16>, scalar_prefetch = 0 : i64, scratch_operands = 7 : i64, tpu.core_type = #tpu.core_type<sc_vector_subcore>, window_params = [{transform_indices = #map}, {transform_indices = #map1}, {transform_indices = #map1}, {transform_indices = #map1}, {transform_indices = #map1}, {transform_indices = #map2}]} {
    %eq3A = arith.constant 0 : i32
    %eq3A_0 = arith.cmpi eq, %arg0, %eq3A : i32
    %jit3A = arith.constant 40 : i32
    %jit3A_1 = arith.constant 40 : i32
    %select_n3A = arith.select %eq3A_0, %jit3A, %jit3A_1 : i32
    %eq3A_2 = arith.constant 0 : i32
    %eq3A_3 = arith.cmpi eq, %arg0, %eq3A_2 : i32
    %convert_element_type3A = arith.extui %eq3A_3 : i1 to i32
    %cond3A = arith.constant 0 : i32
    %cond3A_4 = arith.cmpi ne, %convert_element_type3A, %cond3A : i32
    scf.if %cond3A_4 {
      %run_scoped3A = arith.constant 0 : i32
      "tpu.region"() ({
        %run_scoped3A_35 = tpu.sem_alloc : memref<!tpu.dma_semaphore, #tpu.memory_space<semaphore_mem>>
        %dma_start3A = arith.constant 0 : i32
        %dma_start3A_36 = arith.constant 0 : i32
        %dma_start3A_37 = arith.constant 0 : i32
        %dma_start3A_38 = tpu.memref_slice %arg8[%run_scoped3A, %dma_start3A, %dma_start3A_36, %dma_start3A_37] : memref<2x2x1x128xi32, #tpu.memory_space<vmem>> -> memref<1x2x1x128xi32, #tpu.memory_space<vmem>>
        %dma_start3A_39 = tpu.memref_squeeze %dma_start3A_38 : memref<1x2x1x128xi32, #tpu.memory_space<vmem>> -> memref<2x1x128xi32, #tpu.memory_space<vmem>>
        %dma_start3A_40 = arith.constant 0 : i32
        %dma_start3A_41 = arith.constant 0 : i32
        %dma_start3A_42 = arith.constant 0 : i32
        %dma_start3A_43 = tpu.memref_slice %arg3[%arg1, %dma_start3A_40, %dma_start3A_41, %dma_start3A_42] : memref<16x80x1x128xi32, #tpu.memory_space<hbm>> -> memref<1x2x1x128xi32, #tpu.memory_space<hbm>>
        %dma_start3A_44 = tpu.memref_squeeze %dma_start3A_43 : memref<1x2x1x128xi32, #tpu.memory_space<hbm>> -> memref<2x1x128xi32, #tpu.memory_space<hbm>>
        %dma_start3A_45 = arith.constant 0 : i32
        %dma_start3A_46 = arith.constant 0 : i32
        %dma_start3A_47 = arith.constant 0 : i32
        %dma_start3A_48 = tpu.memref_slice %arg8[%run_scoped3A, %dma_start3A_45, %dma_start3A_46, %dma_start3A_47] : memref<2x2x1x128xi32, #tpu.memory_space<vmem>> -> memref<1x2x1x128xi32, #tpu.memory_space<vmem>>
        %dma_start3A_49 = tpu.memref_squeeze %dma_start3A_48 : memref<1x2x1x128xi32, #tpu.memory_space<vmem>> -> memref<2x1x128xi32, #tpu.memory_space<vmem>>
        %dma_start3A_50 = arith.constant 0 : i32
        %dma_start3A_51 = arith.constant 0 : i32
        %dma_start3A_52 = arith.constant 0 : i32
        %dma_start3A_53 = tpu.memref_slice %arg3[%arg1, %dma_start3A_50, %dma_start3A_51, %dma_start3A_52] : memref<16x80x1x128xi32, #tpu.memory_space<hbm>> -> memref<1x2x1x128xi32, #tpu.memory_space<hbm>>
        %dma_start3A_54 = tpu.memref_squeeze %dma_start3A_53 : memref<1x2x1x128xi32, #tpu.memory_space<hbm>> -> memref<2x1x128xi32, #tpu.memory_space<hbm>>
        tpu.enqueue_dma source(%dma_start3A_54 : memref<2x1x128xi32, #tpu.memory_space<hbm>>) target(%dma_start3A_49 : memref<2x1x128xi32, #tpu.memory_space<vmem>>) target_semaphore(%run_scoped3A_35 : memref<!tpu.dma_semaphore, #tpu.memory_space<semaphore_mem>>)
        %dma_wait3A = arith.constant 0 : i32
        %dma_wait3A_55 = arith.constant 0 : i32
        %dma_wait3A_56 = arith.constant 0 : i32
        %dma_wait3A_57 = tpu.memref_slice %arg8[%run_scoped3A, %dma_wait3A, %dma_wait3A_55, %dma_wait3A_56] : memref<2x2x1x128xi32, #tpu.memory_space<vmem>> -> memref<1x2x1x128xi32, #tpu.memory_space<vmem>>
        %dma_wait3A_58 = tpu.memref_squeeze %dma_wait3A_57 : memref<1x2x1x128xi32, #tpu.memory_space<vmem>> -> memref<2x1x128xi32, #tpu.memory_space<vmem>>
        %dma_wait3A_59 = arith.constant 0 : i32
        %dma_wait3A_60 = arith.constant 0 : i32
        %dma_wait3A_61 = arith.constant 0 : i32
        %dma_wait3A_62 = tpu.memref_slice %arg3[%arg1, %dma_wait3A_59, %dma_wait3A_60, %dma_wait3A_61] : memref<16x80x1x128xi32, #tpu.memory_space<hbm>> -> memref<1x2x1x128xi32, #tpu.memory_space<hbm>>
        %dma_wait3A_63 = tpu.memref_squeeze %dma_wait3A_62 : memref<1x2x1x128xi32, #tpu.memory_space<hbm>> -> memref<2x1x128xi32, #tpu.memory_space<hbm>>
        %dma_wait3A_64 = arith.constant 0 : i32
        %dma_wait3A_65 = arith.constant 0 : i32
        %dma_wait3A_66 = arith.constant 0 : i32
        %dma_wait3A_67 = tpu.memref_slice %arg8[%run_scoped3A, %dma_wait3A_64, %dma_wait3A_65, %dma_wait3A_66] : memref<2x2x1x128xi32, #tpu.memory_space<vmem>> -> memref<1x2x1x128xi32, #tpu.memory_space<vmem>>
        %dma_wait3A_68 = tpu.memref_squeeze %dma_wait3A_67 : memref<1x2x1x128xi32, #tpu.memory_space<vmem>> -> memref<2x1x128xi32, #tpu.memory_space<vmem>>
        %dma_wait3A_69 = arith.constant 0 : i32
        %dma_wait3A_70 = arith.constant 0 : i32
        %dma_wait3A_71 = arith.constant 0 : i32
        %dma_wait3A_72 = tpu.memref_slice %arg3[%arg1, %dma_wait3A_69, %dma_wait3A_70, %dma_wait3A_71] : memref<16x80x1x128xi32, #tpu.memory_space<hbm>> -> memref<1x2x1x128xi32, #tpu.memory_space<hbm>>
        %dma_wait3A_73 = tpu.memref_squeeze %dma_wait3A_72 : memref<1x2x1x128xi32, #tpu.memory_space<hbm>> -> memref<2x1x128xi32, #tpu.memory_space<hbm>>
        tpu.wait_dma2 semaphore(%run_scoped3A_35 : memref<!tpu.dma_semaphore, #tpu.memory_space<semaphore_mem>>) src(%dma_wait3A_73 : memref<2x1x128xi32, #tpu.memory_space<hbm>>) dst(%dma_wait3A_68 : memref<2x1x128xi32, #tpu.memory_space<vmem>>)
        tpu.yield
      }) : () -> ()
      %run_scoped3A_34 = arith.constant 0 : i32
      "tpu.region"() ({
        %run_scoped3A_35 = tpu.sem_alloc : memref<!tpu.dma_semaphore, #tpu.memory_space<semaphore_mem>>
        %dma_start3A = arith.constant 0 : i32
        %dma_start3A_36 = arith.constant 0 : i32
        %dma_start3A_37 = arith.constant 0 : i32
        %dma_start3A_38 = tpu.memref_slice %arg9[%run_scoped3A_34, %dma_start3A, %dma_start3A_36, %dma_start3A_37] : memref<2x2x1x128xi32, #tpu.memory_space<vmem>> -> memref<1x2x1x128xi32, #tpu.memory_space<vmem>>
        %dma_start3A_39 = tpu.memref_squeeze %dma_start3A_38 : memref<1x2x1x128xi32, #tpu.memory_space<vmem>> -> memref<2x1x128xi32, #tpu.memory_space<vmem>>
        %dma_start3A_40 = arith.constant 0 : i32
        %dma_start3A_41 = arith.constant 0 : i32
        %dma_start3A_42 = arith.constant 0 : i32
        %dma_start3A_43 = tpu.memref_slice %arg4[%arg1, %dma_start3A_40, %dma_start3A_41, %dma_start3A_42] : memref<16x80x1x128xi32, #tpu.memory_space<hbm>> -> memref<1x2x1x128xi32, #tpu.memory_space<hbm>>
        %dma_start3A_44 = tpu.memref_squeeze %dma_start3A_43 : memref<1x2x1x128xi32, #tpu.memory_space<hbm>> -> memref<2x1x128xi32, #tpu.memory_space<hbm>>
        %dma_start3A_45 = arith.constant 0 : i32
        %dma_start3A_46 = arith.constant 0 : i32
        %dma_start3A_47 = arith.constant 0 : i32
        %dma_start3A_48 = tpu.memref_slice %arg9[%run_scoped3A_34, %dma_start3A_45, %dma_start3A_46, %dma_start3A_47] : memref<2x2x1x128xi32, #tpu.memory_space<vmem>> -> memref<1x2x1x128xi32, #tpu.memory_space<vmem>>
        %dma_start3A_49 = tpu.memref_squeeze %dma_start3A_48 : memref<1x2x1x128xi32, #tpu.memory_space<vmem>> -> memref<2x1x128xi32, #tpu.memory_space<vmem>>
        %dma_start3A_50 = arith.constant 0 : i32
        %dma_start3A_51 = arith.constant 0 : i32
        %dma_start3A_52 = arith.constant 0 : i32
        %dma_start3A_53 = tpu.memref_slice %arg4[%arg1, %dma_start3A_50, %dma_start3A_51, %dma_start3A_52] : memref<16x80x1x128xi32, #tpu.memory_space<hbm>> -> memref<1x2x1x128xi32, #tpu.memory_space<hbm>>
        %dma_start3A_54 = tpu.memref_squeeze %dma_start3A_53 : memref<1x2x1x128xi32, #tpu.memory_space<hbm>> -> memref<2x1x128xi32, #tpu.memory_space<hbm>>
        tpu.enqueue_dma source(%dma_start3A_54 : memref<2x1x128xi32, #tpu.memory_space<hbm>>) target(%dma_start3A_49 : memref<2x1x128xi32, #tpu.memory_space<vmem>>) target_semaphore(%run_scoped3A_35 : memref<!tpu.dma_semaphore, #tpu.memory_space<semaphore_mem>>)
        %dma_wait3A = arith.constant 0 : i32
        %dma_wait3A_55 = arith.constant 0 : i32
        %dma_wait3A_56 = arith.constant 0 : i32
        %dma_wait3A_57 = tpu.memref_slice %arg9[%run_scoped3A_34, %dma_wait3A, %dma_wait3A_55, %dma_wait3A_56] : memref<2x2x1x128xi32, #tpu.memory_space<vmem>> -> memref<1x2x1x128xi32, #tpu.memory_space<vmem>>
        %dma_wait3A_58 = tpu.memref_squeeze %dma_wait3A_57 : memref<1x2x1x128xi32, #tpu.memory_space<vmem>> -> memref<2x1x128xi32, #tpu.memory_space<vmem>>
        %dma_wait3A_59 = arith.constant 0 : i32
        %dma_wait3A_60 = arith.constant 0 : i32
        %dma_wait3A_61 = arith.constant 0 : i32
        %dma_wait3A_62 = tpu.memref_slice %arg4[%arg1, %dma_wait3A_59, %dma_wait3A_60, %dma_wait3A_61] : memref<16x80x1x128xi32, #tpu.memory_space<hbm>> -> memref<1x2x1x128xi32, #tpu.memory_space<hbm>>
        %dma_wait3A_63 = tpu.memref_squeeze %dma_wait3A_62 : memref<1x2x1x128xi32, #tpu.memory_space<hbm>> -> memref<2x1x128xi32, #tpu.memory_space<hbm>>
        %dma_wait3A_64 = arith.constant 0 : i32
        %dma_wait3A_65 = arith.constant 0 : i32
        %dma_wait3A_66 = arith.constant 0 : i32
        %dma_wait3A_67 = tpu.memref_slice %arg9[%run_scoped3A_34, %dma_wait3A_64, %dma_wait3A_65, %dma_wait3A_66] : memref<2x2x1x128xi32, #tpu.memory_space<vmem>> -> memref<1x2x1x128xi32, #tpu.memory_space<vmem>>
        %dma_wait3A_68 = tpu.memref_squeeze %dma_wait3A_67 : memref<1x2x1x128xi32, #tpu.memory_space<vmem>> -> memref<2x1x128xi32, #tpu.memory_space<vmem>>
        %dma_wait3A_69 = arith.constant 0 : i32
        %dma_wait3A_70 = arith.constant 0 : i32
        %dma_wait3A_71 = arith.constant 0 : i32
        %dma_wait3A_72 = tpu.memref_slice %arg4[%arg1, %dma_wait3A_69, %dma_wait3A_70, %dma_wait3A_71] : memref<16x80x1x128xi32, #tpu.memory_space<hbm>> -> memref<1x2x1x128xi32, #tpu.memory_space<hbm>>
        %dma_wait3A_73 = tpu.memref_squeeze %dma_wait3A_72 : memref<1x2x1x128xi32, #tpu.memory_space<hbm>> -> memref<2x1x128xi32, #tpu.memory_space<hbm>>
        tpu.wait_dma2 semaphore(%run_scoped3A_35 : memref<!tpu.dma_semaphore, #tpu.memory_space<semaphore_mem>>) src(%dma_wait3A_73 : memref<2x1x128xi32, #tpu.memory_space<hbm>>) dst(%dma_wait3A_68 : memref<2x1x128xi32, #tpu.memory_space<vmem>>)
        tpu.yield
      }) : () -> ()
    } else {
    }
    %eq3A_5 = arith.constant 1 : i32
    %eq3A_6 = arith.cmpi eq, %arg0, %eq3A_5 : i32
    %convert_element_type3A_7 = arith.extui %eq3A_6 : i1 to i32
    %cond3A_8 = arith.constant 0 : i32
    %cond3A_9 = arith.cmpi ne, %convert_element_type3A_7, %cond3A_8 : i32
    scf.if %cond3A_9 {
      %run_scoped3A = arith.constant 0 : i32
      "tpu.region"() ({
        %run_scoped3A_35 = tpu.sem_alloc : memref<!tpu.dma_semaphore, #tpu.memory_space<semaphore_mem>>
        %dma_start3A = arith.constant 0 : i32
        %dma_start3A_36 = arith.constant 0 : i32
        %dma_start3A_37 = arith.constant 0 : i32
        %dma_start3A_38 = tpu.memref_slice %arg8[%run_scoped3A, %dma_start3A, %dma_start3A_36, %dma_start3A_37] : memref<2x2x1x128xi32, #tpu.memory_space<vmem>> -> memref<1x2x1x128xi32, #tpu.memory_space<vmem>>
        %dma_start3A_39 = tpu.memref_squeeze %dma_start3A_38 : memref<1x2x1x128xi32, #tpu.memory_space<vmem>> -> memref<2x1x128xi32, #tpu.memory_space<vmem>>
        %dma_start3A_40 = arith.constant 0 : i32
        %dma_start3A_41 = arith.constant 0 : i32
        %dma_start3A_42 = arith.constant 0 : i32
        %dma_start3A_43 = tpu.memref_slice %arg5[%arg1, %dma_start3A_40, %dma_start3A_41, %dma_start3A_42] : memref<16x80x1x128xi32, #tpu.memory_space<hbm>> -> memref<1x2x1x128xi32, #tpu.memory_space<hbm>>
        %dma_start3A_44 = tpu.memref_squeeze %dma_start3A_43 : memref<1x2x1x128xi32, #tpu.memory_space<hbm>> -> memref<2x1x128xi32, #tpu.memory_space<hbm>>
        %dma_start3A_45 = arith.constant 0 : i32
        %dma_start3A_46 = arith.constant 0 : i32
        %dma_start3A_47 = arith.constant 0 : i32
        %dma_start3A_48 = tpu.memref_slice %arg8[%run_scoped3A, %dma_start3A_45, %dma_start3A_46, %dma_start3A_47] : memref<2x2x1x128xi32, #tpu.memory_space<vmem>> -> memref<1x2x1x128xi32, #tpu.memory_space<vmem>>
        %dma_start3A_49 = tpu.memref_squeeze %dma_start3A_48 : memref<1x2x1x128xi32, #tpu.memory_space<vmem>> -> memref<2x1x128xi32, #tpu.memory_space<vmem>>
        %dma_start3A_50 = arith.constant 0 : i32
        %dma_start3A_51 = arith.constant 0 : i32
        %dma_start3A_52 = arith.constant 0 : i32
        %dma_start3A_53 = tpu.memref_slice %arg5[%arg1, %dma_start3A_50, %dma_start3A_51, %dma_start3A_52] : memref<16x80x1x128xi32, #tpu.memory_space<hbm>> -> memref<1x2x1x128xi32, #tpu.memory_space<hbm>>
        %dma_start3A_54 = tpu.memref_squeeze %dma_start3A_53 : memref<1x2x1x128xi32, #tpu.memory_space<hbm>> -> memref<2x1x128xi32, #tpu.memory_space<hbm>>
        tpu.enqueue_dma source(%dma_start3A_54 : memref<2x1x128xi32, #tpu.memory_space<hbm>>) target(%dma_start3A_49 : memref<2x1x128xi32, #tpu.memory_space<vmem>>) target_semaphore(%run_scoped3A_35 : memref<!tpu.dma_semaphore, #tpu.memory_space<semaphore_mem>>)
        %dma_wait3A = arith.constant 0 : i32
        %dma_wait3A_55 = arith.constant 0 : i32
        %dma_wait3A_56 = arith.constant 0 : i32
        %dma_wait3A_57 = tpu.memref_slice %arg8[%run_scoped3A, %dma_wait3A, %dma_wait3A_55, %dma_wait3A_56] : memref<2x2x1x128xi32, #tpu.memory_space<vmem>> -> memref<1x2x1x128xi32, #tpu.memory_space<vmem>>
        %dma_wait3A_58 = tpu.memref_squeeze %dma_wait3A_57 : memref<1x2x1x128xi32, #tpu.memory_space<vmem>> -> memref<2x1x128xi32, #tpu.memory_space<vmem>>
        %dma_wait3A_59 = arith.constant 0 : i32
        %dma_wait3A_60 = arith.constant 0 : i32
        %dma_wait3A_61 = arith.constant 0 : i32
        %dma_wait3A_62 = tpu.memref_slice %arg5[%arg1, %dma_wait3A_59, %dma_wait3A_60, %dma_wait3A_61] : memref<16x80x1x128xi32, #tpu.memory_space<hbm>> -> memref<1x2x1x128xi32, #tpu.memory_space<hbm>>
        %dma_wait3A_63 = tpu.memref_squeeze %dma_wait3A_62 : memref<1x2x1x128xi32, #tpu.memory_space<hbm>> -> memref<2x1x128xi32, #tpu.memory_space<hbm>>
        %dma_wait3A_64 = arith.constant 0 : i32
        %dma_wait3A_65 = arith.constant 0 : i32
        %dma_wait3A_66 = arith.constant 0 : i32
        %dma_wait3A_67 = tpu.memref_slice %arg8[%run_scoped3A, %dma_wait3A_64, %dma_wait3A_65, %dma_wait3A_66] : memref<2x2x1x128xi32, #tpu.memory_space<vmem>> -> memref<1x2x1x128xi32, #tpu.memory_space<vmem>>
        %dma_wait3A_68 = tpu.memref_squeeze %dma_wait3A_67 : memref<1x2x1x128xi32, #tpu.memory_space<vmem>> -> memref<2x1x128xi32, #tpu.memory_space<vmem>>
        %dma_wait3A_69 = arith.constant 0 : i32
        %dma_wait3A_70 = arith.constant 0 : i32
        %dma_wait3A_71 = arith.constant 0 : i32
        %dma_wait3A_72 = tpu.memref_slice %arg5[%arg1, %dma_wait3A_69, %dma_wait3A_70, %dma_wait3A_71] : memref<16x80x1x128xi32, #tpu.memory_space<hbm>> -> memref<1x2x1x128xi32, #tpu.memory_space<hbm>>
        %dma_wait3A_73 = tpu.memref_squeeze %dma_wait3A_72 : memref<1x2x1x128xi32, #tpu.memory_space<hbm>> -> memref<2x1x128xi32, #tpu.memory_space<hbm>>
        tpu.wait_dma2 semaphore(%run_scoped3A_35 : memref<!tpu.dma_semaphore, #tpu.memory_space<semaphore_mem>>) src(%dma_wait3A_73 : memref<2x1x128xi32, #tpu.memory_space<hbm>>) dst(%dma_wait3A_68 : memref<2x1x128xi32, #tpu.memory_space<vmem>>)
        tpu.yield
      }) : () -> ()
      %run_scoped3A_34 = arith.constant 0 : i32
      "tpu.region"() ({
        %run_scoped3A_35 = tpu.sem_alloc : memref<!tpu.dma_semaphore, #tpu.memory_space<semaphore_mem>>
        %dma_start3A = arith.constant 0 : i32
        %dma_start3A_36 = arith.constant 0 : i32
        %dma_start3A_37 = arith.constant 0 : i32
        %dma_start3A_38 = tpu.memref_slice %arg9[%run_scoped3A_34, %dma_start3A, %dma_start3A_36, %dma_start3A_37] : memref<2x2x1x128xi32, #tpu.memory_space<vmem>> -> memref<1x2x1x128xi32, #tpu.memory_space<vmem>>
        %dma_start3A_39 = tpu.memref_squeeze %dma_start3A_38 : memref<1x2x1x128xi32, #tpu.memory_space<vmem>> -> memref<2x1x128xi32, #tpu.memory_space<vmem>>
        %dma_start3A_40 = arith.constant 0 : i32
        %dma_start3A_41 = arith.constant 0 : i32
        %dma_start3A_42 = arith.constant 0 : i32
        %dma_start3A_43 = tpu.memref_slice %arg6[%arg1, %dma_start3A_40, %dma_start3A_41, %dma_start3A_42] : memref<16x80x1x128xi32, #tpu.memory_space<hbm>> -> memref<1x2x1x128xi32, #tpu.memory_space<hbm>>
        %dma_start3A_44 = tpu.memref_squeeze %dma_start3A_43 : memref<1x2x1x128xi32, #tpu.memory_space<hbm>> -> memref<2x1x128xi32, #tpu.memory_space<hbm>>
        %dma_start3A_45 = arith.constant 0 : i32
        %dma_start3A_46 = arith.constant 0 : i32
        %dma_start3A_47 = arith.constant 0 : i32
        %dma_start3A_48 = tpu.memref_slice %arg9[%run_scoped3A_34, %dma_start3A_45, %dma_start3A_46, %dma_start3A_47] : memref<2x2x1x128xi32, #tpu.memory_space<vmem>> -> memref<1x2x1x128xi32, #tpu.memory_space<vmem>>
        %dma_start3A_49 = tpu.memref_squeeze %dma_start3A_48 : memref<1x2x1x128xi32, #tpu.memory_space<vmem>> -> memref<2x1x128xi32, #tpu.memory_space<vmem>>
        %dma_start3A_50 = arith.constant 0 : i32
        %dma_start3A_51 = arith.constant 0 : i32
        %dma_start3A_52 = arith.constant 0 : i32
        %dma_start3A_53 = tpu.memref_slice %arg6[%arg1, %dma_start3A_50, %dma_start3A_51, %dma_start3A_52] : memref<16x80x1x128xi32, #tpu.memory_space<hbm>> -> memref<1x2x1x128xi32, #tpu.memory_space<hbm>>
        %dma_start3A_54 = tpu.memref_squeeze %dma_start3A_53 : memref<1x2x1x128xi32, #tpu.memory_space<hbm>> -> memref<2x1x128xi32, #tpu.memory_space<hbm>>
        tpu.enqueue_dma source(%dma_start3A_54 : memref<2x1x128xi32, #tpu.memory_space<hbm>>) target(%dma_start3A_49 : memref<2x1x128xi32, #tpu.memory_space<vmem>>) target_semaphore(%run_scoped3A_35 : memref<!tpu.dma_semaphore, #tpu.memory_space<semaphore_mem>>)
        %dma_wait3A = arith.constant 0 : i32
        %dma_wait3A_55 = arith.constant 0 : i32
        %dma_wait3A_56 = arith.constant 0 : i32
        %dma_wait3A_57 = tpu.memref_slice %arg9[%run_scoped3A_34, %dma_wait3A, %dma_wait3A_55, %dma_wait3A_56] : memref<2x2x1x128xi32, #tpu.memory_space<vmem>> -> memref<1x2x1x128xi32, #tpu.memory_space<vmem>>
        %dma_wait3A_58 = tpu.memref_squeeze %dma_wait3A_57 : memref<1x2x1x128xi32, #tpu.memory_space<vmem>> -> memref<2x1x128xi32, #tpu.memory_space<vmem>>
        %dma_wait3A_59 = arith.constant 0 : i32
        %dma_wait3A_60 = arith.constant 0 : i32
        %dma_wait3A_61 = arith.constant 0 : i32
        %dma_wait3A_62 = tpu.memref_slice %arg6[%arg1, %dma_wait3A_59, %dma_wait3A_60, %dma_wait3A_61] : memref<16x80x1x128xi32, #tpu.memory_space<hbm>> -> memref<1x2x1x128xi32, #tpu.memory_space<hbm>>
        %dma_wait3A_63 = tpu.memref_squeeze %dma_wait3A_62 : memref<1x2x1x128xi32, #tpu.memory_space<hbm>> -> memref<2x1x128xi32, #tpu.memory_space<hbm>>
        %dma_wait3A_64 = arith.constant 0 : i32
        %dma_wait3A_65 = arith.constant 0 : i32
        %dma_wait3A_66 = arith.constant 0 : i32
        %dma_wait3A_67 = tpu.memref_slice %arg9[%run_scoped3A_34, %dma_wait3A_64, %dma_wait3A_65, %dma_wait3A_66] : memref<2x2x1x128xi32, #tpu.memory_space<vmem>> -> memref<1x2x1x128xi32, #tpu.memory_space<vmem>>
        %dma_wait3A_68 = tpu.memref_squeeze %dma_wait3A_67 : memref<1x2x1x128xi32, #tpu.memory_space<vmem>> -> memref<2x1x128xi32, #tpu.memory_space<vmem>>
        %dma_wait3A_69 = arith.constant 0 : i32
        %dma_wait3A_70 = arith.constant 0 : i32
        %dma_wait3A_71 = arith.constant 0 : i32
        %dma_wait3A_72 = tpu.memref_slice %arg6[%arg1, %dma_wait3A_69, %dma_wait3A_70, %dma_wait3A_71] : memref<16x80x1x128xi32, #tpu.memory_space<hbm>> -> memref<1x2x1x128xi32, #tpu.memory_space<hbm>>
        %dma_wait3A_73 = tpu.memref_squeeze %dma_wait3A_72 : memref<1x2x1x128xi32, #tpu.memory_space<hbm>> -> memref<2x1x128xi32, #tpu.memory_space<hbm>>
        tpu.wait_dma2 semaphore(%run_scoped3A_35 : memref<!tpu.dma_semaphore, #tpu.memory_space<semaphore_mem>>) src(%dma_wait3A_73 : memref<2x1x128xi32, #tpu.memory_space<hbm>>) dst(%dma_wait3A_68 : memref<2x1x128xi32, #tpu.memory_space<vmem>>)
        tpu.yield
      }) : () -> ()
    } else {
    }
    %scan3A = arith.constant 0 : i32
    %scan3A_10 = arith.constant 0 : i32
    %scan3A_11 = arith.constant 128 : i32
    %scan3A_12 = arith.addi %scan3A_10, %scan3A_11 : i32
    %scan3A_13 = arith.constant 4 : i32
    %scan3A_14 = scf.for %scan3A_34 = %scan3A_10 to %scan3A_12 step %scan3A_13 iter_args(%scan3A_35 = %scan3A) -> (i32)  : i32 {
      %broadcast_in_dim3A = arith.constant 0.000000e+00 : f32
      %broadcast_in_dim3A_36 = vector.broadcast %broadcast_in_dim3A : f32 to vector<16xf32>
      %swap3A = arith.constant 0 : i32
      %swap3A_37 = arith.index_cast %swap3A : i32 to index
      %swap3A_38 = arith.index_cast %scan3A_34 : i32 to index
      %swap3A_39 = arith.constant 0 : index
      %swap3A_40 = tpu.vector_load %arg10[%swap3A_37, %swap3A_38, %swap3A_39] {strides = array<i32>} : memref<2x128x128xf32, #tpu.memory_space<vmem>>, vector<1x1x16xf32>,
      %swap3A_41 = vector.shape_cast %swap3A_40 : vector<1x1x16xf32> to vector<16xf32>
      %swap3A_42 = vector.shape_cast %broadcast_in_dim3A_36 : vector<16xf32> to vector<1x1x16xf32>
      tpu.vector_store %arg10[%swap3A_37, %swap3A_38, %swap3A_39], %swap3A_42 {strides = array<i32>} : memref<2x128x128xf32, #tpu.memory_space<vmem>>, vector<1x1x16xf32>,
      %broadcast_in_dim3A_43 = arith.constant 0.000000e+00 : f32
      %broadcast_in_dim3A_44 = vector.broadcast %broadcast_in_dim3A_43 : f32 to vector<16xf32>
      %swap3A_45 = arith.constant 0 : i32
      %swap3A_46 = arith.index_cast %swap3A_45 : i32 to index
      %swap3A_47 = arith.index_cast %scan3A_34 : i32 to index
      %swap3A_48 = arith.constant 16 : index
      %swap3A_49 = tpu.vector_load %arg10[%swap3A_46, %swap3A_47, %swap3A_48] {strides = array<i32>} : memref<2x128x128xf32, #tpu.memory_space<vmem>>, vector<1x1x16xf32>,
      %swap3A_50 = vector.shape_cast %swap3A_49 : vector<1x1x16xf32> to vector<16xf32>
      %swap3A_51 = vector.shape_cast %broadcast_in_dim3A_44 : vector<16xf32> to vector<1x1x16xf32>
      tpu.vector_store %arg10[%swap3A_46, %swap3A_47, %swap3A_48], %swap3A_51 {strides = array<i32>} : memref<2x128x128xf32, #tpu.memory_space<vmem>>, vector<1x1x16xf32>,
      %broadcast_in_dim3A_52 = arith.constant 0.000000e+00 : f32
      %broadcast_in_dim3A_53 = vector.broadcast %broadcast_in_dim3A_52 : f32 to vector<16xf32>
      %swap3A_54 = arith.constant 0 : i32
      %swap3A_55 = arith.index_cast %swap3A_54 : i32 to index
      %swap3A_56 = arith.index_cast %scan3A_34 : i32 to index
      %swap3A_57 = arith.constant 32 : index
      %swap3A_58 = tpu.vector_load %arg10[%swap3A_55, %swap3A_56, %swap3A_57] {strides = array<i32>} : memref<2x128x128xf32, #tpu.memory_space<vmem>>, vector<1x1x16xf32>,
      %swap3A_59 = vector.shape_cast %swap3A_58 : vector<1x1x16xf32> to vector<16xf32>
      %swap3A_60 = vector.shape_cast %broadcast_in_dim3A_53 : vector<16xf32> to vector<1x1x16xf32>
      tpu.vector_store %arg10[%swap3A_55, %swap3A_56, %swap3A_57], %swap3A_60 {strides = array<i32>} : memref<2x128x128xf32, #tpu.memory_space<vmem>>, vector<1x1x16xf32>,
      %broadcast_in_dim3A_61 = arith.constant 0.000000e+00 : f32
      %broadcast_in_dim3A_62 = vector.broadcast %broadcast_in_dim3A_61 : f32 to vector<16xf32>
      %swap3A_63 = arith.constant 0 : i32
      %swap3A_64 = arith.index_cast %swap3A_63 : i32 to index
      %swap3A_65 = arith.index_cast %scan3A_34 : i32 to index
      %swap3A_66 = arith.constant 48 : index
      %swap3A_67 = tpu.vector_load %arg10[%swap3A_64, %swap3A_65, %swap3A_66] {strides = array<i32>} : memref<2x128x128xf32, #tpu.memory_space<vmem>>, vector<1x1x16xf32>,
      %swap3A_68 = vector.shape_cast %swap3A_67 : vector<1x1x16xf32> to vector<16xf32>
      %swap3A_69 = vector.shape_cast %broadcast_in_dim3A_62 : vector<16xf32> to vector<1x1x16xf32>
      tpu.vector_store %arg10[%swap3A_64, %swap3A_65, %swap3A_66], %swap3A_69 {strides = array<i32>} : memref<2x128x128xf32, #tpu.memory_space<vmem>>, vector<1x1x16xf32>,
      %broadcast_in_dim3A_70 = arith.constant 0.000000e+00 : f32
      %broadcast_in_dim3A_71 = vector.broadcast %broadcast_in_dim3A_70 : f32 to vector<16xf32>
      %swap3A_72 = arith.constant 0 : i32
      %swap3A_73 = arith.index_cast %swap3A_72 : i32 to index
      %swap3A_74 = arith.index_cast %scan3A_34 : i32 to index
      %swap3A_75 = arith.constant 64 : index
      %swap3A_76 = tpu.vector_load %arg10[%swap3A_73, %swap3A_74, %swap3A_75] {strides = array<i32>} : memref<2x128x128xf32, #tpu.memory_space<vmem>>, vector<1x1x16xf32>,
      %swap3A_77 = vector.shape_cast %swap3A_76 : vector<1x1x16xf32> to vector<16xf32>
      %swap3A_78 = vector.shape_cast %broadcast_in_dim3A_71 : vector<16xf32> to vector<1x1x16xf32>
      tpu.vector_store %arg10[%swap3A_73, %swap3A_74, %swap3A_75], %swap3A_78 {strides = array<i32>} : memref<2x128x128xf32, #tpu.memory_space<vmem>>, vector<1x1x16xf32>,
      %broadcast_in_dim3A_79 = arith.constant 0.000000e+00 : f32
      %broadcast_in_dim3A_80 = vector.broadcast %broadcast_in_dim3A_79 : f32 to vector<16xf32>
      %swap3A_81 = arith.constant 0 : i32
      %swap3A_82 = arith.index_cast %swap3A_81 : i32 to index
      %swap3A_83 = arith.index_cast %scan3A_34 : i32 to index
      %swap3A_84 = arith.constant 80 : index
      %swap3A_85 = tpu.vector_load %arg10[%swap3A_82, %swap3A_83, %swap3A_84] {strides = array<i32>} : memref<2x128x128xf32, #tpu.memory_space<vmem>>, vector<1x1x16xf32>,
      %swap3A_86 = vector.shape_cast %swap3A_85 : vector<1x1x16xf32> to vector<16xf32>
      %swap3A_87 = vector.shape_cast %broadcast_in_dim3A_80 : vector<16xf32> to vector<1x1x16xf32>
      tpu.vector_store %arg10[%swap3A_82, %swap3A_83, %swap3A_84], %swap3A_87 {strides = array<i32>} : memref<2x128x128xf32, #tpu.memory_space<vmem>>, vector<1x1x16xf32>,
      %broadcast_in_dim3A_88 = arith.constant 0.000000e+00 : f32
      %broadcast_in_dim3A_89 = vector.broadcast %broadcast_in_dim3A_88 : f32 to vector<16xf32>
      %swap3A_90 = arith.constant 0 : i32
      %swap3A_91 = arith.index_cast %swap3A_90 : i32 to index
      %swap3A_92 = arith.index_cast %scan3A_34 : i32 to index
      %swap3A_93 = arith.constant 96 : index
      %swap3A_94 = tpu.vector_load %arg10[%swap3A_91, %swap3A_92, %swap3A_93] {strides = array<i32>} : memref<2x128x128xf32, #tpu.memory_space<vmem>>, vector<1x1x16xf32>,
      %swap3A_95 = vector.shape_cast %swap3A_94 : vector<1x1x16xf32> to vector<16xf32>
      %swap3A_96 = vector.shape_cast %broadcast_in_dim3A_89 : vector<16xf32> to vector<1x1x16xf32>
      tpu.vector_store %arg10[%swap3A_91, %swap3A_92, %swap3A_93], %swap3A_96 {strides = array<i32>} : memref<2x128x128xf32, #tpu.memory_space<vmem>>, vector<1x1x16xf32>,
      %broadcast_in_dim3A_97 = arith.constant 0.000000e+00 : f32
      %broadcast_in_dim3A_98 = vector.broadcast %broadcast_in_dim3A_97 : f32 to vector<16xf32>
      %swap3A_99 = arith.constant 0 : i32
      %swap3A_100 = arith.index_cast %swap3A_99 : i32 to index
      %swap3A_101 = arith.index_cast %scan3A_34 : i32 to index
      %swap3A_102 = arith.constant 112 : index
      %swap3A_103 = tpu.vector_load %arg10[%swap3A_100, %swap3A_101, %swap3A_102] {strides = array<i32>} : memref<2x128x128xf32, #tpu.memory_space<vmem>>, vector<1x1x16xf32>,
      %swap3A_104 = vector.shape_cast %swap3A_103 : vector<1x1x16xf32> to vector<16xf32>
      %swap3A_105 = vector.shape_cast %broadcast_in_dim3A_98 : vector<16xf32> to vector<1x1x16xf32>
      tpu.vector_store %arg10[%swap3A_100, %swap3A_101, %swap3A_102], %swap3A_105 {strides = array<i32>} : memref<2x128x128xf32, #tpu.memory_space<vmem>>, vector<1x1x16xf32>,
      %scan3A_106 = arith.constant 0 : i32
      %scan3A_107 = arith.constant 1 : i32
      %scan3A_108 = arith.addi %scan3A_34, %scan3A_107 : i32
      %broadcast_in_dim3A_109 = arith.constant 0.000000e+00 : f32
      %broadcast_in_dim3A_110 = vector.broadcast %broadcast_in_dim3A_109 : f32 to vector<16xf32>
      %swap3A_111 = arith.constant 0 : i32
      %swap3A_112 = arith.index_cast %swap3A_111 : i32 to index
      %swap3A_113 = arith.index_cast %scan3A_108 : i32 to index
      %swap3A_114 = arith.constant 0 : index
      %swap3A_115 = tpu.vector_load %arg10[%swap3A_112, %swap3A_113, %swap3A_114] {strides = array<i32>} : memref<2x128x128xf32, #tpu.memory_space<vmem>>, vector<1x1x16xf32>,
      %swap3A_116 = vector.shape_cast %swap3A_115 : vector<1x1x16xf32> to vector<16xf32>
      %swap3A_117 = vector.shape_cast %broadcast_in_dim3A_110 : vector<16xf32> to vector<1x1x16xf32>
      tpu.vector_store %arg10[%swap3A_112, %swap3A_113, %swap3A_114], %swap3A_117 {strides = array<i32>} : memref<2x128x128xf32, #tpu.memory_space<vmem>>, vector<1x1x16xf32>,
      %broadcast_in_dim3A_118 = arith.constant 0.000000e+00 : f32
      %broadcast_in_dim3A_119 = vector.broadcast %broadcast_in_dim3A_118 : f32 to vector<16xf32>
      %swap3A_120 = arith.constant 0 : i32
      %swap3A_121 = arith.index_cast %swap3A_120 : i32 to index
      %swap3A_122 = arith.index_cast %scan3A_108 : i32 to index
      %swap3A_123 = arith.constant 16 : index
      %swap3A_124 = tpu.vector_load %arg10[%swap3A_121, %swap3A_122, %swap3A_123] {strides = array<i32>} : memref<2x128x128xf32, #tpu.memory_space<vmem>>, vector<1x1x16xf32>,
      %swap3A_125 = vector.shape_cast %swap3A_124 : vector<1x1x16xf32> to vector<16xf32>
      %swap3A_126 = vector.shape_cast %broadcast_in_dim3A_119 : vector<16xf32> to vector<1x1x16xf32>
      tpu.vector_store %arg10[%swap3A_121, %swap3A_122, %swap3A_123], %swap3A_126 {strides = array<i32>} : memref<2x128x128xf32, #tpu.memory_space<vmem>>, vector<1x1x16xf32>,
      %broadcast_in_dim3A_127 = arith.constant 0.000000e+00 : f32
      %broadcast_in_dim3A_128 = vector.broadcast %broadcast_in_dim3A_127 : f32 to vector<16xf32>
      %swap3A_129 = arith.constant 0 : i32
      %swap3A_130 = arith.index_cast %swap3A_129 : i32 to index
      %swap3A_131 = arith.index_cast %scan3A_108 : i32 to index
      %swap3A_132 = arith.constant 32 : index
      %swap3A_133 = tpu.vector_load %arg10[%swap3A_130, %swap3A_131, %swap3A_132] {strides = array<i32>} : memref<2x128x128xf32, #tpu.memory_space<vmem>>, vector<1x1x16xf32>,
      %swap3A_134 = vector.shape_cast %swap3A_133 : vector<1x1x16xf32> to vector<16xf32>
      %swap3A_135 = vector.shape_cast %broadcast_in_dim3A_128 : vector<16xf32> to vector<1x1x16xf32>
      tpu.vector_store %arg10[%swap3A_130, %swap3A_131, %swap3A_132], %swap3A_135 {strides = array<i32>} : memref<2x128x128xf32, #tpu.memory_space<vmem>>, vector<1x1x16xf32>,
      %broadcast_in_dim3A_136 = arith.constant 0.000000e+00 : f32
      %broadcast_in_dim3A_137 = vector.broadcast %broadcast_in_dim3A_136 : f32 to vector<16xf32>
      %swap3A_138 = arith.constant 0 : i32
      %swap3A_139 = arith.index_cast %swap3A_138 : i32 to index
      %swap3A_140 = arith.index_cast %scan3A_108 : i32 to index
      %swap3A_141 = arith.constant 48 : index
      %swap3A_142 = tpu.vector_load %arg10[%swap3A_139, %swap3A_140, %swap3A_141] {strides = array<i32>} : memref<2x128x128xf32, #tpu.memory_space<vmem>>, vector<1x1x16xf32>,
      %swap3A_143 = vector.shape_cast %swap3A_142 : vector<1x1x16xf32> to vector<16xf32>
      %swap3A_144 = vector.shape_cast %broadcast_in_dim3A_137 : vector<16xf32> to vector<1x1x16xf32>
      tpu.vector_store %arg10[%swap3A_139, %swap3A_140, %swap3A_141], %swap3A_144 {strides = array<i32>} : memref<2x128x128xf32, #tpu.memory_space<vmem>>, vector<1x1x16xf32>,
      %broadcast_in_dim3A_145 = arith.constant 0.000000e+00 : f32
      %broadcast_in_dim3A_146 = vector.broadcast %broadcast_in_dim3A_145 : f32 to vector<16xf32>
      %swap3A_147 = arith.constant 0 : i32
      %swap3A_148 = arith.index_cast %swap3A_147 : i32 to index
      %swap3A_149 = arith.index_cast %scan3A_108 : i32 to index
      %swap3A_150 = arith.constant 64 : index
      %swap3A_151 = tpu.vector_load %arg10[%swap3A_148, %swap3A_149, %swap3A_150] {strides = array<i32>} : memref<2x128x128xf32, #tpu.memory_space<vmem>>, vector<1x1x16xf32>,
      %swap3A_152 = vector.shape_cast %swap3A_151 : vector<1x1x16xf32> to vector<16xf32>
      %swap3A_153 = vector.shape_cast %broadcast_in_dim3A_146 : vector<16xf32> to vector<1x1x16xf32>
      tpu.vector_store %arg10[%swap3A_148, %swap3A_149, %swap3A_150], %swap3A_153 {strides = array<i32>} : memref<2x128x128xf32, #tpu.memory_space<vmem>>, vector<1x1x16xf32>,
      %broadcast_in_dim3A_154 = arith.constant 0.000000e+00 : f32
      %broadcast_in_dim3A_155 = vector.broadcast %broadcast_in_dim3A_154 : f32 to vector<16xf32>
      %swap3A_156 = arith.constant 0 : i32
      %swap3A_157 = arith.index_cast %swap3A_156 : i32 to index
      %swap3A_158 = arith.index_cast %scan3A_108 : i32 to index
      %swap3A_159 = arith.constant 80 : index
      %swap3A_160 = tpu.vector_load %arg10[%swap3A_157, %swap3A_158, %swap3A_159] {strides = array<i32>} : memref<2x128x128xf32, #tpu.memory_space<vmem>>, vector<1x1x16xf32>,
      %swap3A_161 = vector.shape_cast %swap3A_160 : vector<1x1x16xf32> to vector<16xf32>
      %swap3A_162 = vector.shape_cast %broadcast_in_dim3A_155 : vector<16xf32> to vector<1x1x16xf32>
      tpu.vector_store %arg10[%swap3A_157, %swap3A_158, %swap3A_159], %swap3A_162 {strides = array<i32>} : memref<2x128x128xf32, #tpu.memory_space<vmem>>, vector<1x1x16xf32>,
      %broadcast_in_dim3A_163 = arith.constant 0.000000e+00 : f32
      %broadcast_in_dim3A_164 = vector.broadcast %broadcast_in_dim3A_163 : f32 to vector<16xf32>
      %swap3A_165 = arith.constant 0 : i32
      %swap3A_166 = arith.index_cast %swap3A_165 : i32 to index
      %swap3A_167 = arith.index_cast %scan3A_108 : i32 to index
      %swap3A_168 = arith.constant 96 : index
      %swap3A_169 = tpu.vector_load %arg10[%swap3A_166, %swap3A_167, %swap3A_168] {strides = array<i32>} : memref<2x128x128xf32, #tpu.memory_space<vmem>>, vector<1x1x16xf32>,
      %swap3A_170 = vector.shape_cast %swap3A_169 : vector<1x1x16xf32> to vector<16xf32>
      %swap3A_171 = vector.shape_cast %broadcast_in_dim3A_164 : vector<16xf32> to vector<1x1x16xf32>
      tpu.vector_store %arg10[%swap3A_166, %swap3A_167, %swap3A_168], %swap3A_171 {strides = array<i32>} : memref<2x128x128xf32, #tpu.memory_space<vmem>>, vector<1x1x16xf32>,
      %broadcast_in_dim3A_172 = arith.constant 0.000000e+00 : f32
      %broadcast_in_dim3A_173 = vector.broadcast %broadcast_in_dim3A_172 : f32 to vector<16xf32>
      %swap3A_174 = arith.constant 0 : i32
      %swap3A_175 = arith.index_cast %swap3A_174 : i32 to index
      %swap3A_176 = arith.index_cast %scan3A_108 : i32 to index
      %swap3A_177 = arith.constant 112 : index
      %swap3A_178 = tpu.vector_load %arg10[%swap3A_175, %swap3A_176, %swap3A_177] {strides = array<i32>} : memref<2x128x128xf32, #tpu.memory_space<vmem>>, vector<1x1x16xf32>,
      %swap3A_179 = vector.shape_cast %swap3A_178 : vector<1x1x16xf32> to vector<16xf32>
      %swap3A_180 = vector.shape_cast %broadcast_in_dim3A_173 : vector<16xf32> to vector<1x1x16xf32>
      tpu.vector_store %arg10[%swap3A_175, %swap3A_176, %swap3A_177], %swap3A_180 {strides = array<i32>} : memref<2x128x128xf32, #tpu.memory_space<vmem>>, vector<1x1x16xf32>,
      %scan3A_181 = arith.constant 0 : i32
      %scan3A_182 = arith.constant 2 : i32
      %scan3A_183 = arith.addi %scan3A_34, %scan3A_182 : i32
      %broadcast_in_dim3A_184 = arith.constant 0.000000e+00 : f32
      %broadcast_in_dim3A_185 = vector.broadcast %broadcast_in_dim3A_184 : f32 to vector<16xf32>
      %swap3A_186 = arith.constant 0 : i32
      %swap3A_187 = arith.index_cast %swap3A_186 : i32 to index
      %swap3A_188 = arith.index_cast %scan3A_183 : i32 to index
      %swap3A_189 = arith.constant 0 : index
      %swap3A_190 = tpu.vector_load %arg10[%swap3A_187, %swap3A_188, %swap3A_189] {strides = array<i32>} : memref<2x128x128xf32, #tpu.memory_space<vmem>>, vector<1x1x16xf32>,
      %swap3A_191 = vector.shape_cast %swap3A_190 : vector<1x1x16xf32> to vector<16xf32>
      %swap3A_192 = vector.shape_cast %broadcast_in_dim3A_185 : vector<16xf32> to vector<1x1x16xf32>
      tpu.vector_store %arg10[%swap3A_187, %swap3A_188, %swap3A_189], %swap3A_192 {strides = array<i32>} : memref<2x128x128xf32, #tpu.memory_space<vmem>>, vector<1x1x16xf32>,
      %broadcast_in_dim3A_193 = arith.constant 0.000000e+00 : f32
      %broadcast_in_dim3A_194 = vector.broadcast %broadcast_in_dim3A_193 : f32 to vector<16xf32>
      %swap3A_195 = arith.constant 0 : i32
      %swap3A_196 = arith.index_cast %swap3A_195 : i32 to index
      %swap3A_197 = arith.index_cast %scan3A_183 : i32 to index
      %swap3A_198 = arith.constant 16 : index
      %swap3A_199 = tpu.vector_load %arg10[%swap3A_196, %swap3A_197, %swap3A_198] {strides = array<i32>} : memref<2x128x128xf32, #tpu.memory_space<vmem>>, vector<1x1x16xf32>,
      %swap3A_200 = vector.shape_cast %swap3A_199 : vector<1x1x16xf32> to vector<16xf32>
      %swap3A_201 = vector.shape_cast %broadcast_in_dim3A_194 : vector<16xf32> to vector<1x1x16xf32>
      tpu.vector_store %arg10[%swap3A_196, %swap3A_197, %swap3A_198], %swap3A_201 {strides = array<i32>} : memref<2x128x128xf32, #tpu.memory_space<vmem>>, vector<1x1x16xf32>,
      %broadcast_in_dim3A_202 = arith.constant 0.000000e+00 : f32
      %broadcast_in_dim3A_203 = vector.broadcast %broadcast_in_dim3A_202 : f32 to vector<16xf32>
      %swap3A_204 = arith.constant 0 : i32
      %swap3A_205 = arith.index_cast %swap3A_204 : i32 to index
      %swap3A_206 = arith.index_cast %scan3A_183 : i32 to index
      %swap3A_207 = arith.constant 32 : index
      %swap3A_208 = tpu.vector_load %arg10[%swap3A_205, %swap3A_206, %swap3A_207] {strides = array<i32>} : memref<2x128x128xf32, #tpu.memory_space<vmem>>, vector<1x1x16xf32>,
      %swap3A_209 = vector.shape_cast %swap3A_208 : vector<1x1x16xf32> to vector<16xf32>
      %swap3A_210 = vector.shape_cast %broadcast_in_dim3A_203 : vector<16xf32> to vector<1x1x16xf32>
      tpu.vector_store %arg10[%swap3A_205, %swap3A_206, %swap3A_207], %swap3A_210 {strides = array<i32>} : memref<2x128x128xf32, #tpu.memory_space<vmem>>, vector<1x1x16xf32>,
      %broadcast_in_dim3A_211 = arith.constant 0.000000e+00 : f32
      %broadcast_in_dim3A_212 = vector.broadcast %broadcast_in_dim3A_211 : f32 to vector<16xf32>
      %swap3A_213 = arith.constant 0 : i32
      %swap3A_214 = arith.index_cast %swap3A_213 : i32 to index
      %swap3A_215 = arith.index_cast %scan3A_183 : i32 to index
      %swap3A_216 = arith.constant 48 : index
      %swap3A_217 = tpu.vector_load %arg10[%swap3A_214, %swap3A_215, %swap3A_216] {strides = array<i32>} : memref<2x128x128xf32, #tpu.memory_space<vmem>>, vector<1x1x16xf32>,
      %swap3A_218 = vector.shape_cast %swap3A_217 : vector<1x1x16xf32> to vector<16xf32>
      %swap3A_219 = vector.shape_cast %broadcast_in_dim3A_212 : vector<16xf32> to vector<1x1x16xf32>
      tpu.vector_store %arg10[%swap3A_214, %swap3A_215, %swap3A_216], %swap3A_219 {strides = array<i32>} : memref<2x128x128xf32, #tpu.memory_space<vmem>>, vector<1x1x16xf32>,
      %broadcast_in_dim3A_220 = arith.constant 0.000000e+00 : f32
      %broadcast_in_dim3A_221 = vector.broadcast %broadcast_in_dim3A_220 : f32 to vector<16xf32>
      %swap3A_222 = arith.constant 0 : i32
      %swap3A_223 = arith.index_cast %swap3A_222 : i32 to index
      %swap3A_224 = arith.index_cast %scan3A_183 : i32 to index
      %swap3A_225 = arith.constant 64 : index
      %swap3A_226 = tpu.vector_load %arg10[%swap3A_223, %swap3A_224, %swap3A_225] {strides = array<i32>} : memref<2x128x128xf32, #tpu.memory_space<vmem>>, vector<1x1x16xf32>,
      %swap3A_227 = vector.shape_cast %swap3A_226 : vector<1x1x16xf32> to vector<16xf32>
      %swap3A_228 = vector.shape_cast %broadcast_in_dim3A_221 : vector<16xf32> to vector<1x1x16xf32>
      tpu.vector_store %arg10[%swap3A_223, %swap3A_224, %swap3A_225], %swap3A_228 {strides = array<i32>} : memref<2x128x128xf32, #tpu.memory_space<vmem>>, vector<1x1x16xf32>,
      %broadcast_in_dim3A_229 = arith.constant 0.000000e+00 : f32
      %broadcast_in_dim3A_230 = vector.broadcast %broadcast_in_dim3A_229 : f32 to vector<16xf32>
      %swap3A_231 = arith.constant 0 : i32
      %swap3A_232 = arith.index_cast %swap3A_231 : i32 to index
      %swap3A_233 = arith.index_cast %scan3A_183 : i32 to index
      %swap3A_234 = arith.constant 80 : index
      %swap3A_235 = tpu.vector_load %arg10[%swap3A_232, %swap3A_233, %swap3A_234] {strides = array<i32>} : memref<2x128x128xf32, #tpu.memory_space<vmem>>, vector<1x1x16xf32>,
      %swap3A_236 = vector.shape_cast %swap3A_235 : vector<1x1x16xf32> to vector<16xf32>
      %swap3A_237 = vector.shape_cast %broadcast_in_dim3A_230 : vector<16xf32> to vector<1x1x16xf32>
      tpu.vector_store %arg10[%swap3A_232, %swap3A_233, %swap3A_234], %swap3A_237 {strides = array<i32>} : memref<2x128x128xf32, #tpu.memory_space<vmem>>, vector<1x1x16xf32>,
      %broadcast_in_dim3A_238 = arith.constant 0.000000e+00 : f32
      %broadcast_in_dim3A_239 = vector.broadcast %broadcast_in_dim3A_238 : f32 to vector<16xf32>
      %swap3A_240 = arith.constant 0 : i32
      %swap3A_241 = arith.index_cast %swap3A_240 : i32 to index
      %swap3A_242 = arith.index_cast %scan3A_183 : i32 to index
      %swap3A_243 = arith.constant 96 : index
      %swap3A_244 = tpu.vector_load %arg10[%swap3A_241, %swap3A_242, %swap3A_243] {strides = array<i32>} : memref<2x128x128xf32, #tpu.memory_space<vmem>>, vector<1x1x16xf32>,
      %swap3A_245 = vector.shape_cast %swap3A_244 : vector<1x1x16xf32> to vector<16xf32>
      %swap3A_246 = vector.shape_cast %broadcast_in_dim3A_239 : vector<16xf32> to vector<1x1x16xf32>
      tpu.vector_store %arg10[%swap3A_241, %swap3A_242, %swap3A_243], %swap3A_246 {strides = array<i32>} : memref<2x128x128xf32, #tpu.memory_space<vmem>>, vector<1x1x16xf32>,
      %broadcast_in_dim3A_247 = arith.constant 0.000000e+00 : f32
      %broadcast_in_dim3A_248 = vector.broadcast %broadcast_in_dim3A_247 : f32 to vector<16xf32>
      %swap3A_249 = arith.constant 0 : i32
      %swap3A_250 = arith.index_cast %swap3A_249 : i32 to index
      %swap3A_251 = arith.index_cast %scan3A_183 : i32 to index
      %swap3A_252 = arith.constant 112 : index
      %swap3A_253 = tpu.vector_load %arg10[%swap3A_250, %swap3A_251, %swap3A_252] {strides = array<i32>} : memref<2x128x128xf32, #tpu.memory_space<vmem>>, vector<1x1x16xf32>,
      %swap3A_254 = vector.shape_cast %swap3A_253 : vector<1x1x16xf32> to vector<16xf32>
      %swap3A_255 = vector.shape_cast %broadcast_in_dim3A_248 : vector<16xf32> to vector<1x1x16xf32>
      tpu.vector_store %arg10[%swap3A_250, %swap3A_251, %swap3A_252], %swap3A_255 {strides = array<i32>} : memref<2x128x128xf32, #tpu.memory_space<vmem>>, vector<1x1x16xf32>,
      %scan3A_256 = arith.constant 0 : i32
      %scan3A_257 = arith.constant 3 : i32
      %scan3A_258 = arith.addi %scan3A_34, %scan3A_257 : i32
      %broadcast_in_dim3A_259 = arith.constant 0.000000e+00 : f32
      %broadcast_in_dim3A_260 = vector.broadcast %broadcast_in_dim3A_259 : f32 to vector<16xf32>
      %swap3A_261 = arith.constant 0 : i32
      %swap3A_262 = arith.index_cast %swap3A_261 : i32 to index
      %swap3A_263 = arith.index_cast %scan3A_258 : i32 to index
      %swap3A_264 = arith.constant 0 : index
      %swap3A_265 = tpu.vector_load %arg10[%swap3A_262, %swap3A_263, %swap3A_264] {strides = array<i32>} : memref<2x128x128xf32, #tpu.memory_space<vmem>>, vector<1x1x16xf32>,
      %swap3A_266 = vector.shape_cast %swap3A_265 : vector<1x1x16xf32> to vector<16xf32>
      %swap3A_267 = vector.shape_cast %broadcast_in_dim3A_260 : vector<16xf32> to vector<1x1x16xf32>
      tpu.vector_store %arg10[%swap3A_262, %swap3A_263, %swap3A_264], %swap3A_267 {strides = array<i32>} : memref<2x128x128xf32, #tpu.memory_space<vmem>>, vector<1x1x16xf32>,
      %broadcast_in_dim3A_268 = arith.constant 0.000000e+00 : f32
      %broadcast_in_dim3A_269 = vector.broadcast %broadcast_in_dim3A_268 : f32 to vector<16xf32>
      %swap3A_270 = arith.constant 0 : i32
      %swap3A_271 = arith.index_cast %swap3A_270 : i32 to index
      %swap3A_272 = arith.index_cast %scan3A_258 : i32 to index
      %swap3A_273 = arith.constant 16 : index
      %swap3A_274 = tpu.vector_load %arg10[%swap3A_271, %swap3A_272, %swap3A_273] {strides = array<i32>} : memref<2x128x128xf32, #tpu.memory_space<vmem>>, vector<1x1x16xf32>,
      %swap3A_275 = vector.shape_cast %swap3A_274 : vector<1x1x16xf32> to vector<16xf32>
      %swap3A_276 = vector.shape_cast %broadcast_in_dim3A_269 : vector<16xf32> to vector<1x1x16xf32>
      tpu.vector_store %arg10[%swap3A_271, %swap3A_272, %swap3A_273], %swap3A_276 {strides = array<i32>} : memref<2x128x128xf32, #tpu.memory_space<vmem>>, vector<1x1x16xf32>,
      %broadcast_in_dim3A_277 = arith.constant 0.000000e+00 : f32
      %broadcast_in_dim3A_278 = vector.broadcast %broadcast_in_dim3A_277 : f32 to vector<16xf32>
      %swap3A_279 = arith.constant 0 : i32
      %swap3A_280 = arith.index_cast %swap3A_279 : i32 to index
      %swap3A_281 = arith.index_cast %scan3A_258 : i32 to index
      %swap3A_282 = arith.constant 32 : index
      %swap3A_283 = tpu.vector_load %arg10[%swap3A_280, %swap3A_281, %swap3A_282] {strides = array<i32>} : memref<2x128x128xf32, #tpu.memory_space<vmem>>, vector<1x1x16xf32>,
      %swap3A_284 = vector.shape_cast %swap3A_283 : vector<1x1x16xf32> to vector<16xf32>
      %swap3A_285 = vector.shape_cast %broadcast_in_dim3A_278 : vector<16xf32> to vector<1x1x16xf32>
      tpu.vector_store %arg10[%swap3A_280, %swap3A_281, %swap3A_282], %swap3A_285 {strides = array<i32>} : memref<2x128x128xf32, #tpu.memory_space<vmem>>, vector<1x1x16xf32>,
      %broadcast_in_dim3A_286 = arith.constant 0.000000e+00 : f32
      %broadcast_in_dim3A_287 = vector.broadcast %broadcast_in_dim3A_286 : f32 to vector<16xf32>
      %swap3A_288 = arith.constant 0 : i32
      %swap3A_289 = arith.index_cast %swap3A_288 : i32 to index
      %swap3A_290 = arith.index_cast %scan3A_258 : i32 to index
      %swap3A_291 = arith.constant 48 : index
      %swap3A_292 = tpu.vector_load %arg10[%swap3A_289, %swap3A_290, %swap3A_291] {strides = array<i32>} : memref<2x128x128xf32, #tpu.memory_space<vmem>>, vector<1x1x16xf32>,
      %swap3A_293 = vector.shape_cast %swap3A_292 : vector<1x1x16xf32> to vector<16xf32>
      %swap3A_294 = vector.shape_cast %broadcast_in_dim3A_287 : vector<16xf32> to vector<1x1x16xf32>
      tpu.vector_store %arg10[%swap3A_289, %swap3A_290, %swap3A_291], %swap3A_294 {strides = array<i32>} : memref<2x128x128xf32, #tpu.memory_space<vmem>>, vector<1x1x16xf32>,
      %broadcast_in_dim3A_295 = arith.constant 0.000000e+00 : f32
      %broadcast_in_dim3A_296 = vector.broadcast %broadcast_in_dim3A_295 : f32 to vector<16xf32>
      %swap3A_297 = arith.constant 0 : i32
      %swap3A_298 = arith.index_cast %swap3A_297 : i32 to index
      %swap3A_299 = arith.index_cast %scan3A_258 : i32 to index
      %swap3A_300 = arith.constant 64 : index
      %swap3A_301 = tpu.vector_load %arg10[%swap3A_298, %swap3A_299, %swap3A_300] {strides = array<i32>} : memref<2x128x128xf32, #tpu.memory_space<vmem>>, vector<1x1x16xf32>,
      %swap3A_302 = vector.shape_cast %swap3A_301 : vector<1x1x16xf32> to vector<16xf32>
      %swap3A_303 = vector.shape_cast %broadcast_in_dim3A_296 : vector<16xf32> to vector<1x1x16xf32>
      tpu.vector_store %arg10[%swap3A_298, %swap3A_299, %swap3A_300], %swap3A_303 {strides = array<i32>} : memref<2x128x128xf32, #tpu.memory_space<vmem>>, vector<1x1x16xf32>,
      %broadcast_in_dim3A_304 = arith.constant 0.000000e+00 : f32
      %broadcast_in_dim3A_305 = vector.broadcast %broadcast_in_dim3A_304 : f32 to vector<16xf32>
      %swap3A_306 = arith.constant 0 : i32
      %swap3A_307 = arith.index_cast %swap3A_306 : i32 to index
      %swap3A_308 = arith.index_cast %scan3A_258 : i32 to index
      %swap3A_309 = arith.constant 80 : index
      %swap3A_310 = tpu.vector_load %arg10[%swap3A_307, %swap3A_308, %swap3A_309] {strides = array<i32>} : memref<2x128x128xf32, #tpu.memory_space<vmem>>, vector<1x1x16xf32>,
      %swap3A_311 = vector.shape_cast %swap3A_310 : vector<1x1x16xf32> to vector<16xf32>
      %swap3A_312 = vector.shape_cast %broadcast_in_dim3A_305 : vector<16xf32> to vector<1x1x16xf32>
      tpu.vector_store %arg10[%swap3A_307, %swap3A_308, %swap3A_309], %swap3A_312 {strides = array<i32>} : memref<2x128x128xf32, #tpu.memory_space<vmem>>, vector<1x1x16xf32>,
      %broadcast_in_dim3A_313 = arith.constant 0.000000e+00 : f32
      %broadcast_in_dim3A_314 = vector.broadcast %broadcast_in_dim3A_313 : f32 to vector<16xf32>
      %swap3A_315 = arith.constant 0 : i32
      %swap3A_316 = arith.index_cast %swap3A_315 : i32 to index
      %swap3A_317 = arith.index_cast %scan3A_258 : i32 to index
      %swap3A_318 = arith.constant 96 : index
      %swap3A_319 = tpu.vector_load %arg10[%swap3A_316, %swap3A_317, %swap3A_318] {strides = array<i32>} : memref<2x128x128xf32, #tpu.memory_space<vmem>>, vector<1x1x16xf32>,
      %swap3A_320 = vector.shape_cast %swap3A_319 : vector<1x1x16xf32> to vector<16xf32>
      %swap3A_321 = vector.shape_cast %broadcast_in_dim3A_314 : vector<16xf32> to vector<1x1x16xf32>
      tpu.vector_store %arg10[%swap3A_316, %swap3A_317, %swap3A_318], %swap3A_321 {strides = array<i32>} : memref<2x128x128xf32, #tpu.memory_space<vmem>>, vector<1x1x16xf32>,
      %broadcast_in_dim3A_322 = arith.constant 0.000000e+00 : f32
      %broadcast_in_dim3A_323 = vector.broadcast %broadcast_in_dim3A_322 : f32 to vector<16xf32>
      %swap3A_324 = arith.constant 0 : i32
      %swap3A_325 = arith.index_cast %swap3A_324 : i32 to index
      %swap3A_326 = arith.index_cast %scan3A_258 : i32 to index
      %swap3A_327 = arith.constant 112 : index
      %swap3A_328 = tpu.vector_load %arg10[%swap3A_325, %swap3A_326, %swap3A_327] {strides = array<i32>} : memref<2x128x128xf32, #tpu.memory_space<vmem>>, vector<1x1x16xf32>,
      %swap3A_329 = vector.shape_cast %swap3A_328 : vector<1x1x16xf32> to vector<16xf32>
      %swap3A_330 = vector.shape_cast %broadcast_in_dim3A_323 : vector<16xf32> to vector<1x1x16xf32>
      tpu.vector_store %arg10[%swap3A_325, %swap3A_326, %swap3A_327], %swap3A_330 {strides = array<i32>} : memref<2x128x128xf32, #tpu.memory_space<vmem>>, vector<1x1x16xf32>,
      %scan3A_331 = arith.constant 0 : i32
      scf.yield %scan3A_331 : i32
    }
    %scan3A_15 = arith.constant 128 : i32
    %scan3A_16 = arith.constant 0 : i32
    %scan3A_17 = arith.constant 0 : i32
    %scan3A_18 = arith.constant 5 : i32
    %scan3A_19 = arith.addi %scan3A_17, %scan3A_18 : i32
    %scan3A_20 = arith.constant 1 : i32
    %scan3A_21 = scf.for %scan3A_34 = %scan3A_17 to %scan3A_19 step %scan3A_20 iter_args(%scan3A_35 = %scan3A_16) -> (i32)  : i32 {
      %mul3A_36 = arith.constant 640 : i32
      %mul3A_37 = arith.muli %arg1, %mul3A_36 : i32
      %mul3A_38 = arith.constant 128 : i32
      %mul3A_39 = arith.muli %scan3A_34, %mul3A_38 : i32
      %add3A = arith.addi %mul3A_37, %mul3A_39 : i32
      %run_scoped3A = arith.constant 0 : i32
      "tpu.region"() ({
        %run_scoped3A_41 = tpu.sem_alloc : memref<!tpu.dma_semaphore, #tpu.memory_space<semaphore_mem>>
        %dma_start3A = arith.constant 0 : i32
        %dma_start3A_42 = arith.constant 0 : i32
        %dma_start3A_43 = tpu.memref_slice %arg10[%run_scoped3A, %dma_start3A, %dma_start3A_42] : memref<2x128x128xf32, #tpu.memory_space<vmem>> -> memref<1x128x128xf32, #tpu.memory_space<vmem>>
        %dma_start3A_44 = tpu.memref_squeeze %dma_start3A_43 : memref<1x128x128xf32, #tpu.memory_space<vmem>> -> memref<128x128xf32, #tpu.memory_space<vmem>>
        %dma_start3A_45 = arith.constant 0 : i32
        %dma_start3A_46 = tpu.memref_slice %arg11[%add3A, %dma_start3A_45] : memref<10240x128xf32, #tpu.memory_space<vmem_shared>> -> memref<128x128xf32, #tpu.memory_space<vmem_shared>>
        %dma_start3A_47 = arith.constant 0 : i32
        %dma_start3A_48 = tpu.memref_slice %arg11[%add3A, %dma_start3A_47] : memref<10240x128xf32, #tpu.memory_space<vmem_shared>> -> memref<128x128xf32, #tpu.memory_space<vmem_shared>>
        %dma_start3A_49 = arith.constant 0 : i32
        %dma_start3A_50 = arith.constant 0 : i32
        %dma_start3A_51 = tpu.memref_slice %arg10[%run_scoped3A, %dma_start3A_49, %dma_start3A_50] : memref<2x128x128xf32, #tpu.memory_space<vmem>> -> memref<1x128x128xf32, #tpu.memory_space<vmem>>
        %dma_start3A_52 = tpu.memref_squeeze %dma_start3A_51 : memref<1x128x128xf32, #tpu.memory_space<vmem>> -> memref<128x128xf32, #tpu.memory_space<vmem>>
        tpu.enqueue_dma source(%dma_start3A_52 : memref<128x128xf32, #tpu.memory_space<vmem>>) target(%dma_start3A_48 : memref<128x128xf32, #tpu.memory_space<vmem_shared>>) target_semaphore(%run_scoped3A_41 : memref<!tpu.dma_semaphore, #tpu.memory_space<semaphore_mem>>)
        %dma_wait3A = arith.constant 0 : i32
        %dma_wait3A_53 = arith.constant 0 : i32
        %dma_wait3A_54 = tpu.memref_slice %arg10[%run_scoped3A, %dma_wait3A, %dma_wait3A_53] : memref<2x128x128xf32, #tpu.memory_space<vmem>> -> memref<1x128x128xf32, #tpu.memory_space<vmem>>
        %dma_wait3A_55 = tpu.memref_squeeze %dma_wait3A_54 : memref<1x128x128xf32, #tpu.memory_space<vmem>> -> memref<128x128xf32, #tpu.memory_space<vmem>>
        %dma_wait3A_56 = arith.constant 0 : i32
        %dma_wait3A_57 = tpu.memref_slice %arg11[%add3A, %dma_wait3A_56] : memref<10240x128xf32, #tpu.memory_space<vmem_shared>> -> memref<128x128xf32, #tpu.memory_space<vmem_shared>>
        %dma_wait3A_58 = arith.constant 0 : i32
        %dma_wait3A_59 = tpu.memref_slice %arg11[%add3A, %dma_wait3A_58] : memref<10240x128xf32, #tpu.memory_space<vmem_shared>> -> memref<128x128xf32, #tpu.memory_space<vmem_shared>>
        %dma_wait3A_60 = arith.constant 0 : i32
        %dma_wait3A_61 = arith.constant 0 : i32
        %dma_wait3A_62 = tpu.memref_slice %arg10[%run_scoped3A, %dma_wait3A_60, %dma_wait3A_61] : memref<2x128x128xf32, #tpu.memory_space<vmem>> -> memref<1x128x128xf32, #tpu.memory_space<vmem>>
        %dma_wait3A_63 = tpu.memref_squeeze %dma_wait3A_62 : memref<1x128x128xf32, #tpu.memory_space<vmem>> -> memref<128x128xf32, #tpu.memory_space<vmem>>
        tpu.wait_dma2 semaphore(%run_scoped3A_41 : memref<!tpu.dma_semaphore, #tpu.memory_space<semaphore_mem>>) src(%dma_wait3A_63 : memref<128x128xf32, #tpu.memory_space<vmem>>) dst(%dma_wait3A_59 : memref<128x128xf32, #tpu.memory_space<vmem_shared>>)
        tpu.yield
      }) : () -> ()
      %scan3A_40 = arith.constant 0 : i32
      scf.yield %scan3A_40 : i32
    }
    %scan3A_22 = arith.constant 5 : i32
    %barrier3A = arith.constant 0 : index
    tpu.barrier barrier_id(%barrier3A)
    %scan3A_23 = arith.constant 0 : i32
    %scan3A_24 = arith.constant 0 : i32
    %scan3A_25 = arith.constant 40 : i32
    %scan3A_26 = arith.addi %scan3A_24, %scan3A_25 : i32
    %scan3A_27 = arith.constant 1 : i32
    %scan3A_28 = scf.for %scan3A_34 = %scan3A_24 to %scan3A_26 step %scan3A_27 iter_args(%scan3A_35 = %scan3A_23) -> (i32)  : i32 {
      %rem3A = arith.constant 2 : i32
      %rem3A_36 = arith.remsi %scan3A_34, %rem3A : i32
      %sub3A = arith.constant 1 : i32
      %sub3A_37 = arith.subi %sub3A, %rem3A_36 : i32
      %add3A = arith.constant 1 : i32
      %add3A_38 = arith.addi %scan3A_34, %add3A : i32
      %lt3A = arith.cmpi slt, %add3A_38, %select_n3A : i32
      %convert_element_type3A_39 = arith.extui %lt3A : i1 to i32
      %cond3A_40 = arith.constant 0 : i32
      %cond3A_41 = arith.cmpi ne, %convert_element_type3A_39, %cond3A_40 : i32
      scf.if %cond3A_41 {
        %add3A_53 = arith.constant 1 : i32
        %add3A_54 = arith.addi %scan3A_34, %add3A_53 : i32
        %mul3A_55 = arith.constant 2 : i32
        %mul3A_56 = arith.muli %add3A_54, %mul3A_55 : i32
        %eq3A_57 = arith.constant 0 : i32
        %eq3A_58 = arith.cmpi eq, %arg0, %eq3A_57 : i32
        %convert_element_type3A_59 = arith.extui %eq3A_58 : i1 to i32
        %cond3A_60 = arith.constant 0 : i32
        %cond3A_61 = arith.cmpi ne, %convert_element_type3A_59, %cond3A_60 : i32
        scf.if %cond3A_61 {
          %dma_start3A = arith.constant 0 : i32
          %dma_start3A_67 = arith.constant 0 : i32
          %dma_start3A_68 = arith.constant 0 : i32
          %dma_start3A_69 = tpu.memref_slice %arg8[%sub3A_37, %dma_start3A, %dma_start3A_67, %dma_start3A_68] : memref<2x2x1x128xi32, #tpu.memory_space<vmem>> -> memref<1x2x1x128xi32, #tpu.memory_space<vmem>>
          %dma_start3A_70 = tpu.memref_squeeze %dma_start3A_69 : memref<1x2x1x128xi32, #tpu.memory_space<vmem>> -> memref<2x1x128xi32, #tpu.memory_space<vmem>>
          %dma_start3A_71 = arith.constant 0 : i32
          %dma_start3A_72 = arith.constant 0 : i32
          %dma_start3A_73 = tpu.memref_slice %arg3[%arg1, %mul3A_56, %dma_start3A_71, %dma_start3A_72] : memref<16x80x1x128xi32, #tpu.memory_space<hbm>> -> memref<1x2x1x128xi32, #tpu.memory_space<hbm>>
          %dma_start3A_74 = tpu.memref_squeeze %dma_start3A_73 : memref<1x2x1x128xi32, #tpu.memory_space<hbm>> -> memref<2x1x128xi32, #tpu.memory_space<hbm>>
          %dma_start3A_75 = arith.constant 0 : i32
          %dma_start3A_76 = arith.constant 0 : i32
          %dma_start3A_77 = arith.constant 0 : i32
          %dma_start3A_78 = tpu.memref_slice %arg8[%sub3A_37, %dma_start3A_75, %dma_start3A_76, %dma_start3A_77] : memref<2x2x1x128xi32, #tpu.memory_space<vmem>> -> memref<1x2x1x128xi32, #tpu.memory_space<vmem>>
          %dma_start3A_79 = tpu.memref_squeeze %dma_start3A_78 : memref<1x2x1x128xi32, #tpu.memory_space<vmem>> -> memref<2x1x128xi32, #tpu.memory_space<vmem>>
          %dma_start3A_80 = arith.constant 0 : i32
          %dma_start3A_81 = arith.constant 0 : i32
          %dma_start3A_82 = tpu.memref_slice %arg3[%arg1, %mul3A_56, %dma_start3A_80, %dma_start3A_81] : memref<16x80x1x128xi32, #tpu.memory_space<hbm>> -> memref<1x2x1x128xi32, #tpu.memory_space<hbm>>
          %dma_start3A_83 = tpu.memref_squeeze %dma_start3A_82 : memref<1x2x1x128xi32, #tpu.memory_space<hbm>> -> memref<2x1x128xi32, #tpu.memory_space<hbm>>
          tpu.enqueue_dma source(%dma_start3A_83 : memref<2x1x128xi32, #tpu.memory_space<hbm>>) target(%dma_start3A_79 : memref<2x1x128xi32, #tpu.memory_space<vmem>>) target_semaphore(%arg12 : memref<!tpu.dma_semaphore, #tpu.memory_space<semaphore_mem>>)
          %dma_start3A_84 = arith.constant 0 : i32
          %dma_start3A_85 = arith.constant 0 : i32
          %dma_start3A_86 = arith.constant 0 : i32
          %dma_start3A_87 = tpu.memref_slice %arg9[%sub3A_37, %dma_start3A_84, %dma_start3A_85, %dma_start3A_86] : memref<2x2x1x128xi32, #tpu.memory_space<vmem>> -> memref<1x2x1x128xi32, #tpu.memory_space<vmem>>
          %dma_start3A_88 = tpu.memref_squeeze %dma_start3A_87 : memref<1x2x1x128xi32, #tpu.memory_space<vmem>> -> memref<2x1x128xi32, #tpu.memory_space<vmem>>
          %dma_start3A_89 = arith.constant 0 : i32
          %dma_start3A_90 = arith.constant 0 : i32
          %dma_start3A_91 = tpu.memref_slice %arg4[%arg1, %mul3A_56, %dma_start3A_89, %dma_start3A_90] : memref<16x80x1x128xi32, #tpu.memory_space<hbm>> -> memref<1x2x1x128xi32, #tpu.memory_space<hbm>>
          %dma_start3A_92 = tpu.memref_squeeze %dma_start3A_91 : memref<1x2x1x128xi32, #tpu.memory_space<hbm>> -> memref<2x1x128xi32, #tpu.memory_space<hbm>>
          %dma_start3A_93 = arith.constant 0 : i32
          %dma_start3A_94 = arith.constant 0 : i32
          %dma_start3A_95 = arith.constant 0 : i32
          %dma_start3A_96 = tpu.memref_slice %arg9[%sub3A_37, %dma_start3A_93, %dma_start3A_94, %dma_start3A_95] : memref<2x2x1x128xi32, #tpu.memory_space<vmem>> -> memref<1x2x1x128xi32, #tpu.memory_space<vmem>>
          %dma_start3A_97 = tpu.memref_squeeze %dma_start3A_96 : memref<1x2x1x128xi32, #tpu.memory_space<vmem>> -> memref<2x1x128xi32, #tpu.memory_space<vmem>>
          %dma_start3A_98 = arith.constant 0 : i32
          %dma_start3A_99 = arith.constant 0 : i32
          %dma_start3A_100 = tpu.memref_slice %arg4[%arg1, %mul3A_56, %dma_start3A_98, %dma_start3A_99] : memref<16x80x1x128xi32, #tpu.memory_space<hbm>> -> memref<1x2x1x128xi32, #tpu.memory_space<hbm>>
          %dma_start3A_101 = tpu.memref_squeeze %dma_start3A_100 : memref<1x2x1x128xi32, #tpu.memory_space<hbm>> -> memref<2x1x128xi32, #tpu.memory_space<hbm>>
          tpu.enqueue_dma source(%dma_start3A_101 : memref<2x1x128xi32, #tpu.memory_space<hbm>>) target(%dma_start3A_97 : memref<2x1x128xi32, #tpu.memory_space<vmem>>) target_semaphore(%arg12 : memref<!tpu.dma_semaphore, #tpu.memory_space<semaphore_mem>>)
        } else {
        }
        %eq3A_62 = arith.constant 1 : i32
        %eq3A_63 = arith.cmpi eq, %arg0, %eq3A_62 : i32
        %convert_element_type3A_64 = arith.extui %eq3A_63 : i1 to i32
        %cond3A_65 = arith.constant 0 : i32
        %cond3A_66 = arith.cmpi ne, %convert_element_type3A_64, %cond3A_65 : i32
        scf.if %cond3A_66 {
          %dma_start3A = arith.constant 0 : i32
          %dma_start3A_67 = arith.constant 0 : i32
          %dma_start3A_68 = arith.constant 0 : i32
          %dma_start3A_69 = tpu.memref_slice %arg8[%sub3A_37, %dma_start3A, %dma_start3A_67, %dma_start3A_68] : memref<2x2x1x128xi32, #tpu.memory_space<vmem>> -> memref<1x2x1x128xi32, #tpu.memory_space<vmem>>
          %dma_start3A_70 = tpu.memref_squeeze %dma_start3A_69 : memref<1x2x1x128xi32, #tpu.memory_space<vmem>> -> memref<2x1x128xi32, #tpu.memory_space<vmem>>
          %dma_start3A_71 = arith.constant 0 : i32
          %dma_start3A_72 = arith.constant 0 : i32
          %dma_start3A_73 = tpu.memref_slice %arg5[%arg1, %mul3A_56, %dma_start3A_71, %dma_start3A_72] : memref<16x80x1x128xi32, #tpu.memory_space<hbm>> -> memref<1x2x1x128xi32, #tpu.memory_space<hbm>>
          %dma_start3A_74 = tpu.memref_squeeze %dma_start3A_73 : memref<1x2x1x128xi32, #tpu.memory_space<hbm>> -> memref<2x1x128xi32, #tpu.memory_space<hbm>>
          %dma_start3A_75 = arith.constant 0 : i32
          %dma_start3A_76 = arith.constant 0 : i32
          %dma_start3A_77 = arith.constant 0 : i32
          %dma_start3A_78 = tpu.memref_slice %arg8[%sub3A_37, %dma_start3A_75, %dma_start3A_76, %dma_start3A_77] : memref<2x2x1x128xi32, #tpu.memory_space<vmem>> -> memref<1x2x1x128xi32, #tpu.memory_space<vmem>>
          %dma_start3A_79 = tpu.memref_squeeze %dma_start3A_78 : memref<1x2x1x128xi32, #tpu.memory_space<vmem>> -> memref<2x1x128xi32, #tpu.memory_space<vmem>>
          %dma_start3A_80 = arith.constant 0 : i32
          %dma_start3A_81 = arith.constant 0 : i32
          %dma_start3A_82 = tpu.memref_slice %arg5[%arg1, %mul3A_56, %dma_start3A_80, %dma_start3A_81] : memref<16x80x1x128xi32, #tpu.memory_space<hbm>> -> memref<1x2x1x128xi32, #tpu.memory_space<hbm>>
          %dma_start3A_83 = tpu.memref_squeeze %dma_start3A_82 : memref<1x2x1x128xi32, #tpu.memory_space<hbm>> -> memref<2x1x128xi32, #tpu.memory_space<hbm>>
          tpu.enqueue_dma source(%dma_start3A_83 : memref<2x1x128xi32, #tpu.memory_space<hbm>>) target(%dma_start3A_79 : memref<2x1x128xi32, #tpu.memory_space<vmem>>) target_semaphore(%arg12 : memref<!tpu.dma_semaphore, #tpu.memory_space<semaphore_mem>>)
          %dma_start3A_84 = arith.constant 0 : i32
          %dma_start3A_85 = arith.constant 0 : i32
          %dma_start3A_86 = arith.constant 0 : i32
          %dma_start3A_87 = tpu.memref_slice %arg9[%sub3A_37, %dma_start3A_84, %dma_start3A_85, %dma_start3A_86] : memref<2x2x1x128xi32, #tpu.memory_space<vmem>> -> memref<1x2x1x128xi32, #tpu.memory_space<vmem>>
          %dma_start3A_88 = tpu.memref_squeeze %dma_start3A_87 : memref<1x2x1x128xi32, #tpu.memory_space<vmem>> -> memref<2x1x128xi32, #tpu.memory_space<vmem>>
          %dma_start3A_89 = arith.constant 0 : i32
          %dma_start3A_90 = arith.constant 0 : i32
          %dma_start3A_91 = tpu.memref_slice %arg6[%arg1, %mul3A_56, %dma_start3A_89, %dma_start3A_90] : memref<16x80x1x128xi32, #tpu.memory_space<hbm>> -> memref<1x2x1x128xi32, #tpu.memory_space<hbm>>
          %dma_start3A_92 = tpu.memref_squeeze %dma_start3A_91 : memref<1x2x1x128xi32, #tpu.memory_space<hbm>> -> memref<2x1x128xi32, #tpu.memory_space<hbm>>
          %dma_start3A_93 = arith.constant 0 : i32
          %dma_start3A_94 = arith.constant 0 : i32
          %dma_start3A_95 = arith.constant 0 : i32
          %dma_start3A_96 = tpu.memref_slice %arg9[%sub3A_37, %dma_start3A_93, %dma_start3A_94, %dma_start3A_95] : memref<2x2x1x128xi32, #tpu.memory_space<vmem>> -> memref<1x2x1x128xi32, #tpu.memory_space<vmem>>
          %dma_start3A_97 = tpu.memref_squeeze %dma_start3A_96 : memref<1x2x1x128xi32, #tpu.memory_space<vmem>> -> memref<2x1x128xi32, #tpu.memory_space<vmem>>
          %dma_start3A_98 = arith.constant 0 : i32
          %dma_start3A_99 = arith.constant 0 : i32
          %dma_start3A_100 = tpu.memref_slice %arg6[%arg1, %mul3A_56, %dma_start3A_98, %dma_start3A_99] : memref<16x80x1x128xi32, #tpu.memory_space<hbm>> -> memref<1x2x1x128xi32, #tpu.memory_space<hbm>>
          %dma_start3A_101 = tpu.memref_squeeze %dma_start3A_100 : memref<1x2x1x128xi32, #tpu.memory_space<hbm>> -> memref<2x1x128xi32, #tpu.memory_space<hbm>>
          tpu.enqueue_dma source(%dma_start3A_101 : memref<2x1x128xi32, #tpu.memory_space<hbm>>) target(%dma_start3A_97 : memref<2x1x128xi32, #tpu.memory_space<vmem>>) target_semaphore(%arg12 : memref<!tpu.dma_semaphore, #tpu.memory_space<semaphore_mem>>)
        } else {
        }
      } else {
      }
      %lt3A_42 = arith.cmpi slt, %scan3A_34, %select_n3A : i32
      %convert_element_type3A_43 = arith.extui %lt3A_42 : i1 to i32
      %cond3A_44 = arith.constant 0 : i32
      %cond3A_45 = arith.cmpi ne, %convert_element_type3A_43, %cond3A_44 : i32
      scf.if %cond3A_45 {
        %dma_start3A = arith.constant 0 : i32
        %dma_start3A_53 = arith.constant 0 : i32
        %dma_start3A_54 = arith.constant 0 : i32
        %dma_start3A_55 = arith.constant 0 : i32
        %dma_start3A_56 = arith.constant 0 : i32
        %dma_start3A_57 = tpu.memref_slice %arg10[%dma_start3A_54, %dma_start3A_55, %dma_start3A_56] : memref<2x128x128xf32, #tpu.memory_space<vmem>> -> memref<1x128x128xf32, #tpu.memory_space<vmem>>
        %dma_start3A_58 = tpu.memref_squeeze %dma_start3A_57 : memref<1x128x128xf32, #tpu.memory_space<vmem>> -> memref<128x128xf32, #tpu.memory_space<vmem>>
        %dma_start3A_59 = arith.constant 0 : i32
        %dma_start3A_60 = tpu.memref_slice %arg8[%rem3A_36, %dma_start3A, %dma_start3A_53, %dma_start3A_59] : memref<2x2x1x128xi32, #tpu.memory_space<vmem>> -> memref<1x1x1x128xi32, #tpu.memory_space<vmem>>
        %dma_start3A_61 = tpu.memref_squeeze %dma_start3A_60 : memref<1x1x1x128xi32, #tpu.memory_space<vmem>> -> memref<128xi32, #tpu.memory_space<vmem>>
        %dma_start3A_62 = arith.constant 0 : i32
        %dma_start3A_63 = arith.constant 0 : i32
        %dma_start3A_64 = tpu.memref_slice %arg2[%dma_start3A_62, %dma_start3A_63] : memref<10240x128xf32, #tpu.memory_space<hbm>> -> memref<10240x128xf32, #tpu.memory_space<hbm>>
        tpu.enqueue_indirect_dma source(%dma_start3A_64 : memref<10240x128xf32, #tpu.memory_space<hbm>>) target(%dma_start3A_58 : memref<128x128xf32, #tpu.memory_space<vmem>>) offsets(%dma_start3A_61 : memref<128xi32, #tpu.memory_space<vmem>>) semaphore(%arg13 : memref<!tpu.dma_semaphore, #tpu.memory_space<semaphore_mem>>)
        %dma_start3A_65 = arith.constant 1 : i32
        %dma_start3A_66 = arith.constant 0 : i32
        %dma_start3A_67 = arith.constant 1 : i32
        %dma_start3A_68 = arith.constant 0 : i32
        %dma_start3A_69 = arith.constant 0 : i32
        %dma_start3A_70 = tpu.memref_slice %arg10[%dma_start3A_67, %dma_start3A_68, %dma_start3A_69] : memref<2x128x128xf32, #tpu.memory_space<vmem>> -> memref<1x128x128xf32, #tpu.memory_space<vmem>>
        %dma_start3A_71 = tpu.memref_squeeze %dma_start3A_70 : memref<1x128x128xf32, #tpu.memory_space<vmem>> -> memref<128x128xf32, #tpu.memory_space<vmem>>
        %dma_start3A_72 = arith.constant 0 : i32
        %dma_start3A_73 = tpu.memref_slice %arg8[%rem3A_36, %dma_start3A_65, %dma_start3A_66, %dma_start3A_72] : memref<2x2x1x128xi32, #tpu.memory_space<vmem>> -> memref<1x1x1x128xi32, #tpu.memory_space<vmem>>
        %dma_start3A_74 = tpu.memref_squeeze %dma_start3A_73 : memref<1x1x1x128xi32, #tpu.memory_space<vmem>> -> memref<128xi32, #tpu.memory_space<vmem>>
        %dma_start3A_75 = arith.constant 0 : i32
        %dma_start3A_76 = arith.constant 0 : i32
        %dma_start3A_77 = tpu.memref_slice %arg2[%dma_start3A_75, %dma_start3A_76] : memref<10240x128xf32, #tpu.memory_space<hbm>> -> memref<10240x128xf32, #tpu.memory_space<hbm>>
        tpu.enqueue_indirect_dma source(%dma_start3A_77 : memref<10240x128xf32, #tpu.memory_space<hbm>>) target(%dma_start3A_71 : memref<128x128xf32, #tpu.memory_space<vmem>>) offsets(%dma_start3A_74 : memref<128xi32, #tpu.memory_space<vmem>>) semaphore(%arg13 : memref<!tpu.dma_semaphore, #tpu.memory_space<semaphore_mem>>)
        %dma_wait3A = arith.constant 0 : i32
        %dma_wait3A_78 = arith.constant 0 : i32
        %dma_wait3A_79 = arith.constant 0 : i32
        %dma_wait3A_80 = arith.constant 0 : i32
        %dma_wait3A_81 = arith.constant 0 : i32
        %dma_wait3A_82 = tpu.memref_slice %arg10[%dma_wait3A_79, %dma_wait3A_80, %dma_wait3A_81] : memref<2x128x128xf32, #tpu.memory_space<vmem>> -> memref<1x128x128xf32, #tpu.memory_space<vmem>>
        %dma_wait3A_83 = tpu.memref_squeeze %dma_wait3A_82 : memref<1x128x128xf32, #tpu.memory_space<vmem>> -> memref<128x128xf32, #tpu.memory_space<vmem>>
        %dma_wait3A_84 = arith.constant 0 : i32
        %dma_wait3A_85 = tpu.memref_slice %arg8[%rem3A_36, %dma_wait3A, %dma_wait3A_78, %dma_wait3A_84] : memref<2x2x1x128xi32, #tpu.memory_space<vmem>> -> memref<1x1x1x128xi32, #tpu.memory_space<vmem>>
        %dma_wait3A_86 = tpu.memref_squeeze %dma_wait3A_85 : memref<1x1x1x128xi32, #tpu.memory_space<vmem>> -> memref<128xi32, #tpu.memory_space<vmem>>
        %dma_wait3A_87 = arith.constant 0 : i32
        %dma_wait3A_88 = arith.constant 0 : i32
        %dma_wait3A_89 = tpu.memref_slice %arg2[%dma_wait3A_87, %dma_wait3A_88] : memref<10240x128xf32, #tpu.memory_space<hbm>> -> memref<10240x128xf32, #tpu.memory_space<hbm>>
        tpu.wait_indirect_dma semaphore(%arg13 : memref<!tpu.dma_semaphore, #tpu.memory_space<semaphore_mem>>) src(%dma_wait3A_89 : memref<10240x128xf32, #tpu.memory_space<hbm>>) dst(%dma_wait3A_83 : memref<128x128xf32, #tpu.memory_space<vmem>>)
        %dma_start3A_90 = arith.constant 0 : i32
        %dma_start3A_91 = arith.constant 0 : i32
        %dma_start3A_92 = arith.constant 0 : i32
        %dma_start3A_93 = arith.constant 0 : i32
        %dma_start3A_94 = arith.constant 0 : i32
        %dma_start3A_95 = tpu.memref_slice %arg10[%dma_start3A_90, %dma_start3A_93, %dma_start3A_94] : memref<2x128x128xf32, #tpu.memory_space<vmem>> -> memref<1x128x128xf32, #tpu.memory_space<vmem>>
        %dma_start3A_96 = tpu.memref_squeeze %dma_start3A_95 : memref<1x128x128xf32, #tpu.memory_space<vmem>> -> memref<128x128xf32, #tpu.memory_space<vmem>>
        %dma_start3A_97 = arith.constant 0 : i32
        %dma_start3A_98 = tpu.memref_slice %arg9[%rem3A_36, %dma_start3A_91, %dma_start3A_92, %dma_start3A_97] : memref<2x2x1x128xi32, #tpu.memory_space<vmem>> -> memref<1x1x1x128xi32, #tpu.memory_space<vmem>>
        %dma_start3A_99 = tpu.memref_squeeze %dma_start3A_98 : memref<1x1x1x128xi32, #tpu.memory_space<vmem>> -> memref<128xi32, #tpu.memory_space<vmem>>
        %dma_start3A_100 = arith.constant 0 : i32
        %dma_start3A_101 = arith.constant 0 : i32
        %dma_start3A_102 = tpu.memref_slice %arg11[%dma_start3A_100, %dma_start3A_101] : memref<10240x128xf32, #tpu.memory_space<vmem_shared>> -> memref<10240x128xf32, #tpu.memory_space<vmem_shared>>
        tpu.enqueue_indirect_dma source(%dma_start3A_96 : memref<128x128xf32, #tpu.memory_space<vmem>>) target(%dma_start3A_102 : memref<10240x128xf32, #tpu.memory_space<vmem_shared>>) offsets(%dma_start3A_99 : memref<128xi32, #tpu.memory_space<vmem>>) semaphore(%arg14 : memref<!tpu.dma_semaphore, #tpu.memory_space<semaphore_mem>>) {add = true}
        %dma_wait3A_103 = arith.constant 1 : i32
        %dma_wait3A_104 = arith.constant 0 : i32
        %dma_wait3A_105 = arith.constant 1 : i32
        %dma_wait3A_106 = arith.constant 0 : i32
        %dma_wait3A_107 = arith.constant 0 : i32
        %dma_wait3A_108 = tpu.memref_slice %arg10[%dma_wait3A_105, %dma_wait3A_106, %dma_wait3A_107] : memref<2x128x128xf32, #tpu.memory_space<vmem>> -> memref<1x128x128xf32, #tpu.memory_space<vmem>>
        %dma_wait3A_109 = tpu.memref_squeeze %dma_wait3A_108 : memref<1x128x128xf32, #tpu.memory_space<vmem>> -> memref<128x128xf32, #tpu.memory_space<vmem>>
        %dma_wait3A_110 = arith.constant 0 : i32
        %dma_wait3A_111 = tpu.memref_slice %arg8[%rem3A_36, %dma_wait3A_103, %dma_wait3A_104, %dma_wait3A_110] : memref<2x2x1x128xi32, #tpu.memory_space<vmem>> -> memref<1x1x1x128xi32, #tpu.memory_space<vmem>>
        %dma_wait3A_112 = tpu.memref_squeeze %dma_wait3A_111 : memref<1x1x1x128xi32, #tpu.memory_space<vmem>> -> memref<128xi32, #tpu.memory_space<vmem>>
        %dma_wait3A_113 = arith.constant 0 : i32
        %dma_wait3A_114 = arith.constant 0 : i32
        %dma_wait3A_115 = tpu.memref_slice %arg2[%dma_wait3A_113, %dma_wait3A_114] : memref<10240x128xf32, #tpu.memory_space<hbm>> -> memref<10240x128xf32, #tpu.memory_space<hbm>>
        tpu.wait_indirect_dma semaphore(%arg13 : memref<!tpu.dma_semaphore, #tpu.memory_space<semaphore_mem>>) src(%dma_wait3A_115 : memref<10240x128xf32, #tpu.memory_space<hbm>>) dst(%dma_wait3A_109 : memref<128x128xf32, #tpu.memory_space<vmem>>)
        %dma_start3A_116 = arith.constant 1 : i32
        %dma_start3A_117 = arith.constant 1 : i32
        %dma_start3A_118 = arith.constant 0 : i32
        %dma_start3A_119 = arith.constant 0 : i32
        %dma_start3A_120 = arith.constant 0 : i32
        %dma_start3A_121 = tpu.memref_slice %arg10[%dma_start3A_116, %dma_start3A_119, %dma_start3A_120] : memref<2x128x128xf32, #tpu.memory_space<vmem>> -> memref<1x128x128xf32, #tpu.memory_space<vmem>>
        %dma_start3A_122 = tpu.memref_squeeze %dma_start3A_121 : memref<1x128x128xf32, #tpu.memory_space<vmem>> -> memref<128x128xf32, #tpu.memory_space<vmem>>
        %dma_start3A_123 = arith.constant 0 : i32
        %dma_start3A_124 = tpu.memref_slice %arg9[%rem3A_36, %dma_start3A_117, %dma_start3A_118, %dma_start3A_123] : memref<2x2x1x128xi32, #tpu.memory_space<vmem>> -> memref<1x1x1x128xi32, #tpu.memory_space<vmem>>
        %dma_start3A_125 = tpu.memref_squeeze %dma_start3A_124 : memref<1x1x1x128xi32, #tpu.memory_space<vmem>> -> memref<128xi32, #tpu.memory_space<vmem>>
        %dma_start3A_126 = arith.constant 0 : i32
        %dma_start3A_127 = arith.constant 0 : i32
        %dma_start3A_128 = tpu.memref_slice %arg11[%dma_start3A_126, %dma_start3A_127] : memref<10240x128xf32, #tpu.memory_space<vmem_shared>> -> memref<10240x128xf32, #tpu.memory_space<vmem_shared>>
        tpu.enqueue_indirect_dma source(%dma_start3A_122 : memref<128x128xf32, #tpu.memory_space<vmem>>) target(%dma_start3A_128 : memref<10240x128xf32, #tpu.memory_space<vmem_shared>>) offsets(%dma_start3A_125 : memref<128xi32, #tpu.memory_space<vmem>>) semaphore(%arg14 : memref<!tpu.dma_semaphore, #tpu.memory_space<semaphore_mem>>) {add = true}
        %dma_wait3A_129 = arith.constant 0 : i32
        %dma_wait3A_130 = arith.constant 0 : i32
        %dma_wait3A_131 = arith.constant 0 : i32
        %dma_wait3A_132 = arith.constant 0 : i32
        %dma_wait3A_133 = arith.constant 0 : i32
        %dma_wait3A_134 = tpu.memref_slice %arg10[%dma_wait3A_129, %dma_wait3A_132, %dma_wait3A_133] : memref<2x128x128xf32, #tpu.memory_space<vmem>> -> memref<1x128x128xf32, #tpu.memory_space<vmem>>
        %dma_wait3A_135 = tpu.memref_squeeze %dma_wait3A_134 : memref<1x128x128xf32, #tpu.memory_space<vmem>> -> memref<128x128xf32, #tpu.memory_space<vmem>>
        %dma_wait3A_136 = arith.constant 0 : i32
        %dma_wait3A_137 = tpu.memref_slice %arg9[%rem3A_36, %dma_wait3A_130, %dma_wait3A_131, %dma_wait3A_136] : memref<2x2x1x128xi32, #tpu.memory_space<vmem>> -> memref<1x1x1x128xi32, #tpu.memory_space<vmem>>
        %dma_wait3A_138 = tpu.memref_squeeze %dma_wait3A_137 : memref<1x1x1x128xi32, #tpu.memory_space<vmem>> -> memref<128xi32, #tpu.memory_space<vmem>>
        %dma_wait3A_139 = arith.constant 0 : i32
        %dma_wait3A_140 = arith.constant 0 : i32
        %dma_wait3A_141 = tpu.memref_slice %arg11[%dma_wait3A_139, %dma_wait3A_140] : memref<10240x128xf32, #tpu.memory_space<vmem_shared>> -> memref<10240x128xf32, #tpu.memory_space<vmem_shared>>
        tpu.wait_indirect_dma semaphore(%arg14 : memref<!tpu.dma_semaphore, #tpu.memory_space<semaphore_mem>>) src(%dma_wait3A_135 : memref<128x128xf32, #tpu.memory_space<vmem>>) dst(%dma_wait3A_141 : memref<10240x128xf32, #tpu.memory_space<vmem_shared>>)
        %dma_wait3A_142 = arith.constant 1 : i32
        %dma_wait3A_143 = arith.constant 1 : i32
        %dma_wait3A_144 = arith.constant 0 : i32
        %dma_wait3A_145 = arith.constant 0 : i32
        %dma_wait3A_146 = arith.constant 0 : i32
        %dma_wait3A_147 = tpu.memref_slice %arg10[%dma_wait3A_142, %dma_wait3A_145, %dma_wait3A_146] : memref<2x128x128xf32, #tpu.memory_space<vmem>> -> memref<1x128x128xf32, #tpu.memory_space<vmem>>
        %dma_wait3A_148 = tpu.memref_squeeze %dma_wait3A_147 : memref<1x128x128xf32, #tpu.memory_space<vmem>> -> memref<128x128xf32, #tpu.memory_space<vmem>>
        %dma_wait3A_149 = arith.constant 0 : i32
        %dma_wait3A_150 = tpu.memref_slice %arg9[%rem3A_36, %dma_wait3A_143, %dma_wait3A_144, %dma_wait3A_149] : memref<2x2x1x128xi32, #tpu.memory_space<vmem>> -> memref<1x1x1x128xi32, #tpu.memory_space<vmem>>
        %dma_wait3A_151 = tpu.memref_squeeze %dma_wait3A_150 : memref<1x1x1x128xi32, #tpu.memory_space<vmem>> -> memref<128xi32, #tpu.memory_space<vmem>>
        %dma_wait3A_152 = arith.constant 0 : i32
        %dma_wait3A_153 = arith.constant 0 : i32
        %dma_wait3A_154 = tpu.memref_slice %arg11[%dma_wait3A_152, %dma_wait3A_153] : memref<10240x128xf32, #tpu.memory_space<vmem_shared>> -> memref<10240x128xf32, #tpu.memory_space<vmem_shared>>
        tpu.wait_indirect_dma semaphore(%arg14 : memref<!tpu.dma_semaphore, #tpu.memory_space<semaphore_mem>>) src(%dma_wait3A_148 : memref<128x128xf32, #tpu.memory_space<vmem>>) dst(%dma_wait3A_154 : memref<10240x128xf32, #tpu.memory_space<vmem_shared>>)
      } else {
      }
      %add3A_46 = arith.constant 1 : i32
      %add3A_47 = arith.addi %scan3A_34, %add3A_46 : i32
      %lt3A_48 = arith.cmpi slt, %add3A_47, %select_n3A : i32
      %convert_element_type3A_49 = arith.extui %lt3A_48 : i1 to i32
      %cond3A_50 = arith.constant 0 : i32
      %cond3A_51 = arith.cmpi ne, %convert_element_type3A_49, %cond3A_50 : i32
      scf.if %cond3A_51 {
        %dma_wait3A = arith.constant 0 : i32
        %dma_wait3A_53 = arith.constant 0 : i32
        %dma_wait3A_54 = arith.constant 0 : i32
        %dma_wait3A_55 = tpu.memref_slice %arg8[%sub3A_37, %dma_wait3A, %dma_wait3A_53, %dma_wait3A_54] : memref<2x2x1x128xi32, #tpu.memory_space<vmem>> -> memref<1x2x1x128xi32, #tpu.memory_space<vmem>>
        %dma_wait3A_56 = tpu.memref_squeeze %dma_wait3A_55 : memref<1x2x1x128xi32, #tpu.memory_space<vmem>> -> memref<2x1x128xi32, #tpu.memory_space<vmem>>
        %dma_wait3A_57 = arith.constant 0 : i32
        %dma_wait3A_58 = arith.constant 0 : i32
        %dma_wait3A_59 = arith.constant 0 : i32
        %dma_wait3A_60 = tpu.memref_slice %arg3[%arg1, %dma_wait3A_57, %dma_wait3A_58, %dma_wait3A_59] : memref<16x80x1x128xi32, #tpu.memory_space<hbm>> -> memref<1x2x1x128xi32, #tpu.memory_space<hbm>>
        %dma_wait3A_61 = tpu.memref_squeeze %dma_wait3A_60 : memref<1x2x1x128xi32, #tpu.memory_space<hbm>> -> memref<2x1x128xi32, #tpu.memory_space<hbm>>
        %dma_wait3A_62 = arith.constant 0 : i32
        %dma_wait3A_63 = arith.constant 0 : i32
        %dma_wait3A_64 = arith.constant 0 : i32
        %dma_wait3A_65 = tpu.memref_slice %arg8[%sub3A_37, %dma_wait3A_62, %dma_wait3A_63, %dma_wait3A_64] : memref<2x2x1x128xi32, #tpu.memory_space<vmem>> -> memref<1x2x1x128xi32, #tpu.memory_space<vmem>>
        %dma_wait3A_66 = tpu.memref_squeeze %dma_wait3A_65 : memref<1x2x1x128xi32, #tpu.memory_space<vmem>> -> memref<2x1x128xi32, #tpu.memory_space<vmem>>
        %dma_wait3A_67 = arith.constant 0 : i32
        %dma_wait3A_68 = arith.constant 0 : i32
        %dma_wait3A_69 = arith.constant 0 : i32
        %dma_wait3A_70 = tpu.memref_slice %arg3[%arg1, %dma_wait3A_67, %dma_wait3A_68, %dma_wait3A_69] : memref<16x80x1x128xi32, #tpu.memory_space<hbm>> -> memref<1x2x1x128xi32, #tpu.memory_space<hbm>>
        %dma_wait3A_71 = tpu.memref_squeeze %dma_wait3A_70 : memref<1x2x1x128xi32, #tpu.memory_space<hbm>> -> memref<2x1x128xi32, #tpu.memory_space<hbm>>
        tpu.wait_dma2 semaphore(%arg12 : memref<!tpu.dma_semaphore, #tpu.memory_space<semaphore_mem>>) src(%dma_wait3A_71 : memref<2x1x128xi32, #tpu.memory_space<hbm>>) dst(%dma_wait3A_66 : memref<2x1x128xi32, #tpu.memory_space<vmem>>)
        %dma_wait3A_72 = arith.constant 0 : i32
        %dma_wait3A_73 = arith.constant 0 : i32
        %dma_wait3A_74 = arith.constant 0 : i32
        %dma_wait3A_75 = tpu.memref_slice %arg9[%sub3A_37, %dma_wait3A_72, %dma_wait3A_73, %dma_wait3A_74] : memref<2x2x1x128xi32, #tpu.memory_space<vmem>> -> memref<1x2x1x128xi32, #tpu.memory_space<vmem>>
        %dma_wait3A_76 = tpu.memref_squeeze %dma_wait3A_75 : memref<1x2x1x128xi32, #tpu.memory_space<vmem>> -> memref<2x1x128xi32, #tpu.memory_space<vmem>>
        %dma_wait3A_77 = arith.constant 0 : i32
        %dma_wait3A_78 = arith.constant 0 : i32
        %dma_wait3A_79 = arith.constant 0 : i32
        %dma_wait3A_80 = tpu.memref_slice %arg4[%arg1, %dma_wait3A_77, %dma_wait3A_78, %dma_wait3A_79] : memref<16x80x1x128xi32, #tpu.memory_space<hbm>> -> memref<1x2x1x128xi32, #tpu.memory_space<hbm>>
        %dma_wait3A_81 = tpu.memref_squeeze %dma_wait3A_80 : memref<1x2x1x128xi32, #tpu.memory_space<hbm>> -> memref<2x1x128xi32, #tpu.memory_space<hbm>>
        %dma_wait3A_82 = arith.constant 0 : i32
        %dma_wait3A_83 = arith.constant 0 : i32
        %dma_wait3A_84 = arith.constant 0 : i32
        %dma_wait3A_85 = tpu.memref_slice %arg9[%sub3A_37, %dma_wait3A_82, %dma_wait3A_83, %dma_wait3A_84] : memref<2x2x1x128xi32, #tpu.memory_space<vmem>> -> memref<1x2x1x128xi32, #tpu.memory_space<vmem>>
        %dma_wait3A_86 = tpu.memref_squeeze %dma_wait3A_85 : memref<1x2x1x128xi32, #tpu.memory_space<vmem>> -> memref<2x1x128xi32, #tpu.memory_space<vmem>>
        %dma_wait3A_87 = arith.constant 0 : i32
        %dma_wait3A_88 = arith.constant 0 : i32
        %dma_wait3A_89 = arith.constant 0 : i32
        %dma_wait3A_90 = tpu.memref_slice %arg4[%arg1, %dma_wait3A_87, %dma_wait3A_88, %dma_wait3A_89] : memref<16x80x1x128xi32, #tpu.memory_space<hbm>> -> memref<1x2x1x128xi32, #tpu.memory_space<hbm>>
        %dma_wait3A_91 = tpu.memref_squeeze %dma_wait3A_90 : memref<1x2x1x128xi32, #tpu.memory_space<hbm>> -> memref<2x1x128xi32, #tpu.memory_space<hbm>>
        tpu.wait_dma2 semaphore(%arg12 : memref<!tpu.dma_semaphore, #tpu.memory_space<semaphore_mem>>) src(%dma_wait3A_91 : memref<2x1x128xi32, #tpu.memory_space<hbm>>) dst(%dma_wait3A_86 : memref<2x1x128xi32, #tpu.memory_space<vmem>>)
      } else {
      }
      %scan3A_52 = arith.constant 0 : i32
      scf.yield %scan3A_52 : i32
    }
    %scan3A_29 = arith.constant 40 : i32
    %barrier3A_30 = arith.constant 0 : index
    tpu.barrier barrier_id(%barrier3A_30)
    %mul3A = arith.constant 640 : i32
    %mul3A_31 = arith.muli %arg1, %mul3A : i32
    %mul3A_32 = arith.constant 640 : i32
    %mul3A_33 = arith.muli %arg1, %mul3A_32 : i32
    "tpu.region"() ({
      %run_scoped3A = tpu.sem_alloc : memref<!tpu.dma_semaphore, #tpu.memory_space<semaphore_mem>>
      %dma_start3A = arith.constant 0 : i32
      %dma_start3A_34 = tpu.memref_slice %arg7[%arg0, %mul3A_33, %dma_start3A] : memref<2x10240x128xf32, #tpu.memory_space<hbm>> -> memref<1x640x128xf32, #tpu.memory_space<hbm>>
      %dma_start3A_35 = tpu.memref_squeeze %dma_start3A_34 : memref<1x640x128xf32, #tpu.memory_space<hbm>> -> memref<640x128xf32, #tpu.memory_space<hbm>>
      %dma_start3A_36 = arith.constant 0 : i32
      %dma_start3A_37 = tpu.memref_slice %arg11[%mul3A_31, %dma_start3A_36] : memref<10240x128xf32, #tpu.memory_space<vmem_shared>> -> memref<640x128xf32, #tpu.memory_space<vmem_shared>>
      tpu.enqueue_dma source(%dma_start3A_37 : memref<640x128xf32, #tpu.memory_space<vmem_shared>>) target(%dma_start3A_35 : memref<640x128xf32, #tpu.memory_space<hbm>>) target_semaphore(%run_scoped3A : memref<!tpu.dma_semaphore, #tpu.memory_space<semaphore_mem>>)
      %dma_wait3A = arith.constant 0 : i32
      %dma_wait3A_38 = tpu.memref_slice %arg7[%arg0, %mul3A_33, %dma_wait3A] : memref<2x10240x128xf32, #tpu.memory_space<hbm>> -> memref<1x640x128xf32, #tpu.memory_space<hbm>>
      %dma_wait3A_39 = tpu.memref_squeeze %dma_wait3A_38 : memref<1x640x128xf32, #tpu.memory_space<hbm>> -> memref<640x128xf32, #tpu.memory_space<hbm>>
      %dma_wait3A_40 = arith.constant 0 : i32
      %dma_wait3A_41 = tpu.memref_slice %arg11[%mul3A_31, %dma_wait3A_40] : memref<10240x128xf32, #tpu.memory_space<vmem_shared>> -> memref<640x128xf32, #tpu.memory_space<vmem_shared>>
      tpu.wait_dma2 semaphore(%run_scoped3A : memref<!tpu.dma_semaphore, #tpu.memory_space<semaphore_mem>>) src(%dma_wait3A_41 : memref<640x128xf32, #tpu.memory_space<vmem_shared>>) dst(%dma_wait3A_39 : memref<640x128xf32, #tpu.memory_space<hbm>>)
      tpu.yield
    }) : () -> ()
    return
  }
}

module attributes {stable_mosaic.version = 14 : i64} {
  func.func @_prep_body(%arg0: i32, %arg1: memref<1024x128xf32, #tpu.memory_space<vmem>>, %arg2: memref<32x1x1024xf32, #tpu.memory_space<vmem>>, %arg3: memref<1024x1024xf32, #tpu.memory_space<vmem>>, %arg4: memref<1024x1xi32, #tpu.memory_space<vmem>>, %arg5: memref<64x8xf32, #tpu.memory_space<vmem>>, %arg6: memref<128x128xf32, #tpu.memory_space<vmem>>, %arg7: memref<8x128xf32, #tpu.memory_space<vmem>>, %arg8: memref<1024x128xf32, #tpu.memory_space<vmem>>, %arg9: memref<1024x1xf32, #tpu.memory_space<vmem>>) attributes {dimension_semantics = [#tpu.dimension_semantics<arbitrary>], iteration_bounds = array<i64: 10>, scalar_prefetch = 0 : i64, scratch_operands = 0 : i64, tpu.core_type = #tpu.core_type<tc>, window_params = [{transform_indices = @transform_0, window_bounds = array<i64: 1024, 128>}, {transform_indices = @transform_1, window_bounds = array<i64: 32, 1, 1024>}, {pipeline_mode = #tpu.pipeline_mode<synchronous>, transform_indices = @transform_2, window_bounds = array<i64: 1024, 1024>}, {transform_indices = @transform_3, window_bounds = array<i64: 1024, 1>}, {pipeline_mode = #tpu.pipeline_mode<synchronous>, transform_indices = @transform_4, window_bounds = array<i64: 64, 8>}, {pipeline_mode = #tpu.pipeline_mode<synchronous>, transform_indices = @transform_5, window_bounds = array<i64: 128, 128>}, {pipeline_mode = #tpu.pipeline_mode<synchronous>, transform_indices = @transform_6, window_bounds = array<i64: 8, 128>}, {transform_indices = @transform_7, window_bounds = array<i64: 1024, 128>}, {transform_indices = @transform_8, window_bounds = array<i64: 1024, 1>}]} {
    %get3A = arith.constant 0 : index
    %get3A_0 = arith.constant 0 : index
    %get3A_1 = arith.constant 0 : index
    %get3A_2 = vector.load %arg2[%get3A, %get3A_0, %get3A_1] : memref<32x1x1024xf32, #tpu.memory_space<vmem>>, vector<32x1x1024xf32>
    %reduce_sum3A = arith.constant dense<0.000000e+00> : vector<1x1024xf32>
    %reduce_sum3A_3 = vector.multi_reduction <add>, %get3A_2, %reduce_sum3A [0] : vector<32x1x1024xf32> to vector<1x1024xf32>
    %add3A = arith.constant 1.000000e+00 : f32
    %add3A_4 = vector.broadcast %add3A : f32 to vector<1x1024xf32>
    %add3A_5 = arith.addf %reduce_sum3A_3, %add3A_4 : vector<1x1024xf32>
    %get3A_6 = arith.constant 0 : index
    %get3A_7 = arith.constant 0 : index
    %get3A_8 = vector.load %arg3[%get3A_6, %get3A_7] : memref<1024x1024xf32, #tpu.memory_space<vmem>>, vector<1024x1024xf32>
    %dot_general3A = arith.constant dense<0.000000e+00> : vector<1024x1xf32>
    %dot_general3A_9 = tpu.matmul %get3A_8, %add3A_5, %dot_general3A {dimension_numbers = #tpu.dot_dimension_numbers<[1], [1], [0], [0], [0, 0, 1, 0], [], []>, transpose_lhs_hint = false} : vector<1024x1024xf32>, vector<1x1024xf32>, vector<1024x1xf32> -> vector<1024x1xf32>
    %rsqrt3A = math.rsqrt %dot_general3A_9 : vector<1024x1xf32>
    %get3A_10 = arith.constant 0 : index
    %get3A_11 = arith.constant 0 : index
    %get3A_12 = vector.load %arg4[%get3A_10, %get3A_11] : memref<1024x1xi32, #tpu.memory_space<vmem>>, vector<1024x1xi32>
    %iota3A = tpu.iota {dimensions = array<i32: 1>} : vector<1024x64xi32>
    %eq3A = vector.broadcast %get3A_12 : vector<1024x1xi32> to vector<1024x64xi32>
    %eq3A_13 = arith.cmpi eq, %eq3A, %iota3A : vector<1024x64xi32>
    %convert_element_type3A = arith.extui %eq3A_13 : vector<1024x64xi1> to vector<1024x64xi32>
    %convert_element_type3A_14 = arith.sitofp %convert_element_type3A : vector<1024x64xi32> to vector<1024x64xf32>
    %get3A_15 = arith.constant 0 : index
    %get3A_16 = arith.constant 0 : index
    %get3A_17 = vector.load %arg5[%get3A_15, %get3A_16] : memref<64x8xf32, #tpu.memory_space<vmem>>, vector<64x8xf32>
    %get3A_18 = arith.constant 0 : index
    %get3A_19 = arith.constant 0 : index
    %get3A_20 = vector.load %arg7[%get3A_18, %get3A_19] : memref<8x128xf32, #tpu.memory_space<vmem>>, vector<8x128xf32>
    %dot_general3A_21 = arith.constant dense<0.000000e+00> : vector<64x128xf32>
    %dot_general3A_22 = tpu.matmul %get3A_17, %get3A_20, %dot_general3A_21 {dimension_numbers = #tpu.dot_dimension_numbers<[1], [0], [0], [1], [0, 0, 1, 1], [], []>, transpose_lhs_hint = false} : vector<64x8xf32>, vector<8x128xf32>, vector<64x128xf32> -> vector<64x128xf32>
    %get3A_23 = arith.constant 0 : index
    %get3A_24 = arith.constant 0 : index
    %get3A_25 = vector.load %arg1[%get3A_23, %get3A_24] : memref<1024x128xf32, #tpu.memory_space<vmem>>, vector<1024x128xf32>
    %get3A_26 = arith.constant 0 : index
    %get3A_27 = arith.constant 0 : index
    %get3A_28 = vector.load %arg6[%get3A_26, %get3A_27] : memref<128x128xf32, #tpu.memory_space<vmem>>, vector<128x128xf32>
    %dot_general3A_29 = arith.constant dense<0.000000e+00> : vector<1024x128xf32>
    %dot_general3A_30 = tpu.matmul %get3A_25, %get3A_28, %dot_general3A_29 {dimension_numbers = #tpu.dot_dimension_numbers<[1], [0], [0], [1], [0, 0, 1, 1], [], []>, transpose_lhs_hint = false} : vector<1024x128xf32>, vector<128x128xf32>, vector<1024x128xf32> -> vector<1024x128xf32>
    %dot_general3A_31 = arith.constant dense<0.000000e+00> : vector<1024x128xf32>
    %dot_general3A_32 = tpu.matmul %convert_element_type3A_14, %dot_general3A_22, %dot_general3A_31 {dimension_numbers = #tpu.dot_dimension_numbers<[1], [0], [0], [1], [0, 0, 1, 1], [], []>, transpose_lhs_hint = false} : vector<1024x64xf32>, vector<64x128xf32>, vector<1024x128xf32> -> vector<1024x128xf32>
    %add3A_33 = arith.addf %dot_general3A_30, %dot_general3A_32 : vector<1024x128xf32>
    %mul3A = vector.broadcast %rsqrt3A : vector<1024x1xf32> to vector<1024x128xf32>
    %mul3A_34 = arith.mulf %mul3A, %add3A_33 : vector<1024x128xf32>
    %swap3A = arith.constant 0 : index
    %swap3A_35 = arith.constant 0 : index
    %swap3A_36 = vector.load %arg8[%swap3A, %swap3A_35] : memref<1024x128xf32, #tpu.memory_space<vmem>>, vector<1024x128xf32>
    tpu.vector_store %arg8[%swap3A, %swap3A_35], %mul3A_34 {strides = array<i32>} : memref<1024x128xf32, #tpu.memory_space<vmem>>, vector<1024x128xf32>,
    %swap3A_37 = arith.constant 0 : index
    %swap3A_38 = arith.constant 0 : index
    %swap3A_39 = vector.load %arg9[%swap3A_37, %swap3A_38] : memref<1024x1xf32, #tpu.memory_space<vmem>>, vector<1024x1xf32>
    tpu.vector_store %arg9[%swap3A_37, %swap3A_38], %rsqrt3A {strides = array<i32>} : memref<1024x1xf32, #tpu.memory_space<vmem>>, vector<1024x1xf32>,
    return
  }
  func.func @transform_0(%arg0: i32) -> (i32, i32) {
    %c0_i32 = arith.constant 0 : i32
    %c0_i32_0 = arith.constant 0 : i32
    return %arg0, %c0_i32 : i32, i32
  }
  func.func @transform_1(%arg0: i32) -> (i32, i32, i32) {
    %c0_i32 = arith.constant 0 : i32
    %c0_i32_0 = arith.constant 0 : i32
    %c0_i32_1 = arith.constant 0 : i32
    return %c0_i32, %c0_i32_0, %arg0 : i32, i32, i32
  }
  func.func @transform_2(%arg0: i32) -> (i32, i32) {
    %c0_i32 = arith.constant 0 : i32
    %c0_i32_0 = arith.constant 0 : i32
    %c0_i32_1 = arith.constant 0 : i32
    return %c0_i32, %c0_i32_0 : i32, i32
  }
  func.func @transform_3(%arg0: i32) -> (i32, i32) {
    %c0_i32 = arith.constant 0 : i32
    %c0_i32_0 = arith.constant 0 : i32
    return %arg0, %c0_i32 : i32, i32
  }
  func.func @transform_4(%arg0: i32) -> (i32, i32) {
    %c0_i32 = arith.constant 0 : i32
    %c0_i32_0 = arith.constant 0 : i32
    %c0_i32_1 = arith.constant 0 : i32
    return %c0_i32, %c0_i32_0 : i32, i32
  }
  func.func @transform_5(%arg0: i32) -> (i32, i32) {
    %c0_i32 = arith.constant 0 : i32
    %c0_i32_0 = arith.constant 0 : i32
    %c0_i32_1 = arith.constant 0 : i32
    return %c0_i32, %c0_i32_0 : i32, i32
  }
  func.func @transform_6(%arg0: i32) -> (i32, i32) {
    %c0_i32 = arith.constant 0 : i32
    %c0_i32_0 = arith.constant 0 : i32
    %c0_i32_1 = arith.constant 0 : i32
    return %c0_i32, %c0_i32_0 : i32, i32
  }
  func.func @transform_7(%arg0: i32) -> (i32, i32) {
    %c0_i32 = arith.constant 0 : i32
    %c0_i32_0 = arith.constant 0 : i32
    return %arg0, %c0_i32 : i32, i32
  }
  func.func @transform_8(%arg0: i32) -> (i32, i32) {
    %c0_i32 = arith.constant 0 : i32
    %c0_i32_0 = arith.constant 0 : i32
    return %arg0, %c0_i32 : i32, i32
  }
}

module attributes {stable_mosaic.version = 14 : i64} {
  func.func @_comb1_body(%arg0: i32, %arg1: memref<2x1024x128xf32, #tpu.memory_space<vmem>>, %arg2: memref<1024x128xf32, #tpu.memory_space<vmem>>, %arg3: memref<1024x1xf32, #tpu.memory_space<vmem>>, %arg4: memref<1x128xf32, #tpu.memory_space<vmem>>, %arg5: memref<128x128xf32, #tpu.memory_space<vmem>>, %arg6: memref<1024x128xf32, #tpu.memory_space<vmem>>) attributes {dimension_semantics = [#tpu.dimension_semantics<arbitrary>], iteration_bounds = array<i64: 10>, scalar_prefetch = 0 : i64, scratch_operands = 0 : i64, tpu.core_type = #tpu.core_type<tc>, window_params = [{transform_indices = @transform_0, window_bounds = array<i64: 2, 1024, 128>}, {transform_indices = @transform_1, window_bounds = array<i64: 1024, 128>}, {transform_indices = @transform_2, window_bounds = array<i64: 1024, 1>}, {pipeline_mode = #tpu.pipeline_mode<synchronous>, transform_indices = @transform_3, window_bounds = array<i64: 1, 128>}, {pipeline_mode = #tpu.pipeline_mode<synchronous>, transform_indices = @transform_4, window_bounds = array<i64: 128, 128>}, {transform_indices = @transform_5, window_bounds = array<i64: 1024, 128>}]} {
    %get3A = arith.constant 0 : index
    %get3A_0 = arith.constant 0 : index
    %get3A_1 = vector.load %arg3[%get3A, %get3A_0] : memref<1024x1xf32, #tpu.memory_space<vmem>>, vector<1024x1xf32>
    %get3A_2 = arith.constant 0 : index
    %get3A_3 = arith.constant 0 : index
    %get3A_4 = arith.constant 0 : index
    %get3A_5 = vector.load %arg1[%get3A_2, %get3A_3, %get3A_4] : memref<2x1024x128xf32, #tpu.memory_space<vmem>>, vector<1x1024x128xf32>
    %get3A_6 = vector.shape_cast %get3A_5 : vector<1x1024x128xf32> to vector<1024x128xf32>
    %get3A_7 = arith.constant 1 : index
    %get3A_8 = arith.constant 0 : index
    %get3A_9 = arith.constant 0 : index
    %get3A_10 = vector.load %arg1[%get3A_7, %get3A_8, %get3A_9] : memref<2x1024x128xf32, #tpu.memory_space<vmem>>, vector<1x1024x128xf32>
    %get3A_11 = vector.shape_cast %get3A_10 : vector<1x1024x128xf32> to vector<1024x128xf32>
    %add3A = arith.addf %get3A_6, %get3A_11 : vector<1024x128xf32>
    %get3A_12 = arith.constant 0 : index
    %get3A_13 = arith.constant 0 : index
    %get3A_14 = vector.load %arg2[%get3A_12, %get3A_13] : memref<1024x128xf32, #tpu.memory_space<vmem>>, vector<1024x128xf32>
    %add3A_15 = arith.addf %add3A, %get3A_14 : vector<1024x128xf32>
    %mul3A = vector.broadcast %get3A_1 : vector<1024x1xf32> to vector<1024x128xf32>
    %mul3A_16 = arith.mulf %mul3A, %add3A_15 : vector<1024x128xf32>
    %get3A_17 = arith.constant 0 : index
    %get3A_18 = arith.constant 0 : index
    %get3A_19 = vector.load %arg4[%get3A_17, %get3A_18] : memref<1x128xf32, #tpu.memory_space<vmem>>, vector<1x128xf32>
    %add3A_20 = vector.broadcast %get3A_19 : vector<1x128xf32> to vector<1024x128xf32>
    %add3A_21 = arith.addf %mul3A_16, %add3A_20 : vector<1024x128xf32>
    %max3A = arith.constant 0.000000e+00 : f32
    %max3A_22 = vector.broadcast %max3A : f32 to vector<1024x128xf32>
    %max3A_23 = arith.maximumf %add3A_21, %max3A_22 : vector<1024x128xf32>
    %get3A_24 = arith.constant 0 : index
    %get3A_25 = arith.constant 0 : index
    %get3A_26 = vector.load %arg5[%get3A_24, %get3A_25] : memref<128x128xf32, #tpu.memory_space<vmem>>, vector<128x128xf32>
    %dot_general3A = arith.constant dense<0.000000e+00> : vector<1024x128xf32>
    %dot_general3A_27 = tpu.matmul %max3A_23, %get3A_26, %dot_general3A {dimension_numbers = #tpu.dot_dimension_numbers<[1], [0], [0], [1], [0, 0, 1, 1], [], []>, transpose_lhs_hint = false} : vector<1024x128xf32>, vector<128x128xf32>, vector<1024x128xf32> -> vector<1024x128xf32>
    %mul3A_28 = vector.broadcast %get3A_1 : vector<1024x1xf32> to vector<1024x128xf32>
    %mul3A_29 = arith.mulf %mul3A_28, %dot_general3A_27 : vector<1024x128xf32>
    %swap3A = arith.constant 0 : index
    %swap3A_30 = arith.constant 0 : index
    %swap3A_31 = vector.load %arg6[%swap3A, %swap3A_30] : memref<1024x128xf32, #tpu.memory_space<vmem>>, vector<1024x128xf32>
    tpu.vector_store %arg6[%swap3A, %swap3A_30], %mul3A_29 {strides = array<i32>} : memref<1024x128xf32, #tpu.memory_space<vmem>>, vector<1024x128xf32>,
    return
  }
  func.func @transform_0(%arg0: i32) -> (i32, i32, i32) {
    %c0_i32 = arith.constant 0 : i32
    %c0_i32_0 = arith.constant 0 : i32
    %c0_i32_1 = arith.constant 0 : i32
    return %c0_i32, %arg0, %c0_i32_0 : i32, i32, i32
  }
  func.func @transform_1(%arg0: i32) -> (i32, i32) {
    %c0_i32 = arith.constant 0 : i32
    %c0_i32_0 = arith.constant 0 : i32
    return %arg0, %c0_i32 : i32, i32
  }
  func.func @transform_2(%arg0: i32) -> (i32, i32) {
    %c0_i32 = arith.constant 0 : i32
    %c0_i32_0 = arith.constant 0 : i32
    return %arg0, %c0_i32 : i32, i32
  }
  func.func @transform_3(%arg0: i32) -> (i32, i32) {
    %c0_i32 = arith.constant 0 : i32
    %c0_i32_0 = arith.constant 0 : i32
    %c0_i32_1 = arith.constant 0 : i32
    return %c0_i32, %c0_i32_0 : i32, i32
  }
  func.func @transform_4(%arg0: i32) -> (i32, i32) {
    %c0_i32 = arith.constant 0 : i32
    %c0_i32_0 = arith.constant 0 : i32
    %c0_i32_1 = arith.constant 0 : i32
    return %c0_i32, %c0_i32_0 : i32, i32
  }
  func.func @transform_5(%arg0: i32) -> (i32, i32) {
    %c0_i32 = arith.constant 0 : i32
    %c0_i32_0 = arith.constant 0 : i32
    return %arg0, %c0_i32 : i32, i32
  }
}

module attributes {stable_mosaic.version = 14 : i64} {
  func.func @_comb2_body(%arg0: i32, %arg1: memref<2x1024x128xf32, #tpu.memory_space<vmem>>, %arg2: memref<1024x128xf32, #tpu.memory_space<vmem>>, %arg3: memref<1024x1xf32, #tpu.memory_space<vmem>>, %arg4: memref<1x128xf32, #tpu.memory_space<vmem>>, %arg5: memref<1024x1xi32, #tpu.memory_space<vmem>>, %arg6: memref<64x128xf32, #tpu.memory_space<vmem>>, %arg7: memref<64x128xf32, #tpu.memory_space<vmem>>) attributes {dimension_semantics = [#tpu.dimension_semantics<arbitrary>], iteration_bounds = array<i64: 10>, scalar_prefetch = 0 : i64, scratch_operands = 0 : i64, tpu.core_type = #tpu.core_type<tc>, window_params = [{transform_indices = @transform_0, window_bounds = array<i64: 2, 1024, 128>}, {transform_indices = @transform_1, window_bounds = array<i64: 1024, 128>}, {transform_indices = @transform_2, window_bounds = array<i64: 1024, 1>}, {pipeline_mode = #tpu.pipeline_mode<synchronous>, transform_indices = @transform_3, window_bounds = array<i64: 1, 128>}, {transform_indices = @transform_4, window_bounds = array<i64: 1024, 1>}, {pipeline_mode = #tpu.pipeline_mode<synchronous>, transform_indices = @transform_5, window_bounds = array<i64: 64, 128>}, {pipeline_mode = #tpu.pipeline_mode<synchronous>, transform_indices = @transform_6, window_bounds = array<i64: 64, 128>}]} {
    %get3A = arith.constant 0 : index
    %get3A_0 = arith.constant 0 : index
    %get3A_1 = vector.load %arg3[%get3A, %get3A_0] : memref<1024x1xf32, #tpu.memory_space<vmem>>, vector<1024x1xf32>
    %get3A_2 = arith.constant 0 : index
    %get3A_3 = arith.constant 0 : index
    %get3A_4 = arith.constant 0 : index
    %get3A_5 = vector.load %arg1[%get3A_2, %get3A_3, %get3A_4] : memref<2x1024x128xf32, #tpu.memory_space<vmem>>, vector<1x1024x128xf32>
    %get3A_6 = vector.shape_cast %get3A_5 : vector<1x1024x128xf32> to vector<1024x128xf32>
    %get3A_7 = arith.constant 1 : index
    %get3A_8 = arith.constant 0 : index
    %get3A_9 = arith.constant 0 : index
    %get3A_10 = vector.load %arg1[%get3A_7, %get3A_8, %get3A_9] : memref<2x1024x128xf32, #tpu.memory_space<vmem>>, vector<1x1024x128xf32>
    %get3A_11 = vector.shape_cast %get3A_10 : vector<1x1024x128xf32> to vector<1024x128xf32>
    %add3A = arith.addf %get3A_6, %get3A_11 : vector<1024x128xf32>
    %get3A_12 = arith.constant 0 : index
    %get3A_13 = arith.constant 0 : index
    %get3A_14 = vector.load %arg2[%get3A_12, %get3A_13] : memref<1024x128xf32, #tpu.memory_space<vmem>>, vector<1024x128xf32>
    %add3A_15 = arith.addf %add3A, %get3A_14 : vector<1024x128xf32>
    %mul3A = vector.broadcast %get3A_1 : vector<1024x1xf32> to vector<1024x128xf32>
    %mul3A_16 = arith.mulf %mul3A, %add3A_15 : vector<1024x128xf32>
    %get3A_17 = arith.constant 0 : index
    %get3A_18 = arith.constant 0 : index
    %get3A_19 = vector.load %arg4[%get3A_17, %get3A_18] : memref<1x128xf32, #tpu.memory_space<vmem>>, vector<1x128xf32>
    %add3A_20 = vector.broadcast %get3A_19 : vector<1x128xf32> to vector<1024x128xf32>
    %add3A_21 = arith.addf %mul3A_16, %add3A_20 : vector<1024x128xf32>
    %max3A = arith.constant 0.000000e+00 : f32
    %max3A_22 = vector.broadcast %max3A : f32 to vector<1024x128xf32>
    %max3A_23 = arith.maximumf %add3A_21, %max3A_22 : vector<1024x128xf32>
    %get3A_24 = arith.constant 0 : index
    %get3A_25 = arith.constant 0 : index
    %get3A_26 = vector.load %arg5[%get3A_24, %get3A_25] : memref<1024x1xi32, #tpu.memory_space<vmem>>, vector<1024x1xi32>
    %iota3A = tpu.iota {dimensions = array<i32: 1>} : vector<1024x64xi32>
    %eq3A = vector.broadcast %get3A_26 : vector<1024x1xi32> to vector<1024x64xi32>
    %eq3A_27 = arith.cmpi eq, %eq3A, %iota3A : vector<1024x64xi32>
    %convert_element_type3A = arith.extui %eq3A_27 : vector<1024x64xi1> to vector<1024x64xi32>
    %convert_element_type3A_28 = arith.sitofp %convert_element_type3A : vector<1024x64xi32> to vector<1024x64xf32>
    %dot_general3A = arith.constant dense<0.000000e+00> : vector<64x128xf32>
    %dot_general3A_29 = tpu.matmul %convert_element_type3A_28, %max3A_23, %dot_general3A {dimension_numbers = #tpu.dot_dimension_numbers<[0], [0], [1], [1], [0, 1, 1, 1], [], []>, transpose_lhs_hint = false} : vector<1024x64xf32>, vector<1024x128xf32>, vector<64x128xf32> -> vector<64x128xf32>
    %reduce_sum3A = arith.constant dense<0.000000e+00> : vector<64xf32>
    %reduce_sum3A_30 = vector.multi_reduction <add>, %convert_element_type3A_28, %reduce_sum3A [0] : vector<1024x64xf32> to vector<64xf32>
    %broadcast_in_dim3A = vector.shape_cast %reduce_sum3A_30 : vector<64xf32> to vector<64x1xf32>
    %broadcast_in_dim3A_31 = vector.shape_cast %broadcast_in_dim3A : vector<64x1xf32> to vector<64x1xf32>
    %broadcast_in_dim3A_32 = vector.broadcast %broadcast_in_dim3A_31 : vector<64x1xf32> to vector<64x128xf32>
    %eq3A_33 = arith.constant 0 : i32
    %eq3A_34 = arith.cmpi eq, %arg0, %eq3A_33 : i32
    %convert_element_type3A_35 = arith.extui %eq3A_34 : i1 to i32
    %cond3A = arith.constant 0 : i32
    %cond3A_36 = arith.cmpi ne, %convert_element_type3A_35, %cond3A : i32
    scf.if %cond3A_36 {
      %swap3A = arith.constant 0 : index
      %swap3A_41 = arith.constant 0 : index
      %swap3A_42 = vector.load %arg6[%swap3A, %swap3A_41] : memref<64x128xf32, #tpu.memory_space<vmem>>, vector<64x128xf32>
      tpu.vector_store %arg6[%swap3A, %swap3A_41], %dot_general3A_29 {strides = array<i32>} : memref<64x128xf32, #tpu.memory_space<vmem>>, vector<64x128xf32>,
      %swap3A_43 = arith.constant 0 : index
      %swap3A_44 = arith.constant 0 : index
      %swap3A_45 = vector.load %arg7[%swap3A_43, %swap3A_44] : memref<64x128xf32, #tpu.memory_space<vmem>>, vector<64x128xf32>
      tpu.vector_store %arg7[%swap3A_43, %swap3A_44], %broadcast_in_dim3A_32 {strides = array<i32>} : memref<64x128xf32, #tpu.memory_space<vmem>>, vector<64x128xf32>,
    } else {
    }
    %gt3A = arith.constant 0 : i32
    %gt3A_37 = arith.cmpi sgt, %arg0, %gt3A : i32
    %convert_element_type3A_38 = arith.extui %gt3A_37 : i1 to i32
    %cond3A_39 = arith.constant 0 : i32
    %cond3A_40 = arith.cmpi ne, %convert_element_type3A_38, %cond3A_39 : i32
    scf.if %cond3A_40 {
      %get3A_41 = arith.constant 0 : index
      %get3A_42 = arith.constant 0 : index
      %get3A_43 = vector.load %arg6[%get3A_41, %get3A_42] : memref<64x128xf32, #tpu.memory_space<vmem>>, vector<64x128xf32>
      %add3A_44 = arith.addf %get3A_43, %dot_general3A_29 : vector<64x128xf32>
      %swap3A = arith.constant 0 : index
      %swap3A_45 = arith.constant 0 : index
      %swap3A_46 = vector.load %arg6[%swap3A, %swap3A_45] : memref<64x128xf32, #tpu.memory_space<vmem>>, vector<64x128xf32>
      tpu.vector_store %arg6[%swap3A, %swap3A_45], %add3A_44 {strides = array<i32>} : memref<64x128xf32, #tpu.memory_space<vmem>>, vector<64x128xf32>,
      %get3A_47 = arith.constant 0 : index
      %get3A_48 = arith.constant 0 : index
      %get3A_49 = vector.load %arg7[%get3A_47, %get3A_48] : memref<64x128xf32, #tpu.memory_space<vmem>>, vector<64x128xf32>
      %add3A_50 = arith.addf %get3A_49, %broadcast_in_dim3A_32 : vector<64x128xf32>
      %swap3A_51 = arith.constant 0 : index
      %swap3A_52 = arith.constant 0 : index
      %swap3A_53 = vector.load %arg7[%swap3A_51, %swap3A_52] : memref<64x128xf32, #tpu.memory_space<vmem>>, vector<64x128xf32>
      tpu.vector_store %arg7[%swap3A_51, %swap3A_52], %add3A_50 {strides = array<i32>} : memref<64x128xf32, #tpu.memory_space<vmem>>, vector<64x128xf32>,
    } else {
    }
    return
  }
  func.func @transform_0(%arg0: i32) -> (i32, i32, i32) {
    %c0_i32 = arith.constant 0 : i32
    %c0_i32_0 = arith.constant 0 : i32
    %c0_i32_1 = arith.constant 0 : i32
    return %c0_i32, %arg0, %c0_i32_0 : i32, i32, i32
  }
  func.func @transform_1(%arg0: i32) -> (i32, i32) {
    %c0_i32 = arith.constant 0 : i32
    %c0_i32_0 = arith.constant 0 : i32
    return %arg0, %c0_i32 : i32, i32
  }
  func.func @transform_2(%arg0: i32) -> (i32, i32) {
    %c0_i32 = arith.constant 0 : i32
    %c0_i32_0 = arith.constant 0 : i32
    return %arg0, %c0_i32 : i32, i32
  }
  func.func @transform_3(%arg0: i32) -> (i32, i32) {
    %c0_i32 = arith.constant 0 : i32
    %c0_i32_0 = arith.constant 0 : i32
    %c0_i32_1 = arith.constant 0 : i32
    return %c0_i32, %c0_i32_0 : i32, i32
  }
  func.func @transform_4(%arg0: i32) -> (i32, i32) {
    %c0_i32 = arith.constant 0 : i32
    %c0_i32_0 = arith.constant 0 : i32
    return %arg0, %c0_i32 : i32, i32
  }
  func.func @transform_5(%arg0: i32) -> (i32, i32) {
    %c0_i32 = arith.constant 0 : i32
    %c0_i32_0 = arith.constant 0 : i32
    %c0_i32_1 = arith.constant 0 : i32
    return %c0_i32, %c0_i32_0 : i32, i32
  }
  func.func @transform_6(%arg0: i32) -> (i32, i32) {
    %c0_i32 = arith.constant 0 : i32
    %c0_i32_0 = arith.constant 0 : i32
    %c0_i32_1 = arith.constant 0 : i32
    return %c0_i32, %c0_i32_0 : i32, i32
  }
}

module attributes {stable_mosaic.version = 14 : i64} {
  func.func @_head_body(%arg0: memref<64x9xf32, #tpu.memory_space<vmem>>, %arg1: memref<64x128xf32, #tpu.memory_space<vmem>>, %arg2: memref<64x128xf32, #tpu.memory_space<vmem>>, %arg3: memref<128x128xf32, #tpu.memory_space<vmem>>, %arg4: memref<1x128xf32, #tpu.memory_space<vmem>>, %arg5: memref<128x2xf32, #tpu.memory_space<vmem>>, %arg6: memref<1x2xf32, #tpu.memory_space<vmem>>, %arg7: memref<64x1xf32, #tpu.memory_space<vmem>>) attributes {dimension_semantics = [], scalar_prefetch = 0 : i64, scratch_operands = 0 : i64, tpu.core_type = #tpu.core_type<tc>} {
    %get3A = arith.constant 0 : index
    %get3A_0 = arith.constant 0 : index
    %get3A_1 = vector.load %arg1[%get3A, %get3A_0] : memref<64x128xf32, #tpu.memory_space<vmem>>, vector<64x128xf32>
    %get3A_2 = arith.constant 0 : index
    %get3A_3 = arith.constant 0 : index
    %get3A_4 = vector.load %arg2[%get3A_2, %get3A_3] : memref<64x128xf32, #tpu.memory_space<vmem>>, vector<64x128xf32>
    %max3A = arith.constant 1.000000e+00 : f32
    %max3A_5 = vector.broadcast %max3A : f32 to vector<64x128xf32>
    %max3A_6 = arith.maximumf %get3A_4, %max3A_5 : vector<64x128xf32>
    %div3A = arith.divf %get3A_1, %max3A_6 : vector<64x128xf32>
    %get3A_7 = arith.constant 0 : index
    %get3A_8 = arith.constant 0 : index
    %get3A_9 = vector.load %arg3[%get3A_7, %get3A_8] : memref<128x128xf32, #tpu.memory_space<vmem>>, vector<128x128xf32>
    %dot_general3A = arith.constant dense<0.000000e+00> : vector<64x128xf32>
    %dot_general3A_10 = tpu.matmul %div3A, %get3A_9, %dot_general3A {dimension_numbers = #tpu.dot_dimension_numbers<[1], [0], [0], [1], [0, 0, 1, 1], [], []>, transpose_lhs_hint = false} : vector<64x128xf32>, vector<128x128xf32>, vector<64x128xf32> -> vector<64x128xf32>
    %get3A_11 = arith.constant 0 : index
    %get3A_12 = arith.constant 0 : index
    %get3A_13 = vector.load %arg4[%get3A_11, %get3A_12] : memref<1x128xf32, #tpu.memory_space<vmem>>, vector<1x128xf32>
    %add3A = vector.broadcast %get3A_13 : vector<1x128xf32> to vector<64x128xf32>
    %add3A_14 = arith.addf %dot_general3A_10, %add3A : vector<64x128xf32>
    %max3A_15 = arith.constant 0.000000e+00 : f32
    %max3A_16 = vector.broadcast %max3A_15 : f32 to vector<64x128xf32>
    %max3A_17 = arith.maximumf %add3A_14, %max3A_16 : vector<64x128xf32>
    %get3A_18 = arith.constant 0 : index
    %get3A_19 = arith.constant 0 : index
    %get3A_20 = vector.load %arg5[%get3A_18, %get3A_19] : memref<128x2xf32, #tpu.memory_space<vmem>>, vector<128x2xf32>
    %dot_general3A_21 = arith.constant dense<0.000000e+00> : vector<64x2xf32>
    %dot_general3A_22 = tpu.matmul %max3A_17, %get3A_20, %dot_general3A_21 {dimension_numbers = #tpu.dot_dimension_numbers<[1], [0], [0], [1], [0, 0, 1, 1], [], []>, transpose_lhs_hint = false} : vector<64x128xf32>, vector<128x2xf32>, vector<64x2xf32> -> vector<64x2xf32>
    %get3A_23 = arith.constant 0 : index
    %get3A_24 = arith.constant 0 : index
    %get3A_25 = vector.load %arg6[%get3A_23, %get3A_24] : memref<1x2xf32, #tpu.memory_space<vmem>>, vector<1x2xf32>
    %add3A_26 = vector.broadcast %get3A_25 : vector<1x2xf32> to vector<64x2xf32>
    %add3A_27 = arith.addf %dot_general3A_22, %add3A_26 : vector<64x2xf32>
    %get3A_28 = arith.constant 0 : index
    %get3A_29 = arith.constant 0 : index
    %get3A_30 = vector.load %arg0[%get3A_28, %get3A_29] : memref<64x9xf32, #tpu.memory_space<vmem>>, vector<64x1xf32>
    %slice3A = vector.extract_strided_slice %add3A_27 {offsets = [0, 1], sizes = [64, 1], strides = [1, 1]} : vector<64x2xf32> to vector<64x1xf32>
    %add3A_31 = arith.constant 1.000000e+00 : f32
    %add3A_32 = vector.broadcast %add3A_31 : f32 to vector<64x1xf32>
    %add3A_33 = arith.addf %add3A_32, %slice3A : vector<64x1xf32>
    %mul3A = arith.mulf %get3A_30, %add3A_33 : vector<64x1xf32>
    %slice3A_34 = vector.extract_strided_slice %add3A_27 {offsets = [0, 0], sizes = [64, 1], strides = [1, 1]} : vector<64x2xf32> to vector<64x1xf32>
    %sub3A = arith.subf %mul3A, %slice3A_34 : vector<64x1xf32>
    %swap3A = arith.constant 0 : index
    %swap3A_35 = arith.constant 0 : index
    %swap3A_36 = vector.load %arg7[%swap3A, %swap3A_35] : memref<64x1xf32, #tpu.memory_space<vmem>>, vector<64x1xf32>
    tpu.vector_store %arg7[%swap3A, %swap3A_35], %sub3A {strides = array<i32>} : memref<64x1xf32, #tpu.memory_space<vmem>>, vector<64x1xf32>,
    return
  }
}

</mosaic_0001>

<sc_bundles>
// kernel: kernel.12.cloned.1.call-start
scs
__scs_entry_jumppad:
0x0: {  	(pc) =	sbr.rel $0x88, $3  }
0x1: {  	(tag) =	ssettag $0x0;
	lr =	simm.s32 $0x1  }
0x2: {  	[smem:$0x3F95] =	sst lr;
	_ =	strace $0xD0000000  }
0x3: {  	_ = 	snop  }
0x4: {  	_ = 	snop  }
0x5: {  	_ = 	snop  }
0x6: {  	_ = 	snop  }
0x7: {  	_ = 	snop  }
__scs_overlays_trampoline_lowered:
0x8: {  	[smem:$0x3FA4] =	sst s0  }
0x9: {  	[smem:$0x3FA5] =	sst s1  }
0xa: {  	[smem:$0x3FA6] =	sst s2  }
0xb: {  	[smem:$0x3FA7] =	sst s3  }
0xc: {  	[smem:$0x3FA8] =	sst s4  }
0xd: {  	[smem:$0x3FA9] =	sst s5  }
0xe: {  	[smem:$0x3FAA] =	sst s6  }
0xf: {  	[smem:$0x3FAB] =	sst s7  }
0x10: {  	[smem:$0x3FAC] =	sst s8  }
0x11: {  	[smem:$0x3FAD] =	sst s9;
	s0 =	simm.s32 @!p0 $0x0  }
0x12: {  	s1 =	sld [smem:$0x3F93];
	s0 =	simm.s32 @p0 $0x1  }
0x13: {  	[smem:$0x3FAE] =	sst s0;
	s0 =	simm.s32 @!p1 $0x0  }
0x14: {  	s2 =	sld [smem:$0x3F92];
	s0 =	simm.s32 @p1 $0x1  }
0x15: {  	[smem:$0x3FAF] =	sst s0;
	s0 =	simm.s32 @!p2 $0x0  }
0x16: {  	s3 =	sld [smem:$0x3FDB];
	s0 =	simm.s32 @p2 $0x1  }
0x17: {  	s4 =	simm.s32 $0x1BF5;
	[smem:$0x3FB1] =	sst s0  }
0x18: {  	s0 =	sld [smem:$0x3F94];
	_ =	swait.ge [sflag:s4], $0x0  }
0x19: {  	s7 =	sld [smem:$0x3F95]  }
0x1a: {  	s8 =	sadd.s32 $0xFFFFE003, lr  }
0x1b: {  	s9 =	sadd.s32 $0xFFFFFEF7, lr;
	s5 =	simm.s32 $0xFFFFFFFF;
	p2 =	slt.u32 s8, $0xFFFFF086  }
0x1c: {  	p1 =	slt.u32 s9, $0xF7A;
	s5 =	simm.s32 @!p2 $0x0  }
0x1d: {  	s5 =	simm.s32 @p1 $0x1;
	p0 =	seq.s32 s7, s2  }
0x1e: {  	s7 =	smul.u32 @!p0 $0xF7A, s2;
	p2 =	seq.s32 @!p0 s5, $0x0  }
0x1f: {  	s9 =	smul.u32 $0xF7A, s1;
	s8 =	simm.s32 @!p0 $0x1BF5;
	p2 =	por !p2, p0  }
0x20: {  	[sflag:s8] =	ssyncset.s32 @!p0 $0xFFFFF086;
	s6 =	sadd.s32 @!p0 s3, s7;
	s7 =	simm.s32 @!p0 $0x108  }
0x21: {  	s3 =	sadd.s32 s3, s9;
	s6 =	sadd.s32 @!p0 $0x88, s6;
	s7 =	simm.s32 @p2 $0x1082  }
0x22: {  	[simem:s7], [sflag:s8] =	dma.local @!p0 [hbm:s6], $0xF7A  }
0x23: {  	s9 =	sor.u32 $0xD0000000, s2;
	s6 =	simm.s32 $0x108;
	_ =	swait.ge @!p0 [sflag:s8], $0x0  }
0x24: {  	s3 =	sadd.s32 $0x88, s3;
	s6 =	simm.s32 @!p1 $0x1082;
	[sflag:s4] =	ssyncset.s32 $0xFFFFF086  }
0x25: {  	[simem:s6], [sflag:s4] =	dma.local [hbm:s3], $0xF7A  }
0x26: {  	[smem:$0x3F95] =	sst s1;
	(tag) =	ssettag s2;
	_ =	strace s9  }
0x27: {  	s1 =	sld [smem:$0x3FA5]  }
0x28: {  	s2 =	sld [smem:$0x3FA6]  }
0x29: {  	s4 =	sld [smem:$0x3FA8]  }
0x2a: {  	p0 =	seq.s32 s5, $0x0;
	s5 =	sld [smem:$0x3FA9]  }
0x2b: {  	s6 =	sld [smem:$0x3FAA]  }
0x2c: {  	s7 =	sld [smem:$0x3FAB]  }
0x2d: {  	s3 =	simm.s32 $0x108;
	s8 =	sld [smem:$0x3FAC]  }
0x2e: {  	s3 =	simm.s32 @!p0 $0x1082;
	s9 =	sld [smem:$0x3FAD]  }
0x2f: {  	lr =	sadd.s32 s0, s3;
	s0 =	sld [smem:$0x3FA4]  }
0x30: {  	s3 =	sld [smem:$0x3FA7]  }
0x31: {  	[smem:$0x3FB0] =	sst s10  }
0x32: {  	s10 =	sld [smem:$0x3FAE];
	_ =	sdelay $0x3  }
0x33: {  	p0 =	seq.s32 s10, $0x1;
	s10 =	sld [smem:$0x3FB0];
	_ =	sdelay $0x3  }
0x34: {  	[smem:$0x3FB0] =	sst s10  }
0x35: {  	s10 =	sld [smem:$0x3FAF];
	_ =	sdelay $0x3  }
0x36: {  	p1 =	seq.s32 s10, $0x1;
	s10 =	sld [smem:$0x3FB0];
	_ =	sdelay $0x3  }
0x37: {  	[smem:$0x3FB0] =	sst s10  }
0x38: {  	s10 =	sld [smem:$0x3FB1]  }
0x39: {  	_ = 	snop;
	(pc) =	sbr.ind lr, $3  }
0x3a: {  	_ = 	snop  }
0x3b: {  	_ = 	snop  }
0x3c: {  	p2 =	seq.s32 s10, $0x1;
	s10 =	sld [smem:$0x3FB0]  }
0x3d: {  	_ =	shalt  }
0x3e: {  	_ =	shalt  }
0x3f: {  	_ =	shalt  }
0x40: {  	_ =	shalt  }
0x41: {  	_ =	shalt  }
0x42: {  	_ =	shalt  }
0x43: {  	_ =	shalt  }
0x44: {  	_ =	shalt  }
0x45: {  	_ =	shalt  }
0x46: {  	_ =	shalt  }
0x47: {  	_ =	shalt  }
0x48: {  	_ =	shalt  }
0x49: {  	_ =	shalt  }
0x4a: {  	_ =	shalt  }
0x4b: {  	_ =	shalt  }
0x4c: {  	_ =	shalt  }
0x4d: {  	_ =	shalt  }
0x4e: {  	_ =	shalt  }
0x4f: {  	_ =	shalt  }
0x50: {  	_ =	shalt  }
0x51: {  	_ =	shalt  }
0x52: {  	_ =	shalt  }
0x53: {  	_ =	shalt  }
0x54: {  	_ =	shalt  }
0x55: {  	_ =	shalt  }
0x56: {  	_ =	shalt  }
0x57: {  	_ =	shalt  }
0x58: {  	_ =	shalt  }
0x59: {  	_ =	shalt  }
0x5a: {  	_ =	shalt  }
0x5b: {  	_ =	shalt  }
0x5c: {  	_ =	shalt  }
0x5d: {  	_ =	shalt  }
0x5e: {  	_ =	shalt  }
0x5f: {  	_ =	shalt  }
0x60: {  	_ =	shalt  }
0x61: {  	_ =	shalt  }
0x62: {  	_ =	shalt  }
0x63: {  	_ =	shalt  }
0x64: {  	_ =	shalt  }
0x65: {  	_ =	shalt  }
0x66: {  	_ =	shalt  }
0x67: {  	_ =	shalt  }
0x68: {  	_ =	shalt  }
0x69: {  	_ =	shalt  }
0x6a: {  	_ =	shalt  }
0x6b: {  	_ =	shalt  }
0x6c: {  	_ =	shalt  }
0x6d: {  	_ =	shalt  }
0x6e: {  	_ =	shalt  }
0x6f: {  	_ =	shalt  }
0x70: {  	_ =	shalt  }
0x71: {  	_ =	shalt  }
0x72: {  	_ =	shalt  }
0x73: {  	_ =	shalt  }
0x74: {  	_ =	shalt  }
0x75: {  	_ =	shalt  }
0x76: {  	_ =	shalt  }
0x77: {  	_ =	shalt  }
0x78: {  	_ =	shalt  }
0x79: {  	_ =	shalt  }
0x7a: {  	_ =	shalt  }
0x7b: {  	_ =	shalt  }
0x7c: {  	_ =	shalt  }
0x7d: {  	_ =	shalt  }
0x7e: {  	_ =	shalt  }
0x7f: {  	_ =	shalt  }
0x80: {  	_ =	shalt  }
0x81: {  	_ =	shalt  }
0x82: {  	_ =	shalt  }
0x83: {  	_ =	shalt  }
0x84: {  	_ =	shalt  }
0x85: {  	_ =	shalt  }
0x86: {  	_ =	shalt  }
0x87: {  	_ =	shalt  }
.Lfunc_end0:
.L_simem_size_0:
called_computation.1_lowered:
.L_overlay_start_0:
0x88: {  	s2 =	sld [smem:$0x3FD9]  }
0x89: {  	s3 =	sld [smem:$0x3FFE];
	_ =	sdelay $0x1  }
0x8a: {  	s1 =	srdreg.scid  }
0x8b: {  	s0 =	sand.u32 $0x1, s1  }
0x8c: {  	s16 =	sshll.u32 s0, $0xA;
	s2 =	sadd.s32 s3, s2  }
0x8d: {  	s2 =	sadd.s32 s2, s16  }
0x8e: {  	[smem:$0x3FBC] =	sst s2  }
0x8f: {  	_ = 	snop  }
0x90: {  	(tm) =	ssettm $0x1  }
0x91: {  	s17 =	sld [smem:$0x3FFB];
	_ =	sdelay $0x3  }
0x92: {  	_ =	strace s17  }
0x93: {  	s2 =	sld [smem:$0x3FFC];
	_ =	sdelay $0x3  }
0x94: {  	_ =	strace s2  }
0x95: {  	s2 =	sld [smem:$0x3FFD];
	_ =	sdelay $0x3  }
0x96: {  	_ =	strace s2  }
0x97: {  	_ =	strace $0x8FFFFFFF  }
0x98: {  	s18 =	sld [smem:$0x3FDB];
	_ =	sdelay $0x1  }
0x99: {  	s19 =	simm.s32 $_scs_section_size  }
0x9a: {  	s4 =	simm.s32 $_size__tile_overlayer_lowered;
	s5 =	simm.s32 $_tile_overlayer_lowered  }
0x9b: {  	s22 =	simm.s32 $0x1BFF;
	s21 =	sshll.u32 s5, $0x1;
	s2 =	sadd.s32 s19, s18  }
0x9c: {  	s6 =	simm.s32 $0x0;
	s20 =	sshll.u32 s4, $0x1;
	s4 =	sadd.s32 s21, s2  }
0x9d: {  	[timem:s6], [sflag:s22] =	dma.local [hbm:s4], s20  }
0x9e: {  	_ =	swait.ge [sflag:s22], s20  }
0x9f: {  	s3 =	ssub.s32 $0x0, s20;
	[sflag:s22] =	ssyncset.done $0x0  }
0xa0: {  	[sflag:s22] =	ssyncadd.s32 s3;
	_ =	sdelay $0x1  }
0xa1: {  	s23 =	simm.s32 $0x1B8B  }
0xa2: {  	_ =	swait.ge [sflag:s23], $0x1  }
0xa3: {  	[sflag:s23] =	ssyncset.done $0x0  }
0xa4: {  	s25 =	simm.s32 $0x1B8E;
	s24 =	sld [smem:$0x3FFE];
	[sflag:s23] =	ssyncadd.s32 $0xFFFFFFFF  }
0xa5: {  	s26 =	simm.s32 $execute0_lowered;
	[smem:$0x3FD2] =	sst s25  }
0xa6: {  	s4 =	sshll.u32 s26, $0x1;
	_ =	strace $0x80000049;
	[dreg:$0x1] =	wrdreg $0xFFFFFFFF  }
0xa7: {  	s28 =	simm.s32 $_size_execute0_lowered;
	s2 =	sadd.s32 s2, s4;
	[dreg:$0x0] =	wrdreg $0x0  }
0xa8: {  	s4 =	sshll.u32 s28, $0x1;
	[dreg:$0x2] =	wrdreg s2  }
0xa9: {  	[dreg:$0x3] =	wrdreg s4  }
0xaa: {  	[dreg:$0x4] =	wrdreg $0xC0  }
0xab: {  	_ =	task [dreg:s6], $0x5FFFF  }
0xac: {  	[dreg:$0x1] =	wrdreg $0xFFFFFFFF  }
0xad: {  	[dreg:$0x0] =	wrdreg $0x60  }
0xae: {  	[dreg:$0x2] =	wrdreg s24  }
0xaf: {  	[dreg:$0x3] =	wrdreg $0x84000  }
0xb0: {  	[dreg:$0x4] =	wrdreg $0x9  }
0xb1: {  	_ =	task.clear_ibuf [dreg:s6], $0x5FFFF;
	_ =	strace $0x90000049  }
0xb2: {  	s29 =	simm.s32 $0x9;
	_ =	strace $0x8000004B  }
0xb3: {  	_ =	swait.ge [sflag:s29], $0x1  }
0xb4: {  	[sflag:s29] =	ssyncadd.s32 $0xFFFFFFFF  }
0xb5: {  	_ =	strace $0x9000004B  }
0xb6: {  	_ =	sfence  }
0xb7: {  	s30 =	sld [smem:$0x0];
	_ =	sdelay $0x2  }
0xb8: {  	s31 =	sshll.u32 s1, $0xD;
	s1 =	sshrl.u32 s1, $0x2  }
0xb9: {  	s3 =	sand.u32 $0x4000, s31;
	s1 =	sadd.s32 s1, s30  }
0xba: {  	s0 =	sor.u32 s3, s0;
	s1 =	sshll.u32 s1, $0x11  }
0xbb: {  	s0 =	sor.u32 s1, s0  }
0xbc: {  	s0 =	sadd.s32 $0x8F2B, s0  }
0xbd: {  	[sflag:s0] =	ssyncadd.remote.s32 $0x1  }
0xbe: {  	_ =	sfence.sel $0xFFFF  }
0xbf: {  	[dreg:$0x0] =	wrdreg $0xFFFFFFFF;
	(pc) =	sbr.abs _section_cstart, $3  }
0xc0: {  	[dreg:$0x1] =	wrdreg $0xFFFFFFFF  }
0xc1: {  	_ =	task.clear_ibuf [dreg:s6], $0x2FFFF;
	_ =	strace $0x9FFFFFFF  }
0xc2: {  	(tm) =	ssettm $0x7FFFFFFF  }
0xc3: {  	_ =	shalt  }
tec
execute0_lowered:
.L_overlay_start_1:
0x0: {  	(tag) =	ssettag $0x1  }
0x1: {  	s0 =	rddreg [dreg:$0x0]  }
0x2: {  	s1 =	rddreg [dreg:$0x1];
	s2 =	srdreg.scid  }
0x3: {  	s3 =	simm.s32 $0x0;
	s25 =	stileid.u32;
	s16 =	simm.s32 $0x4  }
0x4: {  	s18 =	simm.s32 $0x400;
	s19 =	simm.s32 $0x80;
	s20 =	simm.s32 $0x4400  }
0x5: {  	s21 =	simm.s32 $0x2;
	s22 =	simm.s32 $0x3;
	s23 =	simm.s32 $0x1  }
0x6: {  	s28 =	simm.s32 $0x380;
	s29 =	simm.s32 $0x0;
	s5 =	sand.u32 $0x1, s2  }
0x7: {  	[smem:$0x7FF] =	sst s3;
	s7 =	smul.u32 $0x14000, s25;
	s4 =	sadd.s32 $0x3A00, s0  }
0x8: {  	s11 =	sadd.s32 $0x94A00, s0;
	s12 =	sadd.s32 $0x8FA00, s0;
	s8 =	smul.u32 $0x50000, s25  }
0x9: {  	s13 =	sadd.s32 $0x62A00, s0;
	s14 =	sadd.s32 $0x5DA00, s0;
	s15 =	smul.u32 $0x500, s25  }
0xa: {  	s6 =	smul.u32 $0x140000, s5;
	_ =	strace $0x8000004A;
	s26 =	ssub.s32 $0x2, s5  }
0xb: {  	p0 =	seq.s32 s5, $0x0;
	s30 =	sshrl.u32 s26, $0x1;
	s31 =	sshrl.u32 s8, $0x2  }
0xc: {  	s13 =	smov.u32 @p0 s11;
	s14 =	smov.u32 @p0 s12;
	s6 =	sadd.s32 s7, s6  }
0xd: {  	s7 =	ssub.s32 s26, s30;
	s5 =	sadd.s32 s31, s1;
	s12 =	sadd.s32 s13, s15  }
0xe: {  	s13 =	sadd.s32 s14, s15;
	s26 =	simm.s32 $0x300;
	s6 =	sshrl.u32 s6, $0x3  }
0xf: {  	s7 =	smax.u32 s7, $0x1;
	s8 =	sadd.s32 $0x4000, s5;
	s9 =	sadd.s32 $0x8000, s5  }
0x10: {  	s10 =	sadd.s32 $0xC000, s5;
	s11 =	sadd.s32 $0x10000, s5;
	s0 =	sadd.s32 s6, s0  }
0x11: {  	v0 =	vimm.f32 $0.0e+00;
	s14 =	sadd.s32 $0x20, s12;
	s15 =	sadd.s32 $0x20, s13;
	s6 =	sadd.s32 $0x99A00, s0  }
.LBB2_1:
0x12: {  	[tilespmem:s3], [sflag:$0x4] =	stream.linear.gather [hbm4b:s12+s3], $0x100, $0x38;
	[tilespmem:$0x1C400] =	vst v63  }
0x13: {  	_ =	swait.ge [sflag:s16], $0x100  }
0x14: {  	[sflag:s16] =	ssyncset.done $0x0  }
0x15: {  	s0 =	simm.s32 $0x200;
	[sflag:s16] =	ssyncadd.s32 $0xFFFFFF00  }
0x16: {  	[tilespmem:s0], [sflag:$0x4] =	stream.linear.gather [hbm4b:s13+s3], $0x100, $0x38;
	[tilespmem:$0x1C400] =	vst v63  }
0x17: {  	_ =	swait.ge [sflag:s16], $0x100  }
0x18: {  	[sflag:s16] =	ssyncset.done $0x0  }
0x19: {  	s30 =	simm.s32 $0x500;
	[sflag:s16] =	ssyncadd.s32 $0xFFFFFF00  }
0x1a: {  	[tilespmem:s30+$0xFFFFFF00] =	vst v0  }
0x1b: {  	[tilespmem:s30+$0xF0] =	vst v0  }
0x1c: {  	[tilespmem:s30+$0xE0] =	vst v0  }
0x1d: {  	[tilespmem:s30+$0xD0] =	vst v0  }
0x1e: {  	[tilespmem:s30+$0xC0] =	vst v0  }
0x1f: {  	[tilespmem:s30+$0xB0] =	vst v0  }
0x20: {  	[tilespmem:s30+$0xA0] =	vst v0  }
0x21: {  	[tilespmem:s30+$0x90] =	vst v0  }
0x22: {  	[tilespmem:s30+$0x80] =	vst v0  }
0x23: {  	[tilespmem:s30+$0x70] =	vst v0  }
0x24: {  	[tilespmem:s30+$0x60] =	vst v0  }
0x25: {  	[tilespmem:s30+$0x50] =	vst v0  }
0x26: {  	[tilespmem:s30+$0x40] =	vst v0  }
0x27: {  	[tilespmem:s30+$0x30] =	vst v0  }
0x28: {  	[tilespmem:s30+$0x20] =	vst v0  }
0x29: {  	[tilespmem:s30+$0x10] =	vst v0  }
0x2a: {  	[tilespmem:s30+$0x0] =	vst v0  }
0x2b: {  	[tilespmem:s30+$0xFFFFFFF0] =	vst v0  }
0x2c: {  	[tilespmem:s30+$0xFFFFFFE0] =	vst v0  }
0x2d: {  	[tilespmem:s30+$0xFFFFFFD0] =	vst v0  }
0x2e: {  	[tilespmem:s30+$0xFFFFFFC0] =	vst v0  }
0x2f: {  	[tilespmem:s30+$0xFFFFFFB0] =	vst v0  }
0x30: {  	[tilespmem:s30+$0xFFFFFFA0] =	vst v0  }
0x31: {  	[tilespmem:s30+$0xFFFFFF90] =	vst v0  }
0x32: {  	[tilespmem:s30+$0xFFFFFF80] =	vst v0  }
0x33: {  	[tilespmem:s30+$0xFFFFFF70] =	vst v0  }
0x34: {  	[tilespmem:s30+$0xFFFFFF60] =	vst v0  }
0x35: {  	[tilespmem:s30+$0xFFFFFF50] =	vst v0  }
0x36: {  	[tilespmem:s30+$0xFFFFFF40] =	vst v0  }
0x37: {  	[tilespmem:s30+$0xFFFFFF30] =	vst v0  }
0x38: {  	s31 =	simm.s32 $0x0;
	[tilespmem:s30+$0xFFFFFF20] =	vst v0  }
.LBB2_2:
0x39: {  	s31 =	sadd.s32 $0x4, s31;
	[tilespmem:s30+$0xFFFFFF10] =	vst v0;
	s30 =	sadd.s32 $0x200, s30  }
0x3a: {  	[tilespmem:s30+$0xFFFFFF00] =	vst v0;
	p0 =	slt.u32 s31, $0x7C  }
0x3b: {  	[tilespmem:s30+$0xF0] =	vst v0  }
0x3c: {  	[tilespmem:s30+$0xE0] =	vst v0  }
0x3d: {  	[tilespmem:s30+$0xD0] =	vst v0  }
0x3e: {  	[tilespmem:s30+$0xC0] =	vst v0  }
0x3f: {  	[tilespmem:s30+$0xB0] =	vst v0  }
0x40: {  	[tilespmem:s30+$0xA0] =	vst v0  }
0x41: {  	[tilespmem:s30+$0x90] =	vst v0  }
0x42: {  	[tilespmem:s30+$0x80] =	vst v0  }
0x43: {  	[tilespmem:s30+$0x70] =	vst v0  }
0x44: {  	[tilespmem:s30+$0x60] =	vst v0  }
0x45: {  	[tilespmem:s30+$0x50] =	vst v0  }
0x46: {  	[tilespmem:s30+$0x40] =	vst v0  }
0x47: {  	[tilespmem:s30+$0x30] =	vst v0  }
0x48: {  	[tilespmem:s30+$0x20] =	vst v0  }
0x49: {  	[tilespmem:s30+$0x10] =	vst v0  }
0x4a: {  	[tilespmem:s30+$0x0] =	vst v0  }
0x4b: {  	[tilespmem:s30+$0xFFFFFFF0] =	vst v0  }
0x4c: {  	[tilespmem:s30+$0xFFFFFFE0] =	vst v0  }
0x4d: {  	[tilespmem:s30+$0xFFFFFFD0] =	vst v0  }
0x4e: {  	[tilespmem:s30+$0xFFFFFFC0] =	vst v0  }
0x4f: {  	[tilespmem:s30+$0xFFFFFFB0] =	vst v0  }
0x50: {  	[tilespmem:s30+$0xFFFFFFA0] =	vst v0  }
0x51: {  	[tilespmem:s30+$0xFFFFFF90] =	vst v0  }
0x52: {  	[tilespmem:s30+$0xFFFFFF80] =	vst v0  }
0x53: {  	[tilespmem:s30+$0xFFFFFF70] =	vst v0  }
.Ltmp0:
0x54: {  	[tilespmem:s30+$0xFFFFFF60] =	vst v0;
	(pc) =	sbr.rel @p0 .LBB2_2-.Ltmp0, $4  }
0x55: {  	[tilespmem:s30+$0xFFFFFF50] =	vst v0  }
0x56: {  	[tilespmem:s30+$0xFFFFFF40] =	vst v0  }
0x57: {  	[tilespmem:s30+$0xFFFFFF30] =	vst v0  }
0x58: {  	[tilespmem:s30+$0xFFFFFF20] =	vst v0  }
0x59: {  	[tilespmem:s30+$0xFFFFFF10] =	vst v0  }
0x5a: {  	[spmem:s5] =	stream.linear.scatter [tilespmem:s18], [sflag:$0x4], $0x4000, $0x38;
	[tilespmem:$0x1C400] =	vst v63  }
0x5b: {  	_ =	swait.ge [sflag:s16], $0x4000  }
0x5c: {  	[sflag:s16] =	ssyncset.done $0x0  }
0x5d: {  	[sflag:s16] =	ssyncadd.s32 $0xFFFFC000  }
0x5e: {  	[spmem:s8] =	stream.linear.scatter [tilespmem:s18], [sflag:$0x4], $0x4000, $0x38;
	[tilespmem:$0x1C400] =	vst v63  }
0x5f: {  	_ =	swait.ge [sflag:s16], $0x4000  }
0x60: {  	[sflag:s16] =	ssyncset.done $0x0  }
0x61: {  	[sflag:s16] =	ssyncadd.s32 $0xFFFFC000  }
0x62: {  	[spmem:s9] =	stream.linear.scatter [tilespmem:s18], [sflag:$0x4], $0x4000, $0x38;
	[tilespmem:$0x1C400] =	vst v63  }
0x63: {  	_ =	swait.ge [sflag:s16], $0x4000  }
0x64: {  	[sflag:s16] =	ssyncset.done $0x0  }
0x65: {  	[sflag:s16] =	ssyncadd.s32 $0xFFFFC000  }
0x66: {  	[spmem:s10] =	stream.linear.scatter [tilespmem:s18], [sflag:$0x4], $0x4000, $0x38;
	[tilespmem:$0x1C400] =	vst v63  }
0x67: {  	_ =	swait.ge [sflag:s16], $0x4000  }
0x68: {  	[sflag:s16] =	ssyncset.done $0x0  }
0x69: {  	[sflag:s16] =	ssyncadd.s32 $0xFFFFC000  }
0x6a: {  	[spmem:s11] =	stream.linear.scatter [tilespmem:s18], [sflag:$0x4], $0x4000, $0x38;
	[tilespmem:$0x1C400] =	vst v63  }
0x6b: {  	_ =	swait.ge [sflag:s16], $0x4000  }
0x6c: {  	s0 =	simm.s32 $0x0;
	[sflag:s16] =	ssyncset.done $0x0  }
0x6d: {  	s0 =	sand.u32 $0x100, s0;
	[sflag:s16] =	ssyncadd.s32 $0xFFFFC000  }
0x6e: {  	s17 =	sxor.u32 $0x100, s0;
	[bflag:$0x0] =	sbarrier.arrive $0xFFFF  }
0x6f: {  	[tilespmem:s17], [sflag:$0x1] =	stream.linear.gather [hbm4b:s14+s3], $0x100, $0x38;
	[tilespmem:$0x1C400] =	vst v63  }
0x70: {  	s17 =	sor.u32 $0x200, s17  }
0x71: {  	[tilespmem:s17], [sflag:$0x1] =	stream.linear.gather [hbm4b:s15+s3], $0x100, $0x38;
	[tilespmem:$0x1C400] =	vst v63  }
0x72: {  	_ = 	snop  }
0x73: {  	[tilespmem:s18], [sflag:$0x2] =	stream.indirect.gather [hbm4b:s4+s19], $0x80, s0, s19, $0xb8;
	[tilespmem:$0x1C400] =	vst v63  }
0x74: {  	s2 =	sor.u32 $0x80, s0  }
0x75: {  	[tilespmem:s20], [sflag:$0x2] =	stream.indirect.gather [hbm4b:s4+s19], $0x80, s2, s19, $0xb8;
	[tilespmem:$0x1C400] =	vst v63  }
0x76: {  	_ =	swait.ge [sflag:s21], $0x4000  }
0x77: {  	[sflag:s21] =	ssyncset.done $0x0  }
0x78: {  	s24 =	sor.u32 $0x200, s0;
	[sflag:s21] =	ssyncadd.s32 $0xFFFFC000  }
0x79: {  	[spmem:s1] =	stream.indirect.scatter.add.f32 [tilespmem:s18], [sflag:$0x3], $0x80, s24, s19, $0xb8;
	[tilespmem:$0x1C400] =	vst v63  }
0x7a: {  	_ =	swait.ge [sflag:s21], $0x4000  }
0x7b: {  	[sflag:s21] =	ssyncset.done $0x0  }
0x7c: {  	s0 =	sor.u32 $0x280, s0;
	[sflag:s21] =	ssyncadd.s32 $0xFFFFC000  }
0x7d: {  	[spmem:s1] =	stream.indirect.scatter.add.f32 [tilespmem:s20], [sflag:$0x3], $0x80, s0, s19, $0xb8;
	[tilespmem:$0x1C400] =	vst v63  }
0x7e: {  	_ =	swait.ge [sflag:s22], $0x4000  }
0x7f: {  	[sflag:s22] =	ssyncset.done $0x0  }
0x80: {  	[sflag:s22] =	ssyncadd.s32 $0xFFFFC000  }
0x81: {  	_ =	swait.ge [sflag:s22], $0x4000  }
0x82: {  	[sflag:s22] =	ssyncset.done $0x0  }
0x83: {  	[sflag:s22] =	ssyncadd.s32 $0xFFFFC000  }
0x84: {  	_ =	swait.ge [sflag:s23], $0x100  }
0x85: {  	[sflag:s23] =	ssyncset.done $0x0  }
0x86: {  	s25 =	simm.s32 $0x100;
	[sflag:s23] =	ssyncadd.s32 $0xFFFFFF00  }
0x87: {  	s30 =	sadd.s32 $0x20, s15;
	s31 =	sadd.s32 $0x20, s14;
	_ =	swait.ge [sflag:s23], $0x100  }
0x88: {  	s17 =	simm.s32 $0x200;
	s0 =	sand.u32 $0x100, s25;
	[sflag:s23] =	ssyncset.done $0x0  }
.LBB2_4:
0x89: {  	s2 =	sxor.u32 $0x100, s0  }
0x8a: {  	[sflag:s23] =	ssyncadd.s32 $0xFFFFFF00;
	s24 =	smov.u32 s17;
	s25 =	sadd.s32 $0x100, s17  }
0x8b: {  	[tilespmem:s2], [sflag:$0x1] =	stream.linear.gather [hbm4b:s31+s3], $0x100, $0x38;
	[tilespmem:$0x1C400] =	vst v63  }
0x8c: {  	p0 =	sne.s32 s17, $0x2600;
	s2 =	sor.u32 $0x200, s2  }
0x8d: {  	[tilespmem:s2], [sflag:$0x1] =	stream.linear.gather [hbm4b:s30+s3], $0x100, $0x38;
	[tilespmem:$0x1C400] =	vst v63  }
0x8e: {  	_ = 	snop  }
0x8f: {  	[tilespmem:s18], [sflag:$0x2] =	stream.indirect.gather [hbm4b:s4+s19], $0x80, s0, s19, $0xb8;
	[tilespmem:$0x1C400] =	vst v63  }
0x90: {  	s2 =	sor.u32 $0x80, s0  }
0x91: {  	[tilespmem:s20], [sflag:$0x2] =	stream.indirect.gather [hbm4b:s4+s19], $0x80, s2, s19, $0xb8;
	[tilespmem:$0x1C400] =	vst v63  }
0x92: {  	_ =	swait.ge [sflag:s21], $0x4000  }
0x93: {  	[sflag:s21] =	ssyncset.done $0x0  }
0x94: {  	s2 =	sor.u32 $0x200, s0;
	[sflag:s21] =	ssyncadd.s32 $0xFFFFC000  }
0x95: {  	[spmem:s1] =	stream.indirect.scatter.add.f32 [tilespmem:s18], [sflag:$0x3], $0x80, s2, s19, $0xb8;
	[tilespmem:$0x1C400] =	vst v63  }
0x96: {  	_ =	swait.ge [sflag:s21], $0x4000  }
0x97: {  	[sflag:s21] =	ssyncset.done $0x0  }
0x98: {  	s0 =	sor.u32 $0x280, s0;
	[sflag:s21] =	ssyncadd.s32 $0xFFFFC000  }
0x99: {  	[spmem:s1] =	stream.indirect.scatter.add.f32 [tilespmem:s20], [sflag:$0x3], $0x80, s0, s19, $0xb8;
	[tilespmem:$0x1C400] =	vst v63  }
0x9a: {  	_ =	swait.ge [sflag:s22], $0x4000  }
0x9b: {  	[sflag:s22] =	ssyncset.done $0x0  }
0x9c: {  	[sflag:s22] =	ssyncadd.s32 $0xFFFFC000  }
0x9d: {  	_ =	swait.ge [sflag:s22], $0x4000  }
0x9e: {  	[sflag:s22] =	ssyncset.done $0x0  }
0x9f: {  	[sflag:s22] =	ssyncadd.s32 $0xFFFFC000  }
.Ltmp1:
0xa0: {  	_ =	swait.ge [sflag:s23], $0x100;
	(pc) =	sbr.rel @p0 .LBB2_4-.Ltmp1, $4  }
0xa1: {  	[sflag:s23] =	ssyncset.done $0x0  }
0xa2: {  	[sflag:s23] =	ssyncadd.s32 $0xFFFFFF00  }
0xa3: {  	s31 =	sadd.s32 $0x20, s31;
	s30 =	sadd.s32 $0x20, s30;
	_ =	swait.ge [sflag:s23], $0x100  }
0xa4: {  	s17 =	smov.u32 s25;
	s0 =	sand.u32 $0x100, s24;
	[sflag:s23] =	ssyncset.done $0x0  }
0xa5: {  	s2 =	sxor.u32 $0x100, s0;
	[sflag:s23] =	ssyncadd.s32 $0xFFFFFF00  }
0xa6: {  	[tilespmem:s2], [sflag:$0x1] =	stream.linear.gather [hbm4b:s31+s3], $0x100, $0x38;
	[tilespmem:$0x1C400] =	vst v63  }
0xa7: {  	s2 =	sor.u32 $0x200, s2  }
0xa8: {  	[tilespmem:s2], [sflag:$0x1] =	stream.linear.gather [hbm4b:s30+s3], $0x100, $0x38;
	[tilespmem:$0x1C400] =	vst v63  }
0xa9: {  	_ = 	snop  }
0xaa: {  	[tilespmem:s18], [sflag:$0x2] =	stream.indirect.gather [hbm4b:s4+s19], $0x80, s0, s19, $0xb8;
	[tilespmem:$0x1C400] =	vst v63  }
0xab: {  	s30 =	sor.u32 $0x80, s0  }
0xac: {  	[tilespmem:s20], [sflag:$0x2] =	stream.indirect.gather [hbm4b:s4+s19], $0x80, s30, s19, $0xb8;
	[tilespmem:$0x1C400] =	vst v63  }
0xad: {  	_ =	swait.ge [sflag:s21], $0x4000  }
0xae: {  	[sflag:s21] =	ssyncset.done $0x0  }
0xaf: {  	s31 =	sor.u32 $0x200, s0;
	[sflag:s21] =	ssyncadd.s32 $0xFFFFC000  }
0xb0: {  	[spmem:s1] =	stream.indirect.scatter.add.f32 [tilespmem:s18], [sflag:$0x3], $0x80, s31, s19, $0xb8;
	[tilespmem:$0x1C400] =	vst v63  }
0xb1: {  	_ =	swait.ge [sflag:s21], $0x4000  }
0xb2: {  	[sflag:s21] =	ssyncset.done $0x0  }
0xb3: {  	s17 =	sor.u32 $0x280, s0;
	[sflag:s21] =	ssyncadd.s32 $0xFFFFC000  }
0xb4: {  	[spmem:s1] =	stream.indirect.scatter.add.f32 [tilespmem:s20], [sflag:$0x3], $0x80, s17, s19, $0xb8;
	[tilespmem:$0x1C400] =	vst v63  }
0xb5: {  	_ =	swait.ge [sflag:s22], $0x4000  }
0xb6: {  	[sflag:s22] =	ssyncset.done $0x0  }
0xb7: {  	[sflag:s22] =	ssyncadd.s32 $0xFFFFC000  }
0xb8: {  	_ =	swait.ge [sflag:s22], $0x4000  }
0xb9: {  	[sflag:s22] =	ssyncset.done $0x0  }
0xba: {  	[sflag:s22] =	ssyncadd.s32 $0xFFFFC000  }
0xbb: {  	_ =	swait.ge [sflag:s23], $0x100  }
0xbc: {  	[sflag:s23] =	ssyncset.done $0x0  }
0xbd: {  	[sflag:s23] =	ssyncadd.s32 $0xFFFFFF00  }
0xbe: {  	_ =	swait.ge [sflag:s23], $0x100  }
0xbf: {  	[sflag:s23] =	ssyncset.done $0x0  }
0xc0: {  	s24 =	simm.s32 $0x100;
	[sflag:s23] =	ssyncadd.s32 $0xFFFFFF00  }
0xc1: {  	[tilespmem:s18], [sflag:$0x2] =	stream.indirect.gather [hbm4b:s4+s19], $0x80, s24, s19, $0xb8;
	[tilespmem:$0x1C400] =	vst v63  }
0xc2: {  	s25 =	simm.s32 $0x180  }
0xc3: {  	[tilespmem:s20], [sflag:$0x2] =	stream.indirect.gather [hbm4b:s4+s19], $0x80, s25, s19, $0xb8;
	[tilespmem:$0x1C400] =	vst v63  }
0xc4: {  	_ =	swait.ge [sflag:s21], $0x4000  }
0xc5: {  	[sflag:s21] =	ssyncset.done $0x0  }
0xc6: {  	[sflag:s21] =	ssyncadd.s32 $0xFFFFC000  }
0xc7: {  	[spmem:s1] =	stream.indirect.scatter.add.f32 [tilespmem:s18], [sflag:$0x3], $0x80, s26, s19, $0xb8;
	[tilespmem:$0x1C400] =	vst v63  }
0xc8: {  	_ =	swait.ge [sflag:s21], $0x4000  }
0xc9: {  	[sflag:s21] =	ssyncset.done $0x0  }
0xca: {  	[sflag:s21] =	ssyncadd.s32 $0xFFFFC000  }
0xcb: {  	[spmem:s1] =	stream.indirect.scatter.add.f32 [tilespmem:s20], [sflag:$0x3], $0x80, s28, s19, $0xb8;
	[tilespmem:$0x1C400] =	vst v63  }
0xcc: {  	_ =	swait.ge [sflag:s22], $0x4000  }
0xcd: {  	[sflag:s22] =	ssyncset.done $0x0  }
0xce: {  	[sflag:s22] =	ssyncadd.s32 $0xFFFFC000  }
0xcf: {  	s30 =	stileid.u32;
	_ =	swait.ge [sflag:s22], $0x4000  }
0xd0: {  	s29 =	sadd.s32 $0x1, s29;
	s0 =	sshll.u32 s30, $0x6;
	[sflag:s22] =	ssyncset.done $0x0  }
0xd1: {  	p0 =	sne.s32 s29, s7;
	s0 =	sor.u32 $0x1C04, s0;
	[sflag:s22] =	ssyncadd.s32 $0xFFFFC000  }
.Ltmp2:
0xd2: {  	s31 =	sshrl.u32 s5, $0x3;
	[bflag:$0x0] =	sbarrier.arrive $0xFFFF;
	(pc) =	sbr.rel @p0 .LBB2_1-.Ltmp2, $4  }
0xd3: {  	[hbm:s6], [sflag:s0] =	dma.local [spmem:s31], $0x2800  }
0xd4: {  	_ =	swait.ge [sflag:s16], $0x2800  }
0xd5: {  	[sflag:s16] =	ssyncset.done $0x0  }
0xd6: {  	[sflag:s16] =	ssyncadd.s32 $0xFFFFD800  }
0xd7: {  	_ =	sfence.sel $0x180000  }
0xd8: {  	[bflag:$0x0] =	sbarrier.arrive $0xFFFF  }
0xd9: {  	_ =	strace $0x9000004A  }
0xda: {  	s0 =	stileid.u32;
	[bflag:$0x2] =	sbarrier.arrive $0xFFFF  }
0xdb: {  	p0 =	sne.s32 s0, $0x0;
	s0 =	rddreg [dreg:$0x2]  }
0xdc: {  	s0 =	sadd.s32 @!p0 $0x100000, s0  }
0xdd: {  	[sflag:s0] =	ssyncadd.tile.s32 @!p0 $0x1;
	_ =	shalt  }
.Lfunc_end2:
_tile_overlayer_lowered:
.L_overlay_start_2:
0xde: {  	(tag) =	ssettag $0x2  }
0xdf: {  	s0 =	rddreg [dreg:$0x0];
	s2 =	stileid.u32  }
0xe0: {  	s1 =	rddreg [dreg:$0x1];
	p0 =	sne.s32 s2, $0x0  }
0xe1: {  	s3 =	rddreg [dreg:$0x2];
	[bflag:$0x3] =	sbarrier.arrive $0xFFFF;
	s2 =	simm.s32 @!p0 $0x1C04  }
0xe2: {  	[timem:s3], [sflag:s2] =	dma.local @!p0 [hbm:s0], s1  }
0xe3: {  	s0 =	simm.s32 @!p0 $0x4  }
0xe4: {  	_ =	swait.ge @!p0 [sflag:s0], s1  }
0xe5: {  	s1 =	ssub.s32 @!p0 $0x0, s1;
	[sflag:s0] =	ssyncset.done @!p0 $0x0  }
0xe6: {  	[sflag:s0] =	ssyncadd.s32 @!p0 s1  }
0xe7: {  	[bflag:$0x3] =	sbarrier.arrive $0xFFFF  }
0xe8: {  	_ =	shalt  }

// kernel: kernel.15.cloned.1.call-start
scs
__scs_entry_jumppad:
0x0: {  	(pc) =	sbr.rel $0x88, $3  }
0x1: {  	(tag) =	ssettag $0x0;
	lr =	simm.s32 $0x1  }
0x2: {  	[smem:$0x3F95] =	sst lr;
	_ =	strace $0xD0000000  }
0x3: {  	_ = 	snop  }
0x4: {  	_ = 	snop  }
0x5: {  	_ = 	snop  }
0x6: {  	_ = 	snop  }
0x7: {  	_ = 	snop  }
__scs_overlays_trampoline_lowered:
0x8: {  	[smem:$0x3FA4] =	sst s0  }
0x9: {  	[smem:$0x3FA5] =	sst s1  }
0xa: {  	[smem:$0x3FA6] =	sst s2  }
0xb: {  	[smem:$0x3FA7] =	sst s3  }
0xc: {  	[smem:$0x3FA8] =	sst s4  }
0xd: {  	[smem:$0x3FA9] =	sst s5  }
0xe: {  	[smem:$0x3FAA] =	sst s6  }
0xf: {  	[smem:$0x3FAB] =	sst s7  }
0x10: {  	[smem:$0x3FAC] =	sst s8  }
0x11: {  	[smem:$0x3FAD] =	sst s9;
	s0 =	simm.s32 @!p0 $0x0  }
0x12: {  	s1 =	sld [smem:$0x3F93];
	s0 =	simm.s32 @p0 $0x1  }
0x13: {  	[smem:$0x3FAE] =	sst s0;
	s0 =	simm.s32 @!p1 $0x0  }
0x14: {  	s2 =	sld [smem:$0x3F92];
	s0 =	simm.s32 @p1 $0x1  }
0x15: {  	[smem:$0x3FAF] =	sst s0;
	s0 =	simm.s32 @!p2 $0x0  }
0x16: {  	s3 =	sld [smem:$0x3FDB];
	s0 =	simm.s32 @p2 $0x1  }
0x17: {  	s4 =	simm.s32 $0x1BF5;
	[smem:$0x3FB1] =	sst s0  }
0x18: {  	s0 =	sld [smem:$0x3F94];
	_ =	swait.ge [sflag:s4], $0x0  }
0x19: {  	s7 =	sld [smem:$0x3F95]  }
0x1a: {  	s8 =	sadd.s32 $0xFFFFE003, lr  }
0x1b: {  	s9 =	sadd.s32 $0xFFFFFEF7, lr;
	s5 =	simm.s32 $0xFFFFFFFF;
	p2 =	slt.u32 s8, $0xFFFFF086  }
0x1c: {  	p1 =	slt.u32 s9, $0xF7A;
	s5 =	simm.s32 @!p2 $0x0  }
0x1d: {  	s5 =	simm.s32 @p1 $0x1;
	p0 =	seq.s32 s7, s2  }
0x1e: {  	s7 =	smul.u32 @!p0 $0xF7A, s2;
	p2 =	seq.s32 @!p0 s5, $0x0  }
0x1f: {  	s9 =	smul.u32 $0xF7A, s1;
	s8 =	simm.s32 @!p0 $0x1BF5;
	p2 =	por !p2, p0  }
0x20: {  	[sflag:s8] =	ssyncset.s32 @!p0 $0xFFFFF086;
	s6 =	sadd.s32 @!p0 s3, s7;
	s7 =	simm.s32 @!p0 $0x108  }
0x21: {  	s3 =	sadd.s32 s3, s9;
	s6 =	sadd.s32 @!p0 $0x88, s6;
	s7 =	simm.s32 @p2 $0x1082  }
0x22: {  	[simem:s7], [sflag:s8] =	dma.local @!p0 [hbm:s6], $0xF7A  }
0x23: {  	s9 =	sor.u32 $0xD0000000, s2;
	s6 =	simm.s32 $0x108;
	_ =	swait.ge @!p0 [sflag:s8], $0x0  }
0x24: {  	s3 =	sadd.s32 $0x88, s3;
	s6 =	simm.s32 @!p1 $0x1082;
	[sflag:s4] =	ssyncset.s32 $0xFFFFF086  }
0x25: {  	[simem:s6], [sflag:s4] =	dma.local [hbm:s3], $0xF7A  }
0x26: {  	[smem:$0x3F95] =	sst s1;
	(tag) =	ssettag s2;
	_ =	strace s9  }
0x27: {  	s1 =	sld [smem:$0x3FA5]  }
0x28: {  	s2 =	sld [smem:$0x3FA6]  }
0x29: {  	s4 =	sld [smem:$0x3FA8]  }
0x2a: {  	p0 =	seq.s32 s5, $0x0;
	s5 =	sld [smem:$0x3FA9]  }
0x2b: {  	s6 =	sld [smem:$0x3FAA]  }
0x2c: {  	s7 =	sld [smem:$0x3FAB]  }
0x2d: {  	s3 =	simm.s32 $0x108;
	s8 =	sld [smem:$0x3FAC]  }
0x2e: {  	s3 =	simm.s32 @!p0 $0x1082;
	s9 =	sld [smem:$0x3FAD]  }
0x2f: {  	lr =	sadd.s32 s0, s3;
	s0 =	sld [smem:$0x3FA4]  }
0x30: {  	s3 =	sld [smem:$0x3FA7]  }
0x31: {  	[smem:$0x3FB0] =	sst s10  }
0x32: {  	s10 =	sld [smem:$0x3FAE];
	_ =	sdelay $0x3  }
0x33: {  	p0 =	seq.s32 s10, $0x1;
	s10 =	sld [smem:$0x3FB0];
	_ =	sdelay $0x3  }
0x34: {  	[smem:$0x3FB0] =	sst s10  }
0x35: {  	s10 =	sld [smem:$0x3FAF];
	_ =	sdelay $0x3  }
0x36: {  	p1 =	seq.s32 s10, $0x1;
	s10 =	sld [smem:$0x3FB0];
	_ =	sdelay $0x3  }
0x37: {  	[smem:$0x3FB0] =	sst s10  }
0x38: {  	s10 =	sld [smem:$0x3FB1]  }
0x39: {  	_ = 	snop;
	(pc) =	sbr.ind lr, $3  }
0x3a: {  	_ = 	snop  }
0x3b: {  	_ = 	snop  }
0x3c: {  	p2 =	seq.s32 s10, $0x1;
	s10 =	sld [smem:$0x3FB0]  }
0x3d: {  	_ =	shalt  }
0x3e: {  	_ =	shalt  }
0x3f: {  	_ =	shalt  }
0x40: {  	_ =	shalt  }
0x41: {  	_ =	shalt  }
0x42: {  	_ =	shalt  }
0x43: {  	_ =	shalt  }
0x44: {  	_ =	shalt  }
0x45: {  	_ =	shalt  }
0x46: {  	_ =	shalt  }
0x47: {  	_ =	shalt  }
0x48: {  	_ =	shalt  }
0x49: {  	_ =	shalt  }
0x4a: {  	_ =	shalt  }
0x4b: {  	_ =	shalt  }
0x4c: {  	_ =	shalt  }
0x4d: {  	_ =	shalt  }
0x4e: {  	_ =	shalt  }
0x4f: {  	_ =	shalt  }
0x50: {  	_ =	shalt  }
0x51: {  	_ =	shalt  }
0x52: {  	_ =	shalt  }
0x53: {  	_ =	shalt  }
0x54: {  	_ =	shalt  }
0x55: {  	_ =	shalt  }
0x56: {  	_ =	shalt  }
0x57: {  	_ =	shalt  }
0x58: {  	_ =	shalt  }
0x59: {  	_ =	shalt  }
0x5a: {  	_ =	shalt  }
0x5b: {  	_ =	shalt  }
0x5c: {  	_ =	shalt  }
0x5d: {  	_ =	shalt  }
0x5e: {  	_ =	shalt  }
0x5f: {  	_ =	shalt  }
0x60: {  	_ =	shalt  }
0x61: {  	_ =	shalt  }
0x62: {  	_ =	shalt  }
0x63: {  	_ =	shalt  }
0x64: {  	_ =	shalt  }
0x65: {  	_ =	shalt  }
0x66: {  	_ =	shalt  }
0x67: {  	_ =	shalt  }
0x68: {  	_ =	shalt  }
0x69: {  	_ =	shalt  }
0x6a: {  	_ =	shalt  }
0x6b: {  	_ =	shalt  }
0x6c: {  	_ =	shalt  }
0x6d: {  	_ =	shalt  }
0x6e: {  	_ =	shalt  }
0x6f: {  	_ =	shalt  }
0x70: {  	_ =	shalt  }
0x71: {  	_ =	shalt  }
0x72: {  	_ =	shalt  }
0x73: {  	_ =	shalt  }
0x74: {  	_ =	shalt  }
0x75: {  	_ =	shalt  }
0x76: {  	_ =	shalt  }
0x77: {  	_ =	shalt  }
0x78: {  	_ =	shalt  }
0x79: {  	_ =	shalt  }
0x7a: {  	_ =	shalt  }
0x7b: {  	_ =	shalt  }
0x7c: {  	_ =	shalt  }
0x7d: {  	_ =	shalt  }
0x7e: {  	_ =	shalt  }
0x7f: {  	_ =	shalt  }
0x80: {  	_ =	shalt  }
0x81: {  	_ =	shalt  }
0x82: {  	_ =	shalt  }
0x83: {  	_ =	shalt  }
0x84: {  	_ =	shalt  }
0x85: {  	_ =	shalt  }
0x86: {  	_ =	shalt  }
0x87: {  	_ =	shalt  }
.Lfunc_end0:
.L_simem_size_0:
called_computation.2_lowered:
.L_overlay_start_0:
0x88: {  	s2 =	sld [smem:$0x3FD9]  }
0x89: {  	s3 =	sld [smem:$0x3FFE];
	_ =	sdelay $0x1  }
0x8a: {  	s1 =	srdreg.scid  }
0x8b: {  	s0 =	sand.u32 $0x1, s1  }
0x8c: {  	s16 =	sshll.u32 s0, $0xA;
	s2 =	sadd.s32 s3, s2  }
0x8d: {  	s2 =	sadd.s32 s2, s16  }
0x8e: {  	[smem:$0x3FBC] =	sst s2  }
0x8f: {  	_ = 	snop  }
0x90: {  	(tm) =	ssettm $0x1  }
0x91: {  	s17 =	sld [smem:$0x3FFB];
	_ =	sdelay $0x3  }
0x92: {  	_ =	strace s17  }
0x93: {  	s2 =	sld [smem:$0x3FFC];
	_ =	sdelay $0x3  }
0x94: {  	_ =	strace s2  }
0x95: {  	s2 =	sld [smem:$0x3FFD];
	_ =	sdelay $0x3  }
0x96: {  	_ =	strace s2  }
0x97: {  	_ =	strace $0x8FFFFFFF  }
0x98: {  	s18 =	sld [smem:$0x3FDB];
	_ =	sdelay $0x1  }
0x99: {  	s19 =	simm.s32 $_scs_section_size  }
0x9a: {  	s4 =	simm.s32 $_size__tile_overlayer_lowered;
	s5 =	simm.s32 $_tile_overlayer_lowered  }
0x9b: {  	s22 =	simm.s32 $0x1BFF;
	s21 =	sshll.u32 s5, $0x1;
	s2 =	sadd.s32 s19, s18  }
0x9c: {  	s6 =	simm.s32 $0x0;
	s20 =	sshll.u32 s4, $0x1;
	s4 =	sadd.s32 s21, s2  }
0x9d: {  	[timem:s6], [sflag:s22] =	dma.local [hbm:s4], s20  }
0x9e: {  	_ =	swait.ge [sflag:s22], s20  }
0x9f: {  	s3 =	ssub.s32 $0x0, s20;
	[sflag:s22] =	ssyncset.done $0x0  }
0xa0: {  	[sflag:s22] =	ssyncadd.s32 s3;
	_ =	sdelay $0x1  }
0xa1: {  	s23 =	simm.s32 $0x1B8B  }
0xa2: {  	_ =	swait.ge [sflag:s23], $0x1  }
0xa3: {  	[sflag:s23] =	ssyncset.done $0x0  }
0xa4: {  	s25 =	simm.s32 $0x1B8E;
	s24 =	sld [smem:$0x3FFE];
	[sflag:s23] =	ssyncadd.s32 $0xFFFFFFFF  }
0xa5: {  	s26 =	simm.s32 $execute0_lowered;
	[smem:$0x3FD2] =	sst s25  }
0xa6: {  	s4 =	sshll.u32 s26, $0x1;
	_ =	strace $0x8000004C;
	[dreg:$0x1] =	wrdreg $0xFFFFFFFF  }
0xa7: {  	s28 =	simm.s32 $_size_execute0_lowered;
	s2 =	sadd.s32 s2, s4;
	[dreg:$0x0] =	wrdreg $0x0  }
0xa8: {  	s4 =	sshll.u32 s28, $0x1;
	[dreg:$0x2] =	wrdreg s2  }
0xa9: {  	[dreg:$0x3] =	wrdreg s4  }
0xaa: {  	[dreg:$0x4] =	wrdreg $0xC0  }
0xab: {  	_ =	task [dreg:s6], $0x5FFFF  }
0xac: {  	[dreg:$0x1] =	wrdreg $0xFFFFFFFF  }
0xad: {  	[dreg:$0x0] =	wrdreg $0x60  }
0xae: {  	[dreg:$0x2] =	wrdreg s24  }
0xaf: {  	[dreg:$0x3] =	wrdreg $0x84000  }
0xb0: {  	[dreg:$0x4] =	wrdreg $0x9  }
0xb1: {  	_ =	task.clear_ibuf [dreg:s6], $0x5FFFF;
	_ =	strace $0x9000004C  }
0xb2: {  	s29 =	simm.s32 $0x9;
	_ =	strace $0x8000004E  }
0xb3: {  	_ =	swait.ge [sflag:s29], $0x1  }
0xb4: {  	[sflag:s29] =	ssyncadd.s32 $0xFFFFFFFF  }
0xb5: {  	_ =	strace $0x9000004E  }
0xb6: {  	_ =	sfence  }
0xb7: {  	s30 =	sld [smem:$0x0];
	_ =	sdelay $0x2  }
0xb8: {  	s31 =	sshll.u32 s1, $0xD;
	s1 =	sshrl.u32 s1, $0x2  }
0xb9: {  	s3 =	sand.u32 $0x4000, s31;
	s1 =	sadd.s32 s1, s30  }
0xba: {  	s0 =	sor.u32 s3, s0;
	s1 =	sshll.u32 s1, $0x11  }
0xbb: {  	s0 =	sor.u32 s1, s0  }
0xbc: {  	s0 =	sadd.s32 $0x8F2B, s0  }
0xbd: {  	[sflag:s0] =	ssyncadd.remote.s32 $0x1  }
0xbe: {  	_ =	sfence.sel $0xFFFF  }
0xbf: {  	[dreg:$0x0] =	wrdreg $0xFFFFFFFF;
	(pc) =	sbr.abs _section_cstart, $3  }
0xc0: {  	[dreg:$0x1] =	wrdreg $0xFFFFFFFF  }
0xc1: {  	_ =	task.clear_ibuf [dreg:s6], $0x2FFFF;
	_ =	strace $0x9FFFFFFF  }
0xc2: {  	(tm) =	ssettm $0x7FFFFFFF  }
0xc3: {  	_ =	shalt  }
tec
execute0_lowered:
.L_overlay_start_1:
0x0: {  	(tag) =	ssettag $0x1  }
0x1: {  	s0 =	rddreg [dreg:$0x0]  }
0x2: {  	s1 =	rddreg [dreg:$0x1];
	s2 =	srdreg.scid  }
0x3: {  	s3 =	simm.s32 $0x0;
	s25 =	stileid.u32;
	s16 =	simm.s32 $0x4  }
0x4: {  	s18 =	simm.s32 $0x400;
	s19 =	simm.s32 $0x80;
	s20 =	simm.s32 $0x4400  }
0x5: {  	s21 =	simm.s32 $0x2;
	s22 =	simm.s32 $0x3;
	s23 =	simm.s32 $0x1  }
0x6: {  	s28 =	simm.s32 $0x380;
	s29 =	simm.s32 $0x0;
	s5 =	sand.u32 $0x1, s2  }
0x7: {  	[smem:$0x7FF] =	sst s3;
	s7 =	smul.u32 $0x14000, s25;
	s4 =	sadd.s32 $0x3A00, s0  }
0x8: {  	s11 =	sadd.s32 $0x94A00, s0;
	s12 =	sadd.s32 $0x8FA00, s0;
	s8 =	smul.u32 $0x50000, s25  }
0x9: {  	s13 =	sadd.s32 $0x62A00, s0;
	s14 =	sadd.s32 $0x5DA00, s0;
	s15 =	smul.u32 $0x500, s25  }
0xa: {  	s6 =	smul.u32 $0x140000, s5;
	_ =	strace $0x8000004D;
	s26 =	ssub.s32 $0x2, s5  }
0xb: {  	p0 =	seq.s32 s5, $0x0;
	s30 =	sshrl.u32 s26, $0x1;
	s31 =	sshrl.u32 s8, $0x2  }
0xc: {  	s13 =	smov.u32 @p0 s11;
	s14 =	smov.u32 @p0 s12;
	s6 =	sadd.s32 s7, s6  }
0xd: {  	s7 =	ssub.s32 s26, s30;
	s5 =	sadd.s32 s31, s1;
	s12 =	sadd.s32 s13, s15  }
0xe: {  	s13 =	sadd.s32 s14, s15;
	s26 =	simm.s32 $0x300;
	s6 =	sshrl.u32 s6, $0x3  }
0xf: {  	s7 =	smax.u32 s7, $0x1;
	s8 =	sadd.s32 $0x4000, s5;
	s9 =	sadd.s32 $0x8000, s5  }
0x10: {  	s10 =	sadd.s32 $0xC000, s5;
	s11 =	sadd.s32 $0x10000, s5;
	s0 =	sadd.s32 s6, s0  }
0x11: {  	v0 =	vimm.f32 $0.0e+00;
	s14 =	sadd.s32 $0x20, s12;
	s15 =	sadd.s32 $0x20, s13;
	s6 =	sadd.s32 $0x99A00, s0  }
.LBB2_1:
0x12: {  	[tilespmem:s3], [sflag:$0x4] =	stream.linear.gather [hbm4b:s12+s3], $0x100, $0x38;
	[tilespmem:$0x1C400] =	vst v63  }
0x13: {  	_ =	swait.ge [sflag:s16], $0x100  }
0x14: {  	[sflag:s16] =	ssyncset.done $0x0  }
0x15: {  	s0 =	simm.s32 $0x200;
	[sflag:s16] =	ssyncadd.s32 $0xFFFFFF00  }
0x16: {  	[tilespmem:s0], [sflag:$0x4] =	stream.linear.gather [hbm4b:s13+s3], $0x100, $0x38;
	[tilespmem:$0x1C400] =	vst v63  }
0x17: {  	_ =	swait.ge [sflag:s16], $0x100  }
0x18: {  	[sflag:s16] =	ssyncset.done $0x0  }
0x19: {  	s30 =	simm.s32 $0x500;
	[sflag:s16] =	ssyncadd.s32 $0xFFFFFF00  }
0x1a: {  	[tilespmem:s30+$0xFFFFFF00] =	vst v0  }
0x1b: {  	[tilespmem:s30+$0xF0] =	vst v0  }
0x1c: {  	[tilespmem:s30+$0xE0] =	vst v0  }
0x1d: {  	[tilespmem:s30+$0xD0] =	vst v0  }
0x1e: {  	[tilespmem:s30+$0xC0] =	vst v0  }
0x1f: {  	[tilespmem:s30+$0xB0] =	vst v0  }
0x20: {  	[tilespmem:s30+$0xA0] =	vst v0  }
0x21: {  	[tilespmem:s30+$0x90] =	vst v0  }
0x22: {  	[tilespmem:s30+$0x80] =	vst v0  }
0x23: {  	[tilespmem:s30+$0x70] =	vst v0  }
0x24: {  	[tilespmem:s30+$0x60] =	vst v0  }
0x25: {  	[tilespmem:s30+$0x50] =	vst v0  }
0x26: {  	[tilespmem:s30+$0x40] =	vst v0  }
0x27: {  	[tilespmem:s30+$0x30] =	vst v0  }
0x28: {  	[tilespmem:s30+$0x20] =	vst v0  }
0x29: {  	[tilespmem:s30+$0x10] =	vst v0  }
0x2a: {  	[tilespmem:s30+$0x0] =	vst v0  }
0x2b: {  	[tilespmem:s30+$0xFFFFFFF0] =	vst v0  }
0x2c: {  	[tilespmem:s30+$0xFFFFFFE0] =	vst v0  }
0x2d: {  	[tilespmem:s30+$0xFFFFFFD0] =	vst v0  }
0x2e: {  	[tilespmem:s30+$0xFFFFFFC0] =	vst v0  }
0x2f: {  	[tilespmem:s30+$0xFFFFFFB0] =	vst v0  }
0x30: {  	[tilespmem:s30+$0xFFFFFFA0] =	vst v0  }
0x31: {  	[tilespmem:s30+$0xFFFFFF90] =	vst v0  }
0x32: {  	[tilespmem:s30+$0xFFFFFF80] =	vst v0  }
0x33: {  	[tilespmem:s30+$0xFFFFFF70] =	vst v0  }
0x34: {  	[tilespmem:s30+$0xFFFFFF60] =	vst v0  }
0x35: {  	[tilespmem:s30+$0xFFFFFF50] =	vst v0  }
0x36: {  	[tilespmem:s30+$0xFFFFFF40] =	vst v0  }
0x37: {  	[tilespmem:s30+$0xFFFFFF30] =	vst v0  }
0x38: {  	s31 =	simm.s32 $0x0;
	[tilespmem:s30+$0xFFFFFF20] =	vst v0  }
.LBB2_2:
0x39: {  	s31 =	sadd.s32 $0x4, s31;
	[tilespmem:s30+$0xFFFFFF10] =	vst v0;
	s30 =	sadd.s32 $0x200, s30  }
0x3a: {  	[tilespmem:s30+$0xFFFFFF00] =	vst v0;
	p0 =	slt.u32 s31, $0x7C  }
0x3b: {  	[tilespmem:s30+$0xF0] =	vst v0  }
0x3c: {  	[tilespmem:s30+$0xE0] =	vst v0  }
0x3d: {  	[tilespmem:s30+$0xD0] =	vst v0  }
0x3e: {  	[tilespmem:s30+$0xC0] =	vst v0  }
0x3f: {  	[tilespmem:s30+$0xB0] =	vst v0  }
0x40: {  	[tilespmem:s30+$0xA0] =	vst v0  }
0x41: {  	[tilespmem:s30+$0x90] =	vst v0  }
0x42: {  	[tilespmem:s30+$0x80] =	vst v0  }
0x43: {  	[tilespmem:s30+$0x70] =	vst v0  }
0x44: {  	[tilespmem:s30+$0x60] =	vst v0  }
0x45: {  	[tilespmem:s30+$0x50] =	vst v0  }
0x46: {  	[tilespmem:s30+$0x40] =	vst v0  }
0x47: {  	[tilespmem:s30+$0x30] =	vst v0  }
0x48: {  	[tilespmem:s30+$0x20] =	vst v0  }
0x49: {  	[tilespmem:s30+$0x10] =	vst v0  }
0x4a: {  	[tilespmem:s30+$0x0] =	vst v0  }
0x4b: {  	[tilespmem:s30+$0xFFFFFFF0] =	vst v0  }
0x4c: {  	[tilespmem:s30+$0xFFFFFFE0] =	vst v0  }
0x4d: {  	[tilespmem:s30+$0xFFFFFFD0] =	vst v0  }
0x4e: {  	[tilespmem:s30+$0xFFFFFFC0] =	vst v0  }
0x4f: {  	[tilespmem:s30+$0xFFFFFFB0] =	vst v0  }
0x50: {  	[tilespmem:s30+$0xFFFFFFA0] =	vst v0  }
0x51: {  	[tilespmem:s30+$0xFFFFFF90] =	vst v0  }
0x52: {  	[tilespmem:s30+$0xFFFFFF80] =	vst v0  }
0x53: {  	[tilespmem:s30+$0xFFFFFF70] =	vst v0  }
.Ltmp0:
0x54: {  	[tilespmem:s30+$0xFFFFFF60] =	vst v0;
	(pc) =	sbr.rel @p0 .LBB2_2-.Ltmp0, $4  }
0x55: {  	[tilespmem:s30+$0xFFFFFF50] =	vst v0  }
0x56: {  	[tilespmem:s30+$0xFFFFFF40] =	vst v0  }
0x57: {  	[tilespmem:s30+$0xFFFFFF30] =	vst v0  }
0x58: {  	[tilespmem:s30+$0xFFFFFF20] =	vst v0  }
0x59: {  	[tilespmem:s30+$0xFFFFFF10] =	vst v0  }
0x5a: {  	[spmem:s5] =	stream.linear.scatter [tilespmem:s18], [sflag:$0x4], $0x4000, $0x38;
	[tilespmem:$0x1C400] =	vst v63  }
0x5b: {  	_ =	swait.ge [sflag:s16], $0x4000  }
0x5c: {  	[sflag:s16] =	ssyncset.done $0x0  }
0x5d: {  	[sflag:s16] =	ssyncadd.s32 $0xFFFFC000  }
0x5e: {  	[spmem:s8] =	stream.linear.scatter [tilespmem:s18], [sflag:$0x4], $0x4000, $0x38;
	[tilespmem:$0x1C400] =	vst v63  }
0x5f: {  	_ =	swait.ge [sflag:s16], $0x4000  }
0x60: {  	[sflag:s16] =	ssyncset.done $0x0  }
0x61: {  	[sflag:s16] =	ssyncadd.s32 $0xFFFFC000  }
0x62: {  	[spmem:s9] =	stream.linear.scatter [tilespmem:s18], [sflag:$0x4], $0x4000, $0x38;
	[tilespmem:$0x1C400] =	vst v63  }
0x63: {  	_ =	swait.ge [sflag:s16], $0x4000  }
0x64: {  	[sflag:s16] =	ssyncset.done $0x0  }
0x65: {  	[sflag:s16] =	ssyncadd.s32 $0xFFFFC000  }
0x66: {  	[spmem:s10] =	stream.linear.scatter [tilespmem:s18], [sflag:$0x4], $0x4000, $0x38;
	[tilespmem:$0x1C400] =	vst v63  }
0x67: {  	_ =	swait.ge [sflag:s16], $0x4000  }
0x68: {  	[sflag:s16] =	ssyncset.done $0x0  }
0x69: {  	[sflag:s16] =	ssyncadd.s32 $0xFFFFC000  }
0x6a: {  	[spmem:s11] =	stream.linear.scatter [tilespmem:s18], [sflag:$0x4], $0x4000, $0x38;
	[tilespmem:$0x1C400] =	vst v63  }
0x6b: {  	_ =	swait.ge [sflag:s16], $0x4000  }
0x6c: {  	s0 =	simm.s32 $0x0;
	[sflag:s16] =	ssyncset.done $0x0  }
0x6d: {  	s0 =	sand.u32 $0x100, s0;
	[sflag:s16] =	ssyncadd.s32 $0xFFFFC000  }
0x6e: {  	s17 =	sxor.u32 $0x100, s0;
	[bflag:$0x0] =	sbarrier.arrive $0xFFFF  }
0x6f: {  	[tilespmem:s17], [sflag:$0x1] =	stream.linear.gather [hbm4b:s14+s3], $0x100, $0x38;
	[tilespmem:$0x1C400] =	vst v63  }
0x70: {  	s17 =	sor.u32 $0x200, s17  }
0x71: {  	[tilespmem:s17], [sflag:$0x1] =	stream.linear.gather [hbm4b:s15+s3], $0x100, $0x38;
	[tilespmem:$0x1C400] =	vst v63  }
0x72: {  	_ = 	snop  }
0x73: {  	[tilespmem:s18], [sflag:$0x2] =	stream.indirect.gather [hbm4b:s4+s19], $0x80, s0, s19, $0xb8;
	[tilespmem:$0x1C400] =	vst v63  }
0x74: {  	s2 =	sor.u32 $0x80, s0  }
0x75: {  	[tilespmem:s20], [sflag:$0x2] =	stream.indirect.gather [hbm4b:s4+s19], $0x80, s2, s19, $0xb8;
	[tilespmem:$0x1C400] =	vst v63  }
0x76: {  	_ =	swait.ge [sflag:s21], $0x4000  }
0x77: {  	[sflag:s21] =	ssyncset.done $0x0  }
0x78: {  	s24 =	sor.u32 $0x200, s0;
	[sflag:s21] =	ssyncadd.s32 $0xFFFFC000  }
0x79: {  	[spmem:s1] =	stream.indirect.scatter.add.f32 [tilespmem:s18], [sflag:$0x3], $0x80, s24, s19, $0xb8;
	[tilespmem:$0x1C400] =	vst v63  }
0x7a: {  	_ =	swait.ge [sflag:s21], $0x4000  }
0x7b: {  	[sflag:s21] =	ssyncset.done $0x0  }
0x7c: {  	s0 =	sor.u32 $0x280, s0;
	[sflag:s21] =	ssyncadd.s32 $0xFFFFC000  }
0x7d: {  	[spmem:s1] =	stream.indirect.scatter.add.f32 [tilespmem:s20], [sflag:$0x3], $0x80, s0, s19, $0xb8;
	[tilespmem:$0x1C400] =	vst v63  }
0x7e: {  	_ =	swait.ge [sflag:s22], $0x4000  }
0x7f: {  	[sflag:s22] =	ssyncset.done $0x0  }
0x80: {  	[sflag:s22] =	ssyncadd.s32 $0xFFFFC000  }
0x81: {  	_ =	swait.ge [sflag:s22], $0x4000  }
0x82: {  	[sflag:s22] =	ssyncset.done $0x0  }
0x83: {  	[sflag:s22] =	ssyncadd.s32 $0xFFFFC000  }
0x84: {  	_ =	swait.ge [sflag:s23], $0x100  }
0x85: {  	[sflag:s23] =	ssyncset.done $0x0  }
0x86: {  	s25 =	simm.s32 $0x100;
	[sflag:s23] =	ssyncadd.s32 $0xFFFFFF00  }
0x87: {  	s30 =	sadd.s32 $0x20, s15;
	s31 =	sadd.s32 $0x20, s14;
	_ =	swait.ge [sflag:s23], $0x100  }
0x88: {  	s17 =	simm.s32 $0x200;
	s0 =	sand.u32 $0x100, s25;
	[sflag:s23] =	ssyncset.done $0x0  }
.LBB2_4:
0x89: {  	s2 =	sxor.u32 $0x100, s0  }
0x8a: {  	[sflag:s23] =	ssyncadd.s32 $0xFFFFFF00;
	s24 =	smov.u32 s17;
	s25 =	sadd.s32 $0x100, s17  }
0x8b: {  	[tilespmem:s2], [sflag:$0x1] =	stream.linear.gather [hbm4b:s31+s3], $0x100, $0x38;
	[tilespmem:$0x1C400] =	vst v63  }
0x8c: {  	p0 =	sne.s32 s17, $0x2600;
	s2 =	sor.u32 $0x200, s2  }
0x8d: {  	[tilespmem:s2], [sflag:$0x1] =	stream.linear.gather [hbm4b:s30+s3], $0x100, $0x38;
	[tilespmem:$0x1C400] =	vst v63  }
0x8e: {  	_ = 	snop  }
0x8f: {  	[tilespmem:s18], [sflag:$0x2] =	stream.indirect.gather [hbm4b:s4+s19], $0x80, s0, s19, $0xb8;
	[tilespmem:$0x1C400] =	vst v63  }
0x90: {  	s2 =	sor.u32 $0x80, s0  }
0x91: {  	[tilespmem:s20], [sflag:$0x2] =	stream.indirect.gather [hbm4b:s4+s19], $0x80, s2, s19, $0xb8;
	[tilespmem:$0x1C400] =	vst v63  }
0x92: {  	_ =	swait.ge [sflag:s21], $0x4000  }
0x93: {  	[sflag:s21] =	ssyncset.done $0x0  }
0x94: {  	s2 =	sor.u32 $0x200, s0;
	[sflag:s21] =	ssyncadd.s32 $0xFFFFC000  }
0x95: {  	[spmem:s1] =	stream.indirect.scatter.add.f32 [tilespmem:s18], [sflag:$0x3], $0x80, s2, s19, $0xb8;
	[tilespmem:$0x1C400] =	vst v63  }
0x96: {  	_ =	swait.ge [sflag:s21], $0x4000  }
0x97: {  	[sflag:s21] =	ssyncset.done $0x0  }
0x98: {  	s0 =	sor.u32 $0x280, s0;
	[sflag:s21] =	ssyncadd.s32 $0xFFFFC000  }
0x99: {  	[spmem:s1] =	stream.indirect.scatter.add.f32 [tilespmem:s20], [sflag:$0x3], $0x80, s0, s19, $0xb8;
	[tilespmem:$0x1C400] =	vst v63  }
0x9a: {  	_ =	swait.ge [sflag:s22], $0x4000  }
0x9b: {  	[sflag:s22] =	ssyncset.done $0x0  }
0x9c: {  	[sflag:s22] =	ssyncadd.s32 $0xFFFFC000  }
0x9d: {  	_ =	swait.ge [sflag:s22], $0x4000  }
0x9e: {  	[sflag:s22] =	ssyncset.done $0x0  }
0x9f: {  	[sflag:s22] =	ssyncadd.s32 $0xFFFFC000  }
.Ltmp1:
0xa0: {  	_ =	swait.ge [sflag:s23], $0x100;
	(pc) =	sbr.rel @p0 .LBB2_4-.Ltmp1, $4  }
0xa1: {  	[sflag:s23] =	ssyncset.done $0x0  }
0xa2: {  	[sflag:s23] =	ssyncadd.s32 $0xFFFFFF00  }
0xa3: {  	s31 =	sadd.s32 $0x20, s31;
	s30 =	sadd.s32 $0x20, s30;
	_ =	swait.ge [sflag:s23], $0x100  }
0xa4: {  	s17 =	smov.u32 s25;
	s0 =	sand.u32 $0x100, s24;
	[sflag:s23] =	ssyncset.done $0x0  }
0xa5: {  	s2 =	sxor.u32 $0x100, s0;
	[sflag:s23] =	ssyncadd.s32 $0xFFFFFF00  }
0xa6: {  	[tilespmem:s2], [sflag:$0x1] =	stream.linear.gather [hbm4b:s31+s3], $0x100, $0x38;
	[tilespmem:$0x1C400] =	vst v63  }
0xa7: {  	s2 =	sor.u32 $0x200, s2  }
0xa8: {  	[tilespmem:s2], [sflag:$0x1] =	stream.linear.gather [hbm4b:s30+s3], $0x100, $0x38;
	[tilespmem:$0x1C400] =	vst v63  }
0xa9: {  	_ = 	snop  }
0xaa: {  	[tilespmem:s18], [sflag:$0x2] =	stream.indirect.gather [hbm4b:s4+s19], $0x80, s0, s19, $0xb8;
	[tilespmem:$0x1C400] =	vst v63  }
0xab: {  	s30 =	sor.u32 $0x80, s0  }
0xac: {  	[tilespmem:s20], [sflag:$0x2] =	stream.indirect.gather [hbm4b:s4+s19], $0x80, s30, s19, $0xb8;
	[tilespmem:$0x1C400] =	vst v63  }
0xad: {  	_ =	swait.ge [sflag:s21], $0x4000  }
0xae: {  	[sflag:s21] =	ssyncset.done $0x0  }
0xaf: {  	s31 =	sor.u32 $0x200, s0;
	[sflag:s21] =	ssyncadd.s32 $0xFFFFC000  }
0xb0: {  	[spmem:s1] =	stream.indirect.scatter.add.f32 [tilespmem:s18], [sflag:$0x3], $0x80, s31, s19, $0xb8;
	[tilespmem:$0x1C400] =	vst v63  }
0xb1: {  	_ =	swait.ge [sflag:s21], $0x4000  }
0xb2: {  	[sflag:s21] =	ssyncset.done $0x0  }
0xb3: {  	s17 =	sor.u32 $0x280, s0;
	[sflag:s21] =	ssyncadd.s32 $0xFFFFC000  }
0xb4: {  	[spmem:s1] =	stream.indirect.scatter.add.f32 [tilespmem:s20], [sflag:$0x3], $0x80, s17, s19, $0xb8;
	[tilespmem:$0x1C400] =	vst v63  }
0xb5: {  	_ =	swait.ge [sflag:s22], $0x4000  }
0xb6: {  	[sflag:s22] =	ssyncset.done $0x0  }
0xb7: {  	[sflag:s22] =	ssyncadd.s32 $0xFFFFC000  }
0xb8: {  	_ =	swait.ge [sflag:s22], $0x4000  }
0xb9: {  	[sflag:s22] =	ssyncset.done $0x0  }
0xba: {  	[sflag:s22] =	ssyncadd.s32 $0xFFFFC000  }
0xbb: {  	_ =	swait.ge [sflag:s23], $0x100  }
0xbc: {  	[sflag:s23] =	ssyncset.done $0x0  }
0xbd: {  	[sflag:s23] =	ssyncadd.s32 $0xFFFFFF00  }
0xbe: {  	_ =	swait.ge [sflag:s23], $0x100  }
0xbf: {  	[sflag:s23] =	ssyncset.done $0x0  }
0xc0: {  	s24 =	simm.s32 $0x100;
	[sflag:s23] =	ssyncadd.s32 $0xFFFFFF00  }
0xc1: {  	[tilespmem:s18], [sflag:$0x2] =	stream.indirect.gather [hbm4b:s4+s19], $0x80, s24, s19, $0xb8;
	[tilespmem:$0x1C400] =	vst v63  }
0xc2: {  	s25 =	simm.s32 $0x180  }
0xc3: {  	[tilespmem:s20], [sflag:$0x2] =	stream.indirect.gather [hbm4b:s4+s19], $0x80, s25, s19, $0xb8;
	[tilespmem:$0x1C400] =	vst v63  }
0xc4: {  	_ =	swait.ge [sflag:s21], $0x4000  }
0xc5: {  	[sflag:s21] =	ssyncset.done $0x0  }
0xc6: {  	[sflag:s21] =	ssyncadd.s32 $0xFFFFC000  }
0xc7: {  	[spmem:s1] =	stream.indirect.scatter.add.f32 [tilespmem:s18], [sflag:$0x3], $0x80, s26, s19, $0xb8;
	[tilespmem:$0x1C400] =	vst v63  }
0xc8: {  	_ =	swait.ge [sflag:s21], $0x4000  }
0xc9: {  	[sflag:s21] =	ssyncset.done $0x0  }
0xca: {  	[sflag:s21] =	ssyncadd.s32 $0xFFFFC000  }
0xcb: {  	[spmem:s1] =	stream.indirect.scatter.add.f32 [tilespmem:s20], [sflag:$0x3], $0x80, s28, s19, $0xb8;
	[tilespmem:$0x1C400] =	vst v63  }
0xcc: {  	_ =	swait.ge [sflag:s22], $0x4000  }
0xcd: {  	[sflag:s22] =	ssyncset.done $0x0  }
0xce: {  	[sflag:s22] =	ssyncadd.s32 $0xFFFFC000  }
0xcf: {  	s30 =	stileid.u32;
	_ =	swait.ge [sflag:s22], $0x4000  }
0xd0: {  	s29 =	sadd.s32 $0x1, s29;
	s0 =	sshll.u32 s30, $0x6;
	[sflag:s22] =	ssyncset.done $0x0  }
0xd1: {  	p0 =	sne.s32 s29, s7;
	s0 =	sor.u32 $0x1C04, s0;
	[sflag:s22] =	ssyncadd.s32 $0xFFFFC000  }
.Ltmp2:
0xd2: {  	s31 =	sshrl.u32 s5, $0x3;
	[bflag:$0x0] =	sbarrier.arrive $0xFFFF;
	(pc) =	sbr.rel @p0 .LBB2_1-.Ltmp2, $4  }
0xd3: {  	[hbm:s6], [sflag:s0] =	dma.local [spmem:s31], $0x2800  }
0xd4: {  	_ =	swait.ge [sflag:s16], $0x2800  }
0xd5: {  	[sflag:s16] =	ssyncset.done $0x0  }
0xd6: {  	[sflag:s16] =	ssyncadd.s32 $0xFFFFD800  }
0xd7: {  	_ =	sfence.sel $0x180000  }
0xd8: {  	[bflag:$0x0] =	sbarrier.arrive $0xFFFF  }
0xd9: {  	_ =	strace $0x9000004D  }
0xda: {  	s0 =	stileid.u32;
	[bflag:$0x2] =	sbarrier.arrive $0xFFFF  }
0xdb: {  	p0 =	sne.s32 s0, $0x0;
	s0 =	rddreg [dreg:$0x2]  }
0xdc: {  	s0 =	sadd.s32 @!p0 $0x100000, s0  }
0xdd: {  	[sflag:s0] =	ssyncadd.tile.s32 @!p0 $0x1;
	_ =	shalt  }
.Lfunc_end2:
_tile_overlayer_lowered:
.L_overlay_start_2:
0xde: {  	(tag) =	ssettag $0x2  }
0xdf: {  	s0 =	rddreg [dreg:$0x0];
	s2 =	stileid.u32  }
0xe0: {  	s1 =	rddreg [dreg:$0x1];
	p0 =	sne.s32 s2, $0x0  }
0xe1: {  	s3 =	rddreg [dreg:$0x2];
	[bflag:$0x3] =	sbarrier.arrive $0xFFFF;
	s2 =	simm.s32 @!p0 $0x1C04  }
0xe2: {  	[timem:s3], [sflag:s2] =	dma.local @!p0 [hbm:s0], s1  }
0xe3: {  	s0 =	simm.s32 @!p0 $0x4  }
0xe4: {  	_ =	swait.ge @!p0 [sflag:s0], s1  }
0xe5: {  	s1 =	ssub.s32 @!p0 $0x0, s1;
	[sflag:s0] =	ssyncset.done @!p0 $0x0  }
0xe6: {  	[sflag:s0] =	ssyncadd.s32 @!p0 s1  }
0xe7: {  	[bflag:$0x3] =	sbarrier.arrive $0xFFFF  }
0xe8: {  	_ =	shalt  }

// kernel: kernel.9.cloned.1.call-start
scs
__scs_entry_jumppad:
0x0: {  	(pc) =	sbr.rel $0x88, $3  }
0x1: {  	(tag) =	ssettag $0x0;
	lr =	simm.s32 $0x1  }
0x2: {  	[smem:$0x3F95] =	sst lr;
	_ =	strace $0xD0000000  }
0x3: {  	_ = 	snop  }
0x4: {  	_ = 	snop  }
0x5: {  	_ = 	snop  }
0x6: {  	_ = 	snop  }
0x7: {  	_ = 	snop  }
__scs_overlays_trampoline_lowered:
0x8: {  	[smem:$0x3FA4] =	sst s0  }
0x9: {  	[smem:$0x3FA5] =	sst s1  }
0xa: {  	[smem:$0x3FA6] =	sst s2  }
0xb: {  	[smem:$0x3FA7] =	sst s3  }
0xc: {  	[smem:$0x3FA8] =	sst s4  }
0xd: {  	[smem:$0x3FA9] =	sst s5  }
0xe: {  	[smem:$0x3FAA] =	sst s6  }
0xf: {  	[smem:$0x3FAB] =	sst s7  }
0x10: {  	[smem:$0x3FAC] =	sst s8  }
0x11: {  	[smem:$0x3FAD] =	sst s9;
	s0 =	simm.s32 @!p0 $0x0  }
0x12: {  	s1 =	sld [smem:$0x3F93];
	s0 =	simm.s32 @p0 $0x1  }
0x13: {  	[smem:$0x3FAE] =	sst s0;
	s0 =	simm.s32 @!p1 $0x0  }
0x14: {  	s2 =	sld [smem:$0x3F92];
	s0 =	simm.s32 @p1 $0x1  }
0x15: {  	[smem:$0x3FAF] =	sst s0;
	s0 =	simm.s32 @!p2 $0x0  }
0x16: {  	s3 =	sld [smem:$0x3FDB];
	s0 =	simm.s32 @p2 $0x1  }
0x17: {  	s4 =	simm.s32 $0x1BF5;
	[smem:$0x3FB1] =	sst s0  }
0x18: {  	s0 =	sld [smem:$0x3F94];
	_ =	swait.ge [sflag:s4], $0x0  }
0x19: {  	s7 =	sld [smem:$0x3F95]  }
0x1a: {  	s8 =	sadd.s32 $0xFFFFE003, lr  }
0x1b: {  	s9 =	sadd.s32 $0xFFFFFEF7, lr;
	s5 =	simm.s32 $0xFFFFFFFF;
	p2 =	slt.u32 s8, $0xFFFFF086  }
0x1c: {  	p1 =	slt.u32 s9, $0xF7A;
	s5 =	simm.s32 @!p2 $0x0  }
0x1d: {  	s5 =	simm.s32 @p1 $0x1;
	p0 =	seq.s32 s7, s2  }
0x1e: {  	s7 =	smul.u32 @!p0 $0xF7A, s2;
	p2 =	seq.s32 @!p0 s5, $0x0  }
0x1f: {  	s9 =	smul.u32 $0xF7A, s1;
	s8 =	simm.s32 @!p0 $0x1BF5;
	p2 =	por !p2, p0  }
0x20: {  	[sflag:s8] =	ssyncset.s32 @!p0 $0xFFFFF086;
	s6 =	sadd.s32 @!p0 s3, s7;
	s7 =	simm.s32 @!p0 $0x108  }
0x21: {  	s3 =	sadd.s32 s3, s9;
	s6 =	sadd.s32 @!p0 $0x88, s6;
	s7 =	simm.s32 @p2 $0x1082  }
0x22: {  	[simem:s7], [sflag:s8] =	dma.local @!p0 [hbm:s6], $0xF7A  }
0x23: {  	s9 =	sor.u32 $0xD0000000, s2;
	s6 =	simm.s32 $0x108;
	_ =	swait.ge @!p0 [sflag:s8], $0x0  }
0x24: {  	s3 =	sadd.s32 $0x88, s3;
	s6 =	simm.s32 @!p1 $0x1082;
	[sflag:s4] =	ssyncset.s32 $0xFFFFF086  }
0x25: {  	[simem:s6], [sflag:s4] =	dma.local [hbm:s3], $0xF7A  }
0x26: {  	[smem:$0x3F95] =	sst s1;
	(tag) =	ssettag s2;
	_ =	strace s9  }
0x27: {  	s1 =	sld [smem:$0x3FA5]  }
0x28: {  	s2 =	sld [smem:$0x3FA6]  }
0x29: {  	s4 =	sld [smem:$0x3FA8]  }
0x2a: {  	p0 =	seq.s32 s5, $0x0;
	s5 =	sld [smem:$0x3FA9]  }
0x2b: {  	s6 =	sld [smem:$0x3FAA]  }
0x2c: {  	s7 =	sld [smem:$0x3FAB]  }
0x2d: {  	s3 =	simm.s32 $0x108;
	s8 =	sld [smem:$0x3FAC]  }
0x2e: {  	s3 =	simm.s32 @!p0 $0x1082;
	s9 =	sld [smem:$0x3FAD]  }
0x2f: {  	lr =	sadd.s32 s0, s3;
	s0 =	sld [smem:$0x3FA4]  }
0x30: {  	s3 =	sld [smem:$0x3FA7]  }
0x31: {  	[smem:$0x3FB0] =	sst s10  }
0x32: {  	s10 =	sld [smem:$0x3FAE];
	_ =	sdelay $0x3  }
0x33: {  	p0 =	seq.s32 s10, $0x1;
	s10 =	sld [smem:$0x3FB0];
	_ =	sdelay $0x3  }
0x34: {  	[smem:$0x3FB0] =	sst s10  }
0x35: {  	s10 =	sld [smem:$0x3FAF];
	_ =	sdelay $0x3  }
0x36: {  	p1 =	seq.s32 s10, $0x1;
	s10 =	sld [smem:$0x3FB0];
	_ =	sdelay $0x3  }
0x37: {  	[smem:$0x3FB0] =	sst s10  }
0x38: {  	s10 =	sld [smem:$0x3FB1]  }
0x39: {  	_ = 	snop;
	(pc) =	sbr.ind lr, $3  }
0x3a: {  	_ = 	snop  }
0x3b: {  	_ = 	snop  }
0x3c: {  	p2 =	seq.s32 s10, $0x1;
	s10 =	sld [smem:$0x3FB0]  }
0x3d: {  	_ =	shalt  }
0x3e: {  	_ =	shalt  }
0x3f: {  	_ =	shalt  }
0x40: {  	_ =	shalt  }
0x41: {  	_ =	shalt  }
0x42: {  	_ =	shalt  }
0x43: {  	_ =	shalt  }
0x44: {  	_ =	shalt  }
0x45: {  	_ =	shalt  }
0x46: {  	_ =	shalt  }
0x47: {  	_ =	shalt  }
0x48: {  	_ =	shalt  }
0x49: {  	_ =	shalt  }
0x4a: {  	_ =	shalt  }
0x4b: {  	_ =	shalt  }
0x4c: {  	_ =	shalt  }
0x4d: {  	_ =	shalt  }
0x4e: {  	_ =	shalt  }
0x4f: {  	_ =	shalt  }
0x50: {  	_ =	shalt  }
0x51: {  	_ =	shalt  }
0x52: {  	_ =	shalt  }
0x53: {  	_ =	shalt  }
0x54: {  	_ =	shalt  }
0x55: {  	_ =	shalt  }
0x56: {  	_ =	shalt  }
0x57: {  	_ =	shalt  }
0x58: {  	_ =	shalt  }
0x59: {  	_ =	shalt  }
0x5a: {  	_ =	shalt  }
0x5b: {  	_ =	shalt  }
0x5c: {  	_ =	shalt  }
0x5d: {  	_ =	shalt  }
0x5e: {  	_ =	shalt  }
0x5f: {  	_ =	shalt  }
0x60: {  	_ =	shalt  }
0x61: {  	_ =	shalt  }
0x62: {  	_ =	shalt  }
0x63: {  	_ =	shalt  }
0x64: {  	_ =	shalt  }
0x65: {  	_ =	shalt  }
0x66: {  	_ =	shalt  }
0x67: {  	_ =	shalt  }
0x68: {  	_ =	shalt  }
0x69: {  	_ =	shalt  }
0x6a: {  	_ =	shalt  }
0x6b: {  	_ =	shalt  }
0x6c: {  	_ =	shalt  }
0x6d: {  	_ =	shalt  }
0x6e: {  	_ =	shalt  }
0x6f: {  	_ =	shalt  }
0x70: {  	_ =	shalt  }
0x71: {  	_ =	shalt  }
0x72: {  	_ =	shalt  }
0x73: {  	_ =	shalt  }
0x74: {  	_ =	shalt  }
0x75: {  	_ =	shalt  }
0x76: {  	_ =	shalt  }
0x77: {  	_ =	shalt  }
0x78: {  	_ =	shalt  }
0x79: {  	_ =	shalt  }
0x7a: {  	_ =	shalt  }
0x7b: {  	_ =	shalt  }
0x7c: {  	_ =	shalt  }
0x7d: {  	_ =	shalt  }
0x7e: {  	_ =	shalt  }
0x7f: {  	_ =	shalt  }
0x80: {  	_ =	shalt  }
0x81: {  	_ =	shalt  }
0x82: {  	_ =	shalt  }
0x83: {  	_ =	shalt  }
0x84: {  	_ =	shalt  }
0x85: {  	_ =	shalt  }
0x86: {  	_ =	shalt  }
0x87: {  	_ =	shalt  }
.Lfunc_end0:
.L_simem_size_0:
called_computation_lowered:
.L_overlay_start_0:
0x88: {  	s2 =	sld [smem:$0x3FD9]  }
0x89: {  	s3 =	sld [smem:$0x3FFE];
	_ =	sdelay $0x1  }
0x8a: {  	s1 =	srdreg.scid  }
0x8b: {  	s0 =	sand.u32 $0x1, s1  }
0x8c: {  	s16 =	sshll.u32 s0, $0xA;
	s2 =	sadd.s32 s3, s2  }
0x8d: {  	s2 =	sadd.s32 s2, s16  }
0x8e: {  	[smem:$0x3FBC] =	sst s2  }
0x8f: {  	_ = 	snop  }
0x90: {  	(tm) =	ssettm $0x1  }
0x91: {  	s17 =	sld [smem:$0x3FFB];
	_ =	sdelay $0x3  }
0x92: {  	_ =	strace s17  }
0x93: {  	s2 =	sld [smem:$0x3FFC];
	_ =	sdelay $0x3  }
0x94: {  	_ =	strace s2  }
0x95: {  	s2 =	sld [smem:$0x3FFD];
	_ =	sdelay $0x3  }
0x96: {  	_ =	strace s2  }
0x97: {  	_ =	strace $0x8FFFFFFF  }
0x98: {  	s18 =	sld [smem:$0x3FDB];
	_ =	sdelay $0x1  }
0x99: {  	s19 =	simm.s32 $_scs_section_size  }
0x9a: {  	s4 =	simm.s32 $_size__tile_overlayer_lowered;
	s5 =	simm.s32 $_tile_overlayer_lowered  }
0x9b: {  	s22 =	simm.s32 $0x1BFF;
	s21 =	sshll.u32 s5, $0x1;
	s2 =	sadd.s32 s19, s18  }
0x9c: {  	s6 =	simm.s32 $0x0;
	s20 =	sshll.u32 s4, $0x1;
	s4 =	sadd.s32 s21, s2  }
0x9d: {  	[timem:s6], [sflag:s22] =	dma.local [hbm:s4], s20  }
0x9e: {  	_ =	swait.ge [sflag:s22], s20  }
0x9f: {  	s3 =	ssub.s32 $0x0, s20;
	[sflag:s22] =	ssyncset.done $0x0  }
0xa0: {  	[sflag:s22] =	ssyncadd.s32 s3;
	_ =	sdelay $0x1  }
0xa1: {  	s23 =	simm.s32 $0x1B8B  }
0xa2: {  	_ =	swait.ge [sflag:s23], $0x1  }
0xa3: {  	[sflag:s23] =	ssyncset.done $0x0  }
0xa4: {  	s25 =	simm.s32 $0x1B8E;
	s24 =	sld [smem:$0x3FFE];
	[sflag:s23] =	ssyncadd.s32 $0xFFFFFFFF  }
0xa5: {  	s26 =	simm.s32 $execute0_lowered;
	[smem:$0x3FD2] =	sst s25  }
0xa6: {  	s4 =	sshll.u32 s26, $0x1;
	_ =	strace $0x80000046;
	[dreg:$0x1] =	wrdreg $0xFFFFFFFF  }
0xa7: {  	s28 =	simm.s32 $_size_execute0_lowered;
	s2 =	sadd.s32 s2, s4;
	[dreg:$0x0] =	wrdreg $0x0  }
0xa8: {  	s4 =	sshll.u32 s28, $0x1;
	[dreg:$0x2] =	wrdreg s2  }
0xa9: {  	[dreg:$0x3] =	wrdreg s4  }
0xaa: {  	[dreg:$0x4] =	wrdreg $0xC0  }
0xab: {  	_ =	task [dreg:s6], $0x5FFFF  }
0xac: {  	[dreg:$0x1] =	wrdreg $0xFFFFFFFF  }
0xad: {  	[dreg:$0x0] =	wrdreg $0x60  }
0xae: {  	[dreg:$0x2] =	wrdreg s24  }
0xaf: {  	[dreg:$0x3] =	wrdreg $0x9  }
0xb0: {  	_ =	task.clear_ibuf [dreg:s6], $0x4FFFF;
	_ =	strace $0x90000046  }
0xb1: {  	s29 =	simm.s32 $0x9;
	_ =	strace $0x80000048  }
0xb2: {  	_ =	swait.ge [sflag:s29], $0x1  }
0xb3: {  	[sflag:s29] =	ssyncadd.s32 $0xFFFFFFFF  }
0xb4: {  	_ =	strace $0x90000048  }
0xb5: {  	_ =	sfence  }
0xb6: {  	s30 =	sld [smem:$0x0];
	_ =	sdelay $0x2  }
0xb7: {  	s31 =	sshll.u32 s1, $0xD;
	s1 =	sshrl.u32 s1, $0x2  }
0xb8: {  	s3 =	sand.u32 $0x4000, s31;
	s1 =	sadd.s32 s1, s30  }
0xb9: {  	s0 =	sor.u32 s3, s0;
	s1 =	sshll.u32 s1, $0x11  }
0xba: {  	s0 =	sor.u32 s1, s0  }
0xbb: {  	s0 =	sadd.s32 $0x8F2B, s0  }
0xbc: {  	[sflag:s0] =	ssyncadd.remote.s32 $0x1  }
0xbd: {  	_ =	sfence.sel $0xFFFF  }
0xbe: {  	[dreg:$0x0] =	wrdreg $0xFFFFFFFF;
	(pc) =	sbr.abs _section_cstart, $3  }
0xbf: {  	[dreg:$0x1] =	wrdreg $0xFFFFFFFF  }
0xc0: {  	_ =	task.clear_ibuf [dreg:s6], $0x2FFFF;
	_ =	strace $0x9FFFFFFF  }
0xc1: {  	(tm) =	ssettm $0x7FFFFFFF  }
tec
execute0_lowered:
.L_overlay_start_1:
0x0: {  	(tag) =	ssettag $0x1  }
0x1: {  	s0 =	srdreg.scid  }
0x2: {  	s3 =	sand.u32 $0x1, s0  }
0x3: {  	s4 =	rddreg [dreg:$0x0];
	s0 =	stileid.u32;
	s1 =	sshll.u32 s3, $0x4  }
0x4: {  	s2 =	simm.s32 $0x0;
	s8 =	simm.s32 $0x0;
	s5 =	sor.u32 s0, s1  }
0x5: {  	[smem:$0x7FF] =	sst s2;
	s3 =	ssub.s32 $0x2, s3;
	s6 =	smul.u32 $0x2800, s5  }
0x6: {  	s1 =	rddreg [dreg:$0x1];
	s7 =	sshrl.u32 s3, $0x1;
	s5 =	smul.u32 $0x500, s5  }
0x7: {  	_ =	strace $0x80000047;
	s31 =	ssub.s32 s3, s7;
	s7 =	simm.s32 $0x14000  }
0x8: {  	s6 =	sadd.s32 s6, s4;
	s4 =	sadd.s32 s5, s4;
	s5 =	smax.u32 s31, $0x1  }
0x9: {  	v0 =	vimm.f32 $0.0e+00;
	v1 =	vimm.f32 $1.000000000e+00;
	s3 =	sadd.s32 $0x3A00, s6;
	s4 =	sadd.s32 $0x53A00, s4;
	s6 =	simm.s32 $0x1  }
.LBB2_1:
0xa: {  	[tilespmem:s2], [sflag:$0x1] =	stream.linear.gather [hbm4b:s3+s2], $0x14000, $0x38;
	[tilespmem:$0x16800] =	vst v63  }
0xb: {  	_ =	swait.ge [sflag:s6], $0x14000  }
0xc: {  	[sflag:s6] =	ssyncset.done $0x0  }
0xd: {  	s9 =	simm.s32 $0x0;
	[sflag:s6] =	ssyncadd.s32 $0xFFFEC000  }
.LBB2_2:
0xe: {  	p0 =	sne.s32 s9, $0x9FC0  }
.Ltmp0:
0xf: {  	_ = 	snop;
	(pc) =	sbr.rel @p0 .LBB2_2-.Ltmp0, $3  }
0x10: {  	_ =	sdelay $0x1  }
0x11: {  	s10 =	sshra.s32 s9, $0x2  }
0x12: {  	s9 =	sadd.s32 $0x40, s9;
	[tilespmem:s10+$0x14000] =	vst v0  }
0x13: {  	s10 =	simm.s32 $0x0;
	s9 =	simm.s32 $0x200  }
.LBB2_4:
0x14: {  	p0 =	sne.s32 s9, $0x4FE00;
	v2 =	vld [tilespmem:s10+$0x0];
	_ =	sdelay $0x3  }
.Ltmp1:
0x15: {  	(pc) =	sbr.rel @p0 .LBB2_4-.Ltmp1, $2  }
0x16: {  	_ =	sdelay $0x2  }
0x17: {  	s10 =	sshra.s32 s9, $0x2;
	s9 =	sadd.s32 $0x200, s9;
	[tilespmem:v2+s7+$0x0] =	vst.idx.add.f32.msk $0xffff, v1  }
0x18: {  	v2 =	vld [tilespmem:s10+$0x0];
	_ =	sdelay $0x5  }
0x19: {  	s8 =	sadd.s32 $0x1, s8  }
0x1a: {  	p0 =	sne.s32 s8, s5  }
.Ltmp2:
0x1b: {  	[tilespmem:v2+s7+$0x0] =	vst.idx.add.f32.msk $0xffff, v1;
	(pc) =	sbr.rel @p0 .LBB2_1-.Ltmp2, $4  }
0x1c: {  	[hbm4b:s4+s2] =	stream.linear.scatter [tilespmem:s7], [sflag:$0x1], $0x2800, $0x38;
	[tilespmem:$0x16800] =	vst v63  }
0x1d: {  	_ =	swait.ge [sflag:s6], $0x2800  }
0x1e: {  	[sflag:s6] =	ssyncset.done $0x0  }
0x1f: {  	[sflag:s6] =	ssyncadd.s32 $0xFFFFD800  }
0x20: {  	_ =	sfence.sel $0x180000  }
0x21: {  	[bflag:$0x0] =	sbarrier.arrive $0xFFFF  }
0x22: {  	p0 =	sne.s32 s0, $0x0;
	_ =	strace $0x90000047  }
0x23: {  	s0 =	sadd.s32 @!p0 $0x100000, s1;
	[bflag:$0x2] =	sbarrier.arrive $0xFFFF  }
0x24: {  	[sflag:s0] =	ssyncadd.tile.s32 @!p0 $0x1;
	_ =	shalt  }
.Lfunc_end2:
_tile_overlayer_lowered:
.L_overlay_start_2:
0x25: {  	(tag) =	ssettag $0x2  }
0x26: {  	s0 =	rddreg [dreg:$0x0];
	s2 =	stileid.u32  }
0x27: {  	s1 =	rddreg [dreg:$0x1];
	p0 =	sne.s32 s2, $0x0  }
0x28: {  	s3 =	rddreg [dreg:$0x2];
	[bflag:$0x3] =	sbarrier.arrive $0xFFFF;
	s2 =	simm.s32 @!p0 $0x1C01  }
0x29: {  	[timem:s3], [sflag:s2] =	dma.local @!p0 [hbm:s0], s1  }
0x2a: {  	s0 =	simm.s32 @!p0 $0x1  }
0x2b: {  	_ =	swait.ge @!p0 [sflag:s0], s1  }
0x2c: {  	s1 =	ssub.s32 @!p0 $0x0, s1;
	[sflag:s0] =	ssyncset.done @!p0 $0x0  }
0x2d: {  	[sflag:s0] =	ssyncadd.s32 @!p0 s1  }
0x2e: {  	[bflag:$0x3] =	sbarrier.arrive $0xFFFF  }
0x2f: {  	_ =	shalt  }

</sc_bundles>
